<compile_context>
chip_gen: v7x
topology: tpu7x:2x2x1
jax: 0.10.2.dev20260603
libtpu: 0.0.44.dev20260713+nightly
codegen_flags: <defaults>
</compile_context>

<pallas_src>
import functools

import jax
import jax.numpy as jnp
from jax import lax
from jax.experimental import pallas as pl
from jax.experimental.pallas import tpu as pltpu
from jax.experimental.pallas import tpu_sc as plsc

VOCAB = 1000000
DIM = 64
BATCH = 4096
SEQ = 200
N_TOK = BATCH * SEQ
LN_EPS = 1e-5

NUM_CORES = 2
NUM_SUBCORES = 16
NW = NUM_CORES * NUM_SUBCORES
PER_W = N_TOK // NW
CHUNK = 1024
K_IDX = CHUNK // 128
N_STEPS = PER_W // CHUNK
UNROLL = 16


def _rsqrt(x):
    i = plsc.bitcast(x, jnp.int32)
    i = jnp.int32(0x5F3759DF) - (i >> 1)
    y = plsc.bitcast(i, jnp.float32)
    xh = x * jnp.float32(0.5)
    for _ in range(3):
        y = y * (jnp.float32(1.5) - xh * y * y)
    return y


def _body(ids_hbm, table_hbm, gamma_hbm, beta_hbm, out_hbm,
          idx_v, rows_v, gvm, bvm, sem):
    wid = lax.axis_index("s") * NUM_CORES + lax.axis_index("c")
    base = wid * PER_W

    pltpu.sync_copy(gamma_hbm, gvm)
    pltpu.sync_copy(beta_hbm, bvm)
    gs = [gvm[pl.ds(16 * cg, 16)] for cg in range(4)]
    bs = [bvm[pl.ds(16 * cg, 16)] for cg in range(4)]

    def step(g, _):
        row0 = base + g * CHUNK
        idx_row0 = pl.multiple_of(row0 // 128, 8)
        pltpu.sync_copy(ids_hbm.at[pl.ds(idx_row0, K_IDX)], idx_v)
        copies = []
        for j in range(K_IDX):
            copies.append(
                pltpu.async_copy(
                    table_hbm.at[idx_v.at[j]],
                    rows_v.at[pl.ds(j * 128, 128)],
                    sem,
                ))
        for cp in copies:
            cp.wait()

        def norm(it, _):
            r0 = it * UNROLL
            for u in range(UNROLL):
                r = r0 + u
                v = [rows_v[r, pl.ds(16 * cg, 16)] for cg in range(4)]
                s = (v[0] + v[1]) + (v[2] + v[3])
                q = (v[0] * v[0] + v[1] * v[1]) + (v[2] * v[2] + v[3] * v[3])
                tot = jnp.sum(s)
                tot2 = jnp.sum(q)
                mean = tot * jnp.float32(1.0 / DIM)
                ex2 = tot2 * jnp.float32(1.0 / DIM)
                var = ex2 - mean * mean
                mean_b = jnp.full((16,), mean, jnp.float32)
                rstd_b = _rsqrt(jnp.full((16,), var + jnp.float32(LN_EPS),
                                         jnp.float32))
                for cg in range(4):
                    o = (v[cg] - mean_b) * rstd_b * gs[cg] + bs[cg]
                    rows_v[r, pl.ds(16 * cg, 16)] = o
            return _

        lax.fori_loop(0, CHUNK // UNROLL, norm, 0)

        pltpu.sync_copy(rows_v, out_hbm.at[pl.ds(row0, CHUNK)])
        return _

    lax.fori_loop(0, N_STEPS, step, 0)


def _run(ids2d, table, gamma, beta):
    mesh = plsc.VectorSubcoreMesh(core_axis_name="c", subcore_axis_name="s")
    k = functools.partial(
        pl.kernel,
        mesh=mesh,
        compiler_params=pltpu.CompilerParams(
            needs_layout_passes=False, use_tc_tiling_on_sc=False
        ),
        out_type=jax.ShapeDtypeStruct((N_TOK, DIM), jnp.float32),
        scratch_types=[
            pltpu.VMEM((K_IDX, 128), jnp.int32),
            pltpu.VMEM((CHUNK, DIM), jnp.float32),
            pltpu.VMEM((DIM,), jnp.float32),
            pltpu.VMEM((DIM,), jnp.float32),
            pltpu.SemaphoreType.DMA,
        ],
    )(_body)
    return k(ids2d, table, gamma, beta)


def kernel(input_ids, table, gamma, beta):
    ids2d = input_ids.reshape(-1).astype(jnp.int32).reshape(N_TOK // 128, 128)
    out = _run(ids2d, table, gamma, beta)
    return out.reshape(BATCH, SEQ, DIM)

# --- scband reference (transcript-rebuilt; emitter-appended) ---
"""Pipeline reference for scband-embedding-layer-80152679678773 (READ-ONLY COPY).

The authoritative reference and input builder live on the scoring server;
editing this copy changes nothing except your own understanding.
"""

import jax, jax.numpy as jnp
import numpy as np

VOCAB = 1000000
DIM = 64
B = 4096
L = 200
PADDING_IDX = 0
LN_EPS = 1e-5


def setup_inputs(seed: int = 0) -> dict:
    key = jax.random.key(seed)
    k_ids, k_tab = jax.random.split(key)
    input_ids = jax.random.randint(k_ids, (B, L), 0, VOCAB, dtype=jnp.int64 if jax.config.read('jax_enable_x64') else jnp.int32)
    # xavier_uniform init for the embedding table
    bound = float(np.sqrt(6.0 / (VOCAB + DIM)))
    table = jax.random.uniform(k_tab, (VOCAB, DIM), dtype=jnp.float32, minval=-bound, maxval=bound)
    table = table.at[PADDING_IDX].set(0.0)  # padding row zeroed, as in __init__
    gamma = jnp.ones((DIM,), dtype=jnp.float32)   # LayerNorm weight
    beta = jnp.zeros((DIM,), dtype=jnp.float32)   # LayerNorm bias
    return {"input_ids": input_ids, "table": table, "gamma": gamma, "beta": beta}


def reference(input_ids, table, gamma, beta):
    # word_embeddings(input_ids): gather rows of the table
    emb = jnp.take(table, input_ids, axis=0)          # [B, L, DIM]
    # LayerNorm over last dim (eps=1e-5, elementwise affine)
    mean = jnp.mean(emb, axis=-1, keepdims=True)
    var = jnp.mean((emb - mean) ** 2, axis=-1, keepdims=True)
    normed = (emb - mean) / jnp.sqrt(var + LN_EPS)
    out = normed * gamma + beta
    # dropout(p=0.1) is identity at inference time
    return out

if __name__ == "__main__":
    import jax
    _d = setup_inputs()
    print(jax.jit(kernel)(*tuple(_d.values())))

</pallas_src>

<mosaic_0001>
#map = affine_map<(d0, d1) -> (0, 0)>
#map1 = affine_map<(d0, d1) -> (0)>
module attributes {stable_mosaic.version = 14 : i64} {
  func.func @_body(%arg0: i32, %arg1: i32, %arg2: memref<6400x128xi32, #tpu.memory_space<hbm>>, %arg3: memref<1000000x64xf32, #tpu.memory_space<hbm>>, %arg4: memref<64xf32, #tpu.memory_space<hbm>>, %arg5: memref<64xf32, #tpu.memory_space<hbm>>, %arg6: memref<819200x64xf32, #tpu.memory_space<hbm>>, %arg7: memref<8x128xi32, #tpu.memory_space<vmem>>, %arg8: memref<1024x64xf32, #tpu.memory_space<vmem>>, %arg9: memref<64xf32, #tpu.memory_space<vmem>>, %arg10: memref<64xf32, #tpu.memory_space<vmem>>, %arg11: memref<!tpu.dma_semaphore, #tpu.memory_space<semaphore_mem>>) attributes {dimension_semantics = [#tpu.dimension_semantics<core_parallel>, #tpu.dimension_semantics<subcore_parallel>], iteration_bounds = array<i64: 2, 16>, scalar_prefetch = 0 : i64, scratch_operands = 5 : i64, tpu.core_type = #tpu.core_type<sc_vector_subcore>, window_params = [{transform_indices = #map}, {transform_indices = #map}, {transform_indices = #map1}, {transform_indices = #map1}, {transform_indices = #map}]} {
    %mul3A = arith.constant 2 : i32
    %mul3A_0 = arith.muli %arg1, %mul3A : i32
    %add3A = arith.addi %mul3A_0, %arg0 : i32
    %mul3A_1 = arith.constant 25600 : i32
    %mul3A_2 = arith.muli %add3A, %mul3A_1 : i32
    "tpu.region"() ({
      %run_scoped3A = tpu.sem_alloc : memref<!tpu.dma_semaphore, #tpu.memory_space<semaphore_mem>>
      tpu.enqueue_dma source(%arg4 : memref<64xf32, #tpu.memory_space<hbm>>) target(%arg9 : memref<64xf32, #tpu.memory_space<vmem>>) target_semaphore(%run_scoped3A : memref<!tpu.dma_semaphore, #tpu.memory_space<semaphore_mem>>)
      tpu.wait_dma2 semaphore(%run_scoped3A : memref<!tpu.dma_semaphore, #tpu.memory_space<semaphore_mem>>) src(%arg4 : memref<64xf32, #tpu.memory_space<hbm>>) dst(%arg9 : memref<64xf32, #tpu.memory_space<vmem>>)
      tpu.yield
    }) : () -> ()
    "tpu.region"() ({
      %run_scoped3A = tpu.sem_alloc : memref<!tpu.dma_semaphore, #tpu.memory_space<semaphore_mem>>
      tpu.enqueue_dma source(%arg5 : memref<64xf32, #tpu.memory_space<hbm>>) target(%arg10 : memref<64xf32, #tpu.memory_space<vmem>>) target_semaphore(%run_scoped3A : memref<!tpu.dma_semaphore, #tpu.memory_space<semaphore_mem>>)
      tpu.wait_dma2 semaphore(%run_scoped3A : memref<!tpu.dma_semaphore, #tpu.memory_space<semaphore_mem>>) src(%arg5 : memref<64xf32, #tpu.memory_space<hbm>>) dst(%arg10 : memref<64xf32, #tpu.memory_space<vmem>>)
      tpu.yield
    }) : () -> ()
    %get3A = arith.constant 0 : index
    %get3A_3 = tpu.vector_load %arg9[%get3A] {strides = array<i32>} : memref<64xf32, #tpu.memory_space<vmem>>, vector<16xf32>,
    %get3A_4 = arith.constant 16 : index
    %get3A_5 = tpu.vector_load %arg9[%get3A_4] {strides = array<i32>} : memref<64xf32, #tpu.memory_space<vmem>>, vector<16xf32>,
    %get3A_6 = arith.constant 32 : index
    %get3A_7 = tpu.vector_load %arg9[%get3A_6] {strides = array<i32>} : memref<64xf32, #tpu.memory_space<vmem>>, vector<16xf32>,
    %get3A_8 = arith.constant 48 : index
    %get3A_9 = tpu.vector_load %arg9[%get3A_8] {strides = array<i32>} : memref<64xf32, #tpu.memory_space<vmem>>, vector<16xf32>,
    %get3A_10 = arith.constant 0 : index
    %get3A_11 = tpu.vector_load %arg10[%get3A_10] {strides = array<i32>} : memref<64xf32, #tpu.memory_space<vmem>>, vector<16xf32>,
    %get3A_12 = arith.constant 16 : index
    %get3A_13 = tpu.vector_load %arg10[%get3A_12] {strides = array<i32>} : memref<64xf32, #tpu.memory_space<vmem>>, vector<16xf32>,
    %get3A_14 = arith.constant 32 : index
    %get3A_15 = tpu.vector_load %arg10[%get3A_14] {strides = array<i32>} : memref<64xf32, #tpu.memory_space<vmem>>, vector<16xf32>,
    %get3A_16 = arith.constant 48 : index
    %get3A_17 = tpu.vector_load %arg10[%get3A_16] {strides = array<i32>} : memref<64xf32, #tpu.memory_space<vmem>>, vector<16xf32>,
    %scan3A = arith.constant 0 : i32
    %scan3A_18 = arith.constant 0 : i32
    %scan3A_19 = arith.constant 25 : i32
    %scan3A_20 = arith.addi %scan3A_18, %scan3A_19 : i32
    %scan3A_21 = arith.constant 1 : i32
    scf.for %scan3A_23 = %scan3A_18 to %scan3A_20 step %scan3A_21  : i32 {
      %mul3A_24 = arith.constant 1024 : i32
      %mul3A_25 = arith.muli %scan3A_23, %mul3A_24 : i32
      %add3A_26 = arith.addi %mul3A_2, %mul3A_25 : i32
      %jit3A = arith.constant 128 : i32
      %div3A = arith.divsi %add3A_26, %jit3A : i32
      %sign3A = arith.constant 0 : i32
      %sign3A_27 = arith.cmpi sgt, %add3A_26, %sign3A : i32
      %sign3A_28 = arith.extui %sign3A_27 : i1 to i32
      %sign3A_29 = arith.constant 0 : i32
      %sign3A_30 = arith.cmpi slt, %add3A_26, %sign3A_29 : i32
      %sign3A_31 = arith.extui %sign3A_30 : i1 to i32
      %sign3A_32 = arith.subi %sign3A_28, %sign3A_31 : i32
      %sign3A_33 = arith.constant 0 : i32
      %sign3A_34 = arith.cmpi sgt, %jit3A, %sign3A_33 : i32
      %sign3A_35 = arith.extui %sign3A_34 : i1 to i32
      %sign3A_36 = arith.constant 0 : i32
      %sign3A_37 = arith.cmpi slt, %jit3A, %sign3A_36 : i32
      %sign3A_38 = arith.extui %sign3A_37 : i1 to i32
      %sign3A_39 = arith.subi %sign3A_35, %sign3A_38 : i32
      %ne3A = arith.cmpi ne, %sign3A_32, %sign3A_39 : i32
      %rem3A = arith.remsi %add3A_26, %jit3A : i32
      %ne3A_40 = arith.constant 0 : i32
      %ne3A_41 = arith.cmpi ne, %rem3A, %ne3A_40 : i32
      %and3A = arith.andi %ne3A, %ne3A_41 : i1
      %sub3A = arith.constant 1 : i32
      %sub3A_42 = arith.subi %div3A, %sub3A : i32
      %select_n3A = arith.select %and3A, %sub3A_42, %div3A : i32
      %multiple_of3A = tpu.assume_multiple %select_n3A, 8 : i32
      "tpu.region"() ({
        %run_scoped3A = tpu.sem_alloc : memref<!tpu.dma_semaphore, #tpu.memory_space<semaphore_mem>>
        %dma_start3A_207 = arith.constant 0 : i32
        %dma_start3A_208 = tpu.memref_slice %arg2[%multiple_of3A, %dma_start3A_207] : memref<6400x128xi32, #tpu.memory_space<hbm>> -> memref<8x128xi32, #tpu.memory_space<hbm>>
        %dma_start3A_209 = arith.constant 0 : i32
        %dma_start3A_210 = tpu.memref_slice %arg2[%multiple_of3A, %dma_start3A_209] : memref<6400x128xi32, #tpu.memory_space<hbm>> -> memref<8x128xi32, #tpu.memory_space<hbm>>
        tpu.enqueue_dma source(%dma_start3A_210 : memref<8x128xi32, #tpu.memory_space<hbm>>) target(%arg7 : memref<8x128xi32, #tpu.memory_space<vmem>>) target_semaphore(%run_scoped3A : memref<!tpu.dma_semaphore, #tpu.memory_space<semaphore_mem>>)
        %dma_wait3A_211 = arith.constant 0 : i32
        %dma_wait3A_212 = tpu.memref_slice %arg2[%multiple_of3A, %dma_wait3A_211] : memref<6400x128xi32, #tpu.memory_space<hbm>> -> memref<8x128xi32, #tpu.memory_space<hbm>>
        %dma_wait3A_213 = arith.constant 0 : i32
        %dma_wait3A_214 = tpu.memref_slice %arg2[%multiple_of3A, %dma_wait3A_213] : memref<6400x128xi32, #tpu.memory_space<hbm>> -> memref<8x128xi32, #tpu.memory_space<hbm>>
        tpu.wait_dma2 semaphore(%run_scoped3A : memref<!tpu.dma_semaphore, #tpu.memory_space<semaphore_mem>>) src(%dma_wait3A_214 : memref<8x128xi32, #tpu.memory_space<hbm>>) dst(%arg7 : memref<8x128xi32, #tpu.memory_space<vmem>>)
        tpu.yield
      }) : () -> ()
      %dma_start3A = arith.constant 0 : i32
      %dma_start3A_43 = arith.constant 0 : i32
      %dma_start3A_44 = arith.constant 0 : i32
      %dma_start3A_45 = tpu.memref_slice %arg8[%dma_start3A_43, %dma_start3A_44] : memref<1024x64xf32, #tpu.memory_space<vmem>> -> memref<128x64xf32, #tpu.memory_space<vmem>>
      %dma_start3A_46 = arith.constant 0 : i32
      %dma_start3A_47 = tpu.memref_slice %arg7[%dma_start3A, %dma_start3A_46] : memref<8x128xi32, #tpu.memory_space<vmem>> -> memref<1x128xi32, #tpu.memory_space<vmem>>
      %dma_start3A_48 = tpu.memref_squeeze %dma_start3A_47 : memref<1x128xi32, #tpu.memory_space<vmem>> -> memref<128xi32, #tpu.memory_space<vmem>>
      %dma_start3A_49 = arith.constant 0 : i32
      %dma_start3A_50 = arith.constant 0 : i32
      %dma_start3A_51 = tpu.memref_slice %arg3[%dma_start3A_49, %dma_start3A_50] : memref<1000000x64xf32, #tpu.memory_space<hbm>> -> memref<1000000x64xf32, #tpu.memory_space<hbm>>
      tpu.enqueue_indirect_dma source(%dma_start3A_51 : memref<1000000x64xf32, #tpu.memory_space<hbm>>) target(%dma_start3A_45 : memref<128x64xf32, #tpu.memory_space<vmem>>) offsets(%dma_start3A_48 : memref<128xi32, #tpu.memory_space<vmem>>) semaphore(%arg11 : memref<!tpu.dma_semaphore, #tpu.memory_space<semaphore_mem>>)
      %dma_start3A_52 = arith.constant 1 : i32
      %dma_start3A_53 = arith.constant 128 : i32
      %dma_start3A_54 = arith.constant 0 : i32
      %dma_start3A_55 = tpu.memref_slice %arg8[%dma_start3A_53, %dma_start3A_54] : memref<1024x64xf32, #tpu.memory_space<vmem>> -> memref<128x64xf32, #tpu.memory_space<vmem>>
      %dma_start3A_56 = arith.constant 0 : i32
      %dma_start3A_57 = tpu.memref_slice %arg7[%dma_start3A_52, %dma_start3A_56] : memref<8x128xi32, #tpu.memory_space<vmem>> -> memref<1x128xi32, #tpu.memory_space<vmem>>
      %dma_start3A_58 = tpu.memref_squeeze %dma_start3A_57 : memref<1x128xi32, #tpu.memory_space<vmem>> -> memref<128xi32, #tpu.memory_space<vmem>>
      %dma_start3A_59 = arith.constant 0 : i32
      %dma_start3A_60 = arith.constant 0 : i32
      %dma_start3A_61 = tpu.memref_slice %arg3[%dma_start3A_59, %dma_start3A_60] : memref<1000000x64xf32, #tpu.memory_space<hbm>> -> memref<1000000x64xf32, #tpu.memory_space<hbm>>
      tpu.enqueue_indirect_dma source(%dma_start3A_61 : memref<1000000x64xf32, #tpu.memory_space<hbm>>) target(%dma_start3A_55 : memref<128x64xf32, #tpu.memory_space<vmem>>) offsets(%dma_start3A_58 : memref<128xi32, #tpu.memory_space<vmem>>) semaphore(%arg11 : memref<!tpu.dma_semaphore, #tpu.memory_space<semaphore_mem>>)
      %dma_start3A_62 = arith.constant 2 : i32
      %dma_start3A_63 = arith.constant 256 : i32
      %dma_start3A_64 = arith.constant 0 : i32
      %dma_start3A_65 = tpu.memref_slice %arg8[%dma_start3A_63, %dma_start3A_64] : memref<1024x64xf32, #tpu.memory_space<vmem>> -> memref<128x64xf32, #tpu.memory_space<vmem>>
      %dma_start3A_66 = arith.constant 0 : i32
      %dma_start3A_67 = tpu.memref_slice %arg7[%dma_start3A_62, %dma_start3A_66] : memref<8x128xi32, #tpu.memory_space<vmem>> -> memref<1x128xi32, #tpu.memory_space<vmem>>
      %dma_start3A_68 = tpu.memref_squeeze %dma_start3A_67 : memref<1x128xi32, #tpu.memory_space<vmem>> -> memref<128xi32, #tpu.memory_space<vmem>>
      %dma_start3A_69 = arith.constant 0 : i32
      %dma_start3A_70 = arith.constant 0 : i32
      %dma_start3A_71 = tpu.memref_slice %arg3[%dma_start3A_69, %dma_start3A_70] : memref<1000000x64xf32, #tpu.memory_space<hbm>> -> memref<1000000x64xf32, #tpu.memory_space<hbm>>
      tpu.enqueue_indirect_dma source(%dma_start3A_71 : memref<1000000x64xf32, #tpu.memory_space<hbm>>) target(%dma_start3A_65 : memref<128x64xf32, #tpu.memory_space<vmem>>) offsets(%dma_start3A_68 : memref<128xi32, #tpu.memory_space<vmem>>) semaphore(%arg11 : memref<!tpu.dma_semaphore, #tpu.memory_space<semaphore_mem>>)
      %dma_start3A_72 = arith.constant 3 : i32
      %dma_start3A_73 = arith.constant 384 : i32
      %dma_start3A_74 = arith.constant 0 : i32
      %dma_start3A_75 = tpu.memref_slice %arg8[%dma_start3A_73, %dma_start3A_74] : memref<1024x64xf32, #tpu.memory_space<vmem>> -> memref<128x64xf32, #tpu.memory_space<vmem>>
      %dma_start3A_76 = arith.constant 0 : i32
      %dma_start3A_77 = tpu.memref_slice %arg7[%dma_start3A_72, %dma_start3A_76] : memref<8x128xi32, #tpu.memory_space<vmem>> -> memref<1x128xi32, #tpu.memory_space<vmem>>
      %dma_start3A_78 = tpu.memref_squeeze %dma_start3A_77 : memref<1x128xi32, #tpu.memory_space<vmem>> -> memref<128xi32, #tpu.memory_space<vmem>>
      %dma_start3A_79 = arith.constant 0 : i32
      %dma_start3A_80 = arith.constant 0 : i32
      %dma_start3A_81 = tpu.memref_slice %arg3[%dma_start3A_79, %dma_start3A_80] : memref<1000000x64xf32, #tpu.memory_space<hbm>> -> memref<1000000x64xf32, #tpu.memory_space<hbm>>
      tpu.enqueue_indirect_dma source(%dma_start3A_81 : memref<1000000x64xf32, #tpu.memory_space<hbm>>) target(%dma_start3A_75 : memref<128x64xf32, #tpu.memory_space<vmem>>) offsets(%dma_start3A_78 : memref<128xi32, #tpu.memory_space<vmem>>) semaphore(%arg11 : memref<!tpu.dma_semaphore, #tpu.memory_space<semaphore_mem>>)
      %dma_start3A_82 = arith.constant 4 : i32
      %dma_start3A_83 = arith.constant 512 : i32
      %dma_start3A_84 = arith.constant 0 : i32
      %dma_start3A_85 = tpu.memref_slice %arg8[%dma_start3A_83, %dma_start3A_84] : memref<1024x64xf32, #tpu.memory_space<vmem>> -> memref<128x64xf32, #tpu.memory_space<vmem>>
      %dma_start3A_86 = arith.constant 0 : i32
      %dma_start3A_87 = tpu.memref_slice %arg7[%dma_start3A_82, %dma_start3A_86] : memref<8x128xi32, #tpu.memory_space<vmem>> -> memref<1x128xi32, #tpu.memory_space<vmem>>
      %dma_start3A_88 = tpu.memref_squeeze %dma_start3A_87 : memref<1x128xi32, #tpu.memory_space<vmem>> -> memref<128xi32, #tpu.memory_space<vmem>>
      %dma_start3A_89 = arith.constant 0 : i32
      %dma_start3A_90 = arith.constant 0 : i32
      %dma_start3A_91 = tpu.memref_slice %arg3[%dma_start3A_89, %dma_start3A_90] : memref<1000000x64xf32, #tpu.memory_space<hbm>> -> memref<1000000x64xf32, #tpu.memory_space<hbm>>
      tpu.enqueue_indirect_dma source(%dma_start3A_91 : memref<1000000x64xf32, #tpu.memory_space<hbm>>) target(%dma_start3A_85 : memref<128x64xf32, #tpu.memory_space<vmem>>) offsets(%dma_start3A_88 : memref<128xi32, #tpu.memory_space<vmem>>) semaphore(%arg11 : memref<!tpu.dma_semaphore, #tpu.memory_space<semaphore_mem>>)
      %dma_start3A_92 = arith.constant 5 : i32
      %dma_start3A_93 = arith.constant 640 : i32
      %dma_start3A_94 = arith.constant 0 : i32
      %dma_start3A_95 = tpu.memref_slice %arg8[%dma_start3A_93, %dma_start3A_94] : memref<1024x64xf32, #tpu.memory_space<vmem>> -> memref<128x64xf32, #tpu.memory_space<vmem>>
      %dma_start3A_96 = arith.constant 0 : i32
      %dma_start3A_97 = tpu.memref_slice %arg7[%dma_start3A_92, %dma_start3A_96] : memref<8x128xi32, #tpu.memory_space<vmem>> -> memref<1x128xi32, #tpu.memory_space<vmem>>
      %dma_start3A_98 = tpu.memref_squeeze %dma_start3A_97 : memref<1x128xi32, #tpu.memory_space<vmem>> -> memref<128xi32, #tpu.memory_space<vmem>>
      %dma_start3A_99 = arith.constant 0 : i32
      %dma_start3A_100 = arith.constant 0 : i32
      %dma_start3A_101 = tpu.memref_slice %arg3[%dma_start3A_99, %dma_start3A_100] : memref<1000000x64xf32, #tpu.memory_space<hbm>> -> memref<1000000x64xf32, #tpu.memory_space<hbm>>
      tpu.enqueue_indirect_dma source(%dma_start3A_101 : memref<1000000x64xf32, #tpu.memory_space<hbm>>) target(%dma_start3A_95 : memref<128x64xf32, #tpu.memory_space<vmem>>) offsets(%dma_start3A_98 : memref<128xi32, #tpu.memory_space<vmem>>) semaphore(%arg11 : memref<!tpu.dma_semaphore, #tpu.memory_space<semaphore_mem>>)
      %dma_start3A_102 = arith.constant 6 : i32
      %dma_start3A_103 = arith.constant 768 : i32
      %dma_start3A_104 = arith.constant 0 : i32
      %dma_start3A_105 = tpu.memref_slice %arg8[%dma_start3A_103, %dma_start3A_104] : memref<1024x64xf32, #tpu.memory_space<vmem>> -> memref<128x64xf32, #tpu.memory_space<vmem>>
      %dma_start3A_106 = arith.constant 0 : i32
      %dma_start3A_107 = tpu.memref_slice %arg7[%dma_start3A_102, %dma_start3A_106] : memref<8x128xi32, #tpu.memory_space<vmem>> -> memref<1x128xi32, #tpu.memory_space<vmem>>
      %dma_start3A_108 = tpu.memref_squeeze %dma_start3A_107 : memref<1x128xi32, #tpu.memory_space<vmem>> -> memref<128xi32, #tpu.memory_space<vmem>>
      %dma_start3A_109 = arith.constant 0 : i32
      %dma_start3A_110 = arith.constant 0 : i32
      %dma_start3A_111 = tpu.memref_slice %arg3[%dma_start3A_109, %dma_start3A_110] : memref<1000000x64xf32, #tpu.memory_space<hbm>> -> memref<1000000x64xf32, #tpu.memory_space<hbm>>
      tpu.enqueue_indirect_dma source(%dma_start3A_111 : memref<1000000x64xf32, #tpu.memory_space<hbm>>) target(%dma_start3A_105 : memref<128x64xf32, #tpu.memory_space<vmem>>) offsets(%dma_start3A_108 : memref<128xi32, #tpu.memory_space<vmem>>) semaphore(%arg11 : memref<!tpu.dma_semaphore, #tpu.memory_space<semaphore_mem>>)
      %dma_start3A_112 = arith.constant 7 : i32
      %dma_start3A_113 = arith.constant 896 : i32
      %dma_start3A_114 = arith.constant 0 : i32
      %dma_start3A_115 = tpu.memref_slice %arg8[%dma_start3A_113, %dma_start3A_114] : memref<1024x64xf32, #tpu.memory_space<vmem>> -> memref<128x64xf32, #tpu.memory_space<vmem>>
      %dma_start3A_116 = arith.constant 0 : i32
      %dma_start3A_117 = tpu.memref_slice %arg7[%dma_start3A_112, %dma_start3A_116] : memref<8x128xi32, #tpu.memory_space<vmem>> -> memref<1x128xi32, #tpu.memory_space<vmem>>
      %dma_start3A_118 = tpu.memref_squeeze %dma_start3A_117 : memref<1x128xi32, #tpu.memory_space<vmem>> -> memref<128xi32, #tpu.memory_space<vmem>>
      %dma_start3A_119 = arith.constant 0 : i32
      %dma_start3A_120 = arith.constant 0 : i32
      %dma_start3A_121 = tpu.memref_slice %arg3[%dma_start3A_119, %dma_start3A_120] : memref<1000000x64xf32, #tpu.memory_space<hbm>> -> memref<1000000x64xf32, #tpu.memory_space<hbm>>
      tpu.enqueue_indirect_dma source(%dma_start3A_121 : memref<1000000x64xf32, #tpu.memory_space<hbm>>) target(%dma_start3A_115 : memref<128x64xf32, #tpu.memory_space<vmem>>) offsets(%dma_start3A_118 : memref<128xi32, #tpu.memory_space<vmem>>) semaphore(%arg11 : memref<!tpu.dma_semaphore, #tpu.memory_space<semaphore_mem>>)
      %dma_wait3A = arith.constant 0 : i32
      %dma_wait3A_122 = arith.constant 0 : i32
      %dma_wait3A_123 = arith.constant 0 : i32
      %dma_wait3A_124 = tpu.memref_slice %arg8[%dma_wait3A_122, %dma_wait3A_123] : memref<1024x64xf32, #tpu.memory_space<vmem>> -> memref<128x64xf32, #tpu.memory_space<vmem>>
      %dma_wait3A_125 = arith.constant 0 : i32
      %dma_wait3A_126 = tpu.memref_slice %arg7[%dma_wait3A, %dma_wait3A_125] : memref<8x128xi32, #tpu.memory_space<vmem>> -> memref<1x128xi32, #tpu.memory_space<vmem>>
      %dma_wait3A_127 = tpu.memref_squeeze %dma_wait3A_126 : memref<1x128xi32, #tpu.memory_space<vmem>> -> memref<128xi32, #tpu.memory_space<vmem>>
      %dma_wait3A_128 = arith.constant 0 : i32
      %dma_wait3A_129 = arith.constant 0 : i32
      %dma_wait3A_130 = tpu.memref_slice %arg3[%dma_wait3A_128, %dma_wait3A_129] : memref<1000000x64xf32, #tpu.memory_space<hbm>> -> memref<1000000x64xf32, #tpu.memory_space<hbm>>
      tpu.wait_indirect_dma semaphore(%arg11 : memref<!tpu.dma_semaphore, #tpu.memory_space<semaphore_mem>>) src(%dma_wait3A_130 : memref<1000000x64xf32, #tpu.memory_space<hbm>>) dst(%dma_wait3A_124 : memref<128x64xf32, #tpu.memory_space<vmem>>)
      %dma_wait3A_131 = arith.constant 1 : i32
      %dma_wait3A_132 = arith.constant 128 : i32
      %dma_wait3A_133 = arith.constant 0 : i32
      %dma_wait3A_134 = tpu.memref_slice %arg8[%dma_wait3A_132, %dma_wait3A_133] : memref<1024x64xf32, #tpu.memory_space<vmem>> -> memref<128x64xf32, #tpu.memory_space<vmem>>
      %dma_wait3A_135 = arith.constant 0 : i32
      %dma_wait3A_136 = tpu.memref_slice %arg7[%dma_wait3A_131, %dma_wait3A_135] : memref<8x128xi32, #tpu.memory_space<vmem>> -> memref<1x128xi32, #tpu.memory_space<vmem>>
      %dma_wait3A_137 = tpu.memref_squeeze %dma_wait3A_136 : memref<1x128xi32, #tpu.memory_space<vmem>> -> memref<128xi32, #tpu.memory_space<vmem>>
      %dma_wait3A_138 = arith.constant 0 : i32
      %dma_wait3A_139 = arith.constant 0 : i32
      %dma_wait3A_140 = tpu.memref_slice %arg3[%dma_wait3A_138, %dma_wait3A_139] : memref<1000000x64xf32, #tpu.memory_space<hbm>> -> memref<1000000x64xf32, #tpu.memory_space<hbm>>
      tpu.wait_indirect_dma semaphore(%arg11 : memref<!tpu.dma_semaphore, #tpu.memory_space<semaphore_mem>>) src(%dma_wait3A_140 : memref<1000000x64xf32, #tpu.memory_space<hbm>>) dst(%dma_wait3A_134 : memref<128x64xf32, #tpu.memory_space<vmem>>)
      %dma_wait3A_141 = arith.constant 2 : i32
      %dma_wait3A_142 = arith.constant 256 : i32
      %dma_wait3A_143 = arith.constant 0 : i32
      %dma_wait3A_144 = tpu.memref_slice %arg8[%dma_wait3A_142, %dma_wait3A_143] : memref<1024x64xf32, #tpu.memory_space<vmem>> -> memref<128x64xf32, #tpu.memory_space<vmem>>
      %dma_wait3A_145 = arith.constant 0 : i32
      %dma_wait3A_146 = tpu.memref_slice %arg7[%dma_wait3A_141, %dma_wait3A_145] : memref<8x128xi32, #tpu.memory_space<vmem>> -> memref<1x128xi32, #tpu.memory_space<vmem>>
      %dma_wait3A_147 = tpu.memref_squeeze %dma_wait3A_146 : memref<1x128xi32, #tpu.memory_space<vmem>> -> memref<128xi32, #tpu.memory_space<vmem>>
      %dma_wait3A_148 = arith.constant 0 : i32
      %dma_wait3A_149 = arith.constant 0 : i32
      %dma_wait3A_150 = tpu.memref_slice %arg3[%dma_wait3A_148, %dma_wait3A_149] : memref<1000000x64xf32, #tpu.memory_space<hbm>> -> memref<1000000x64xf32, #tpu.memory_space<hbm>>
      tpu.wait_indirect_dma semaphore(%arg11 : memref<!tpu.dma_semaphore, #tpu.memory_space<semaphore_mem>>) src(%dma_wait3A_150 : memref<1000000x64xf32, #tpu.memory_space<hbm>>) dst(%dma_wait3A_144 : memref<128x64xf32, #tpu.memory_space<vmem>>)
      %dma_wait3A_151 = arith.constant 3 : i32
      %dma_wait3A_152 = arith.constant 384 : i32
      %dma_wait3A_153 = arith.constant 0 : i32
      %dma_wait3A_154 = tpu.memref_slice %arg8[%dma_wait3A_152, %dma_wait3A_153] : memref<1024x64xf32, #tpu.memory_space<vmem>> -> memref<128x64xf32, #tpu.memory_space<vmem>>
      %dma_wait3A_155 = arith.constant 0 : i32
      %dma_wait3A_156 = tpu.memref_slice %arg7[%dma_wait3A_151, %dma_wait3A_155] : memref<8x128xi32, #tpu.memory_space<vmem>> -> memref<1x128xi32, #tpu.memory_space<vmem>>
      %dma_wait3A_157 = tpu.memref_squeeze %dma_wait3A_156 : memref<1x128xi32, #tpu.memory_space<vmem>> -> memref<128xi32, #tpu.memory_space<vmem>>
      %dma_wait3A_158 = arith.constant 0 : i32
      %dma_wait3A_159 = arith.constant 0 : i32
      %dma_wait3A_160 = tpu.memref_slice %arg3[%dma_wait3A_158, %dma_wait3A_159] : memref<1000000x64xf32, #tpu.memory_space<hbm>> -> memref<1000000x64xf32, #tpu.memory_space<hbm>>
      tpu.wait_indirect_dma semaphore(%arg11 : memref<!tpu.dma_semaphore, #tpu.memory_space<semaphore_mem>>) src(%dma_wait3A_160 : memref<1000000x64xf32, #tpu.memory_space<hbm>>) dst(%dma_wait3A_154 : memref<128x64xf32, #tpu.memory_space<vmem>>)
      %dma_wait3A_161 = arith.constant 4 : i32
      %dma_wait3A_162 = arith.constant 512 : i32
      %dma_wait3A_163 = arith.constant 0 : i32
      %dma_wait3A_164 = tpu.memref_slice %arg8[%dma_wait3A_162, %dma_wait3A_163] : memref<1024x64xf32, #tpu.memory_space<vmem>> -> memref<128x64xf32, #tpu.memory_space<vmem>>
      %dma_wait3A_165 = arith.constant 0 : i32
      %dma_wait3A_166 = tpu.memref_slice %arg7[%dma_wait3A_161, %dma_wait3A_165] : memref<8x128xi32, #tpu.memory_space<vmem>> -> memref<1x128xi32, #tpu.memory_space<vmem>>
      %dma_wait3A_167 = tpu.memref_squeeze %dma_wait3A_166 : memref<1x128xi32, #tpu.memory_space<vmem>> -> memref<128xi32, #tpu.memory_space<vmem>>
      %dma_wait3A_168 = arith.constant 0 : i32
      %dma_wait3A_169 = arith.constant 0 : i32
      %dma_wait3A_170 = tpu.memref_slice %arg3[%dma_wait3A_168, %dma_wait3A_169] : memref<1000000x64xf32, #tpu.memory_space<hbm>> -> memref<1000000x64xf32, #tpu.memory_space<hbm>>
      tpu.wait_indirect_dma semaphore(%arg11 : memref<!tpu.dma_semaphore, #tpu.memory_space<semaphore_mem>>) src(%dma_wait3A_170 : memref<1000000x64xf32, #tpu.memory_space<hbm>>) dst(%dma_wait3A_164 : memref<128x64xf32, #tpu.memory_space<vmem>>)
      %dma_wait3A_171 = arith.constant 5 : i32
      %dma_wait3A_172 = arith.constant 640 : i32
      %dma_wait3A_173 = arith.constant 0 : i32
      %dma_wait3A_174 = tpu.memref_slice %arg8[%dma_wait3A_172, %dma_wait3A_173] : memref<1024x64xf32, #tpu.memory_space<vmem>> -> memref<128x64xf32, #tpu.memory_space<vmem>>
      %dma_wait3A_175 = arith.constant 0 : i32
      %dma_wait3A_176 = tpu.memref_slice %arg7[%dma_wait3A_171, %dma_wait3A_175] : memref<8x128xi32, #tpu.memory_space<vmem>> -> memref<1x128xi32, #tpu.memory_space<vmem>>
      %dma_wait3A_177 = tpu.memref_squeeze %dma_wait3A_176 : memref<1x128xi32, #tpu.memory_space<vmem>> -> memref<128xi32, #tpu.memory_space<vmem>>
      %dma_wait3A_178 = arith.constant 0 : i32
      %dma_wait3A_179 = arith.constant 0 : i32
      %dma_wait3A_180 = tpu.memref_slice %arg3[%dma_wait3A_178, %dma_wait3A_179] : memref<1000000x64xf32, #tpu.memory_space<hbm>> -> memref<1000000x64xf32, #tpu.memory_space<hbm>>
      tpu.wait_indirect_dma semaphore(%arg11 : memref<!tpu.dma_semaphore, #tpu.memory_space<semaphore_mem>>) src(%dma_wait3A_180 : memref<1000000x64xf32, #tpu.memory_space<hbm>>) dst(%dma_wait3A_174 : memref<128x64xf32, #tpu.memory_space<vmem>>)
      %dma_wait3A_181 = arith.constant 6 : i32
      %dma_wait3A_182 = arith.constant 768 : i32
      %dma_wait3A_183 = arith.constant 0 : i32
      %dma_wait3A_184 = tpu.memref_slice %arg8[%dma_wait3A_182, %dma_wait3A_183] : memref<1024x64xf32, #tpu.memory_space<vmem>> -> memref<128x64xf32, #tpu.memory_space<vmem>>
      %dma_wait3A_185 = arith.constant 0 : i32
      %dma_wait3A_186 = tpu.memref_slice %arg7[%dma_wait3A_181, %dma_wait3A_185] : memref<8x128xi32, #tpu.memory_space<vmem>> -> memref<1x128xi32, #tpu.memory_space<vmem>>
      %dma_wait3A_187 = tpu.memref_squeeze %dma_wait3A_186 : memref<1x128xi32, #tpu.memory_space<vmem>> -> memref<128xi32, #tpu.memory_space<vmem>>
      %dma_wait3A_188 = arith.constant 0 : i32
      %dma_wait3A_189 = arith.constant 0 : i32
      %dma_wait3A_190 = tpu.memref_slice %arg3[%dma_wait3A_188, %dma_wait3A_189] : memref<1000000x64xf32, #tpu.memory_space<hbm>> -> memref<1000000x64xf32, #tpu.memory_space<hbm>>
      tpu.wait_indirect_dma semaphore(%arg11 : memref<!tpu.dma_semaphore, #tpu.memory_space<semaphore_mem>>) src(%dma_wait3A_190 : memref<1000000x64xf32, #tpu.memory_space<hbm>>) dst(%dma_wait3A_184 : memref<128x64xf32, #tpu.memory_space<vmem>>)
      %dma_wait3A_191 = arith.constant 7 : i32
      %dma_wait3A_192 = arith.constant 896 : i32
      %dma_wait3A_193 = arith.constant 0 : i32
      %dma_wait3A_194 = tpu.memref_slice %arg8[%dma_wait3A_192, %dma_wait3A_193] : memref<1024x64xf32, #tpu.memory_space<vmem>> -> memref<128x64xf32, #tpu.memory_space<vmem>>
      %dma_wait3A_195 = arith.constant 0 : i32
      %dma_wait3A_196 = tpu.memref_slice %arg7[%dma_wait3A_191, %dma_wait3A_195] : memref<8x128xi32, #tpu.memory_space<vmem>> -> memref<1x128xi32, #tpu.memory_space<vmem>>
      %dma_wait3A_197 = tpu.memref_squeeze %dma_wait3A_196 : memref<1x128xi32, #tpu.memory_space<vmem>> -> memref<128xi32, #tpu.memory_space<vmem>>
      %dma_wait3A_198 = arith.constant 0 : i32
      %dma_wait3A_199 = arith.constant 0 : i32
      %dma_wait3A_200 = tpu.memref_slice %arg3[%dma_wait3A_198, %dma_wait3A_199] : memref<1000000x64xf32, #tpu.memory_space<hbm>> -> memref<1000000x64xf32, #tpu.memory_space<hbm>>
      tpu.wait_indirect_dma semaphore(%arg11 : memref<!tpu.dma_semaphore, #tpu.memory_space<semaphore_mem>>) src(%dma_wait3A_200 : memref<1000000x64xf32, #tpu.memory_space<hbm>>) dst(%dma_wait3A_194 : memref<128x64xf32, #tpu.memory_space<vmem>>)
      %scan3A_201 = arith.constant 0 : i32
      %scan3A_202 = arith.constant 0 : i32
      %scan3A_203 = arith.constant 64 : i32
      %scan3A_204 = arith.addi %scan3A_202, %scan3A_203 : i32
      %scan3A_205 = arith.constant 1 : i32
      scf.for %scan3A_207 = %scan3A_202 to %scan3A_204 step %scan3A_205  : i32 {
        %mul3A_208 = arith.constant 16 : i32
        %mul3A_209 = arith.muli %scan3A_207, %mul3A_208 : i32
        %add3A_210 = arith.constant 0 : i32
        %add3A_211 = arith.addi %mul3A_209, %add3A_210 : i32
        %get3A_212 = arith.index_cast %add3A_211 : i32 to index
        %get3A_213 = arith.constant 0 : index
        %get3A_214 = tpu.vector_load %arg8[%get3A_212, %get3A_213] {strides = array<i32>} : memref<1024x64xf32, #tpu.memory_space<vmem>>, vector<16xf32>,
        %get3A_215 = arith.index_cast %add3A_211 : i32 to index
        %get3A_216 = arith.constant 16 : index
        %get3A_217 = tpu.vector_load %arg8[%get3A_215, %get3A_216] {strides = array<i32>} : memref<1024x64xf32, #tpu.memory_space<vmem>>, vector<16xf32>,
        %get3A_218 = arith.index_cast %add3A_211 : i32 to index
        %get3A_219 = arith.constant 32 : index
        %get3A_220 = tpu.vector_load %arg8[%get3A_218, %get3A_219] {strides = array<i32>} : memref<1024x64xf32, #tpu.memory_space<vmem>>, vector<16xf32>,
        %get3A_221 = arith.index_cast %add3A_211 : i32 to index
        %get3A_222 = arith.constant 48 : index
        %get3A_223 = tpu.vector_load %arg8[%get3A_221, %get3A_222] {strides = array<i32>} : memref<1024x64xf32, #tpu.memory_space<vmem>>, vector<16xf32>,
        %add3A_224 = arith.addf %get3A_214, %get3A_217 : vector<16xf32>
        %add3A_225 = arith.addf %get3A_220, %get3A_223 : vector<16xf32>
        %add3A_226 = arith.addf %add3A_224, %add3A_225 : vector<16xf32>
        %mul3A_227 = arith.mulf %get3A_214, %get3A_214 : vector<16xf32>
        %mul3A_228 = arith.mulf %get3A_217, %get3A_217 : vector<16xf32>
        %add3A_229 = arith.addf %mul3A_227, %mul3A_228 : vector<16xf32>
        %mul3A_230 = arith.mulf %get3A_220, %get3A_220 : vector<16xf32>
        %mul3A_231 = arith.mulf %get3A_223, %get3A_223 : vector<16xf32>
        %add3A_232 = arith.addf %mul3A_230, %mul3A_231 : vector<16xf32>
        %add3A_233 = arith.addf %add3A_229, %add3A_232 : vector<16xf32>
        %reduce_sum3A = arith.constant true
        %reduce_sum3A_234 = vector.broadcast %reduce_sum3A : i1 to vector<16xi1>
        %reduce_sum3A_235 = tpu.scan <sum>, %add3A_226 masked %reduce_sum3A_234 : vector<16xf32>, vector<16xi1> -> vector<16xf32>
        %reduce_sum3A_236 = vector.extract %reduce_sum3A_235[15] : f32 from vector<16xf32>
        %reduce_sum3A_237 = arith.constant true
        %reduce_sum3A_238 = vector.broadcast %reduce_sum3A_237 : i1 to vector<16xi1>
        %reduce_sum3A_239 = tpu.scan <sum>, %add3A_233 masked %reduce_sum3A_238 : vector<16xf32>, vector<16xi1> -> vector<16xf32>
        %reduce_sum3A_240 = vector.extract %reduce_sum3A_239[15] : f32 from vector<16xf32>
        %mul3A_241 = arith.constant 1.562500e-02 : f32
        %mul3A_242 = arith.mulf %reduce_sum3A_236, %mul3A_241 : f32
        %mul3A_243 = arith.constant 1.562500e-02 : f32
        %mul3A_244 = arith.mulf %reduce_sum3A_240, %mul3A_243 : f32
        %mul3A_245 = arith.mulf %mul3A_242, %mul3A_242 : f32
        %sub3A_246 = arith.subf %mul3A_244, %mul3A_245 : f32
        %broadcast_in_dim3A = vector.broadcast %mul3A_242 : f32 to vector<16xf32>
        %add3A_247 = arith.constant 9.99999974E-6 : f32
        %add3A_248 = arith.addf %sub3A_246, %add3A_247 : f32
        %broadcast_in_dim3A_249 = vector.broadcast %add3A_248 : f32 to vector<16xf32>
        %bitcast3A = vector.bitcast %broadcast_in_dim3A_249 : vector<16xf32> to vector<16xi32>
        %shift_right_arithmetic3A = arith.constant 1 : i32
        %shift_right_arithmetic3A_250 = vector.broadcast %shift_right_arithmetic3A : i32 to vector<16xi32>
        %shift_right_arithmetic3A_251 = arith.shrsi %bitcast3A, %shift_right_arithmetic3A_250 : vector<16xi32>
        %sub3A_252 = arith.constant 1597463007 : i32
        %sub3A_253 = vector.broadcast %sub3A_252 : i32 to vector<16xi32>
        %sub3A_254 = arith.subi %sub3A_253, %shift_right_arithmetic3A_251 : vector<16xi32>
        %bitcast3A_255 = vector.bitcast %sub3A_254 : vector<16xi32> to vector<16xf32>
        %mul3A_256 = arith.constant 5.000000e-01 : f32
        %mul3A_257 = vector.broadcast %mul3A_256 : f32 to vector<16xf32>
        %mul3A_258 = arith.mulf %broadcast_in_dim3A_249, %mul3A_257 : vector<16xf32>
        %mul3A_259 = arith.mulf %mul3A_258, %bitcast3A_255 : vector<16xf32>
        %mul3A_260 = arith.mulf %mul3A_259, %bitcast3A_255 : vector<16xf32>
        %sub3A_261 = arith.constant 1.500000e+00 : f32
        %sub3A_262 = vector.broadcast %sub3A_261 : f32 to vector<16xf32>
        %sub3A_263 = arith.subf %sub3A_262, %mul3A_260 : vector<16xf32>
        %mul3A_264 = arith.mulf %bitcast3A_255, %sub3A_263 : vector<16xf32>
        %mul3A_265 = arith.mulf %mul3A_258, %mul3A_264 : vector<16xf32>
        %mul3A_266 = arith.mulf %mul3A_265, %mul3A_264 : vector<16xf32>
        %sub3A_267 = arith.constant 1.500000e+00 : f32
        %sub3A_268 = vector.broadcast %sub3A_267 : f32 to vector<16xf32>
        %sub3A_269 = arith.subf %sub3A_268, %mul3A_266 : vector<16xf32>
        %mul3A_270 = arith.mulf %mul3A_264, %sub3A_269 : vector<16xf32>
        %mul3A_271 = arith.mulf %mul3A_258, %mul3A_270 : vector<16xf32>
        %mul3A_272 = arith.mulf %mul3A_271, %mul3A_270 : vector<16xf32>
        %sub3A_273 = arith.constant 1.500000e+00 : f32
        %sub3A_274 = vector.broadcast %sub3A_273 : f32 to vector<16xf32>
        %sub3A_275 = arith.subf %sub3A_274, %mul3A_272 : vector<16xf32>
        %mul3A_276 = arith.mulf %mul3A_270, %sub3A_275 : vector<16xf32>
        %sub3A_277 = arith.subf %get3A_214, %broadcast_in_dim3A : vector<16xf32>
        %mul3A_278 = arith.mulf %sub3A_277, %mul3A_276 : vector<16xf32>
        %mul3A_279 = arith.mulf %mul3A_278, %get3A_3 : vector<16xf32>
        %add3A_280 = arith.addf %mul3A_279, %get3A_11 : vector<16xf32>
        %swap3A = arith.index_cast %add3A_211 : i32 to index
        %swap3A_281 = arith.constant 0 : index
        %swap3A_282 = tpu.vector_load %arg8[%swap3A, %swap3A_281] {strides = array<i32>} : memref<1024x64xf32, #tpu.memory_space<vmem>>, vector<16xf32>,
        tpu.vector_store %arg8[%swap3A, %swap3A_281], %add3A_280 {strides = array<i32>} : memref<1024x64xf32, #tpu.memory_space<vmem>>, vector<16xf32>,
        %sub3A_283 = arith.subf %get3A_217, %broadcast_in_dim3A : vector<16xf32>
        %mul3A_284 = arith.mulf %sub3A_283, %mul3A_276 : vector<16xf32>
        %mul3A_285 = arith.mulf %mul3A_284, %get3A_5 : vector<16xf32>
        %add3A_286 = arith.addf %mul3A_285, %get3A_13 : vector<16xf32>
        %swap3A_287 = arith.index_cast %add3A_211 : i32 to index
        %swap3A_288 = arith.constant 16 : index
        %swap3A_289 = tpu.vector_load %arg8[%swap3A_287, %swap3A_288] {strides = array<i32>} : memref<1024x64xf32, #tpu.memory_space<vmem>>, vector<16xf32>,
        tpu.vector_store %arg8[%swap3A_287, %swap3A_288], %add3A_286 {strides = array<i32>} : memref<1024x64xf32, #tpu.memory_space<vmem>>, vector<16xf32>,
        %sub3A_290 = arith.subf %get3A_220, %broadcast_in_dim3A : vector<16xf32>
        %mul3A_291 = arith.mulf %sub3A_290, %mul3A_276 : vector<16xf32>
        %mul3A_292 = arith.mulf %mul3A_291, %get3A_7 : vector<16xf32>
        %add3A_293 = arith.addf %mul3A_292, %get3A_15 : vector<16xf32>
        %swap3A_294 = arith.index_cast %add3A_211 : i32 to index
        %swap3A_295 = arith.constant 32 : index
        %swap3A_296 = tpu.vector_load %arg8[%swap3A_294, %swap3A_295] {strides = array<i32>} : memref<1024x64xf32, #tpu.memory_space<vmem>>, vector<16xf32>,
        tpu.vector_store %arg8[%swap3A_294, %swap3A_295], %add3A_293 {strides = array<i32>} : memref<1024x64xf32, #tpu.memory_space<vmem>>, vector<16xf32>,
        %sub3A_297 = arith.subf %get3A_223, %broadcast_in_dim3A : vector<16xf32>
        %mul3A_298 = arith.mulf %sub3A_297, %mul3A_276 : vector<16xf32>
        %mul3A_299 = arith.mulf %mul3A_298, %get3A_9 : vector<16xf32>
        %add3A_300 = arith.addf %mul3A_299, %get3A_17 : vector<16xf32>
        %swap3A_301 = arith.index_cast %add3A_211 : i32 to index
        %swap3A_302 = arith.constant 48 : index
        %swap3A_303 = tpu.vector_load %arg8[%swap3A_301, %swap3A_302] {strides = array<i32>} : memref<1024x64xf32, #tpu.memory_space<vmem>>, vector<16xf32>,
        tpu.vector_store %arg8[%swap3A_301, %swap3A_302], %add3A_300 {strides = array<i32>} : memref<1024x64xf32, #tpu.memory_space<vmem>>, vector<16xf32>,
        %add3A_304 = arith.constant 1 : i32
        %add3A_305 = arith.addi %mul3A_209, %add3A_304 : i32
        %get3A_306 = arith.index_cast %add3A_305 : i32 to index
        %get3A_307 = arith.constant 0 : index
        %get3A_308 = tpu.vector_load %arg8[%get3A_306, %get3A_307] {strides = array<i32>} : memref<1024x64xf32, #tpu.memory_space<vmem>>, vector<16xf32>,
        %get3A_309 = arith.index_cast %add3A_305 : i32 to index
        %get3A_310 = arith.constant 16 : index
        %get3A_311 = tpu.vector_load %arg8[%get3A_309, %get3A_310] {strides = array<i32>} : memref<1024x64xf32, #tpu.memory_space<vmem>>, vector<16xf32>,
        %get3A_312 = arith.index_cast %add3A_305 : i32 to index
        %get3A_313 = arith.constant 32 : index
        %get3A_314 = tpu.vector_load %arg8[%get3A_312, %get3A_313] {strides = array<i32>} : memref<1024x64xf32, #tpu.memory_space<vmem>>, vector<16xf32>,
        %get3A_315 = arith.index_cast %add3A_305 : i32 to index
        %get3A_316 = arith.constant 48 : index
        %get3A_317 = tpu.vector_load %arg8[%get3A_315, %get3A_316] {strides = array<i32>} : memref<1024x64xf32, #tpu.memory_space<vmem>>, vector<16xf32>,
        %add3A_318 = arith.addf %get3A_308, %get3A_311 : vector<16xf32>
        %add3A_319 = arith.addf %get3A_314, %get3A_317 : vector<16xf32>
        %add3A_320 = arith.addf %add3A_318, %add3A_319 : vector<16xf32>
        %mul3A_321 = arith.mulf %get3A_308, %get3A_308 : vector<16xf32>
        %mul3A_322 = arith.mulf %get3A_311, %get3A_311 : vector<16xf32>
        %add3A_323 = arith.addf %mul3A_321, %mul3A_322 : vector<16xf32>
        %mul3A_324 = arith.mulf %get3A_314, %get3A_314 : vector<16xf32>
        %mul3A_325 = arith.mulf %get3A_317, %get3A_317 : vector<16xf32>
        %add3A_326 = arith.addf %mul3A_324, %mul3A_325 : vector<16xf32>
        %add3A_327 = arith.addf %add3A_323, %add3A_326 : vector<16xf32>
        %reduce_sum3A_328 = arith.constant true
        %reduce_sum3A_329 = vector.broadcast %reduce_sum3A_328 : i1 to vector<16xi1>
        %reduce_sum3A_330 = tpu.scan <sum>, %add3A_320 masked %reduce_sum3A_329 : vector<16xf32>, vector<16xi1> -> vector<16xf32>
        %reduce_sum3A_331 = vector.extract %reduce_sum3A_330[15] : f32 from vector<16xf32>
        %reduce_sum3A_332 = arith.constant true
        %reduce_sum3A_333 = vector.broadcast %reduce_sum3A_332 : i1 to vector<16xi1>
        %reduce_sum3A_334 = tpu.scan <sum>, %add3A_327 masked %reduce_sum3A_333 : vector<16xf32>, vector<16xi1> -> vector<16xf32>
        %reduce_sum3A_335 = vector.extract %reduce_sum3A_334[15] : f32 from vector<16xf32>
        %mul3A_336 = arith.constant 1.562500e-02 : f32
        %mul3A_337 = arith.mulf %reduce_sum3A_331, %mul3A_336 : f32
        %mul3A_338 = arith.constant 1.562500e-02 : f32
        %mul3A_339 = arith.mulf %reduce_sum3A_335, %mul3A_338 : f32
        %mul3A_340 = arith.mulf %mul3A_337, %mul3A_337 : f32
        %sub3A_341 = arith.subf %mul3A_339, %mul3A_340 : f32
        %broadcast_in_dim3A_342 = vector.broadcast %mul3A_337 : f32 to vector<16xf32>
        %add3A_343 = arith.constant 9.99999974E-6 : f32
        %add3A_344 = arith.addf %sub3A_341, %add3A_343 : f32
        %broadcast_in_dim3A_345 = vector.broadcast %add3A_344 : f32 to vector<16xf32>
        %bitcast3A_346 = vector.bitcast %broadcast_in_dim3A_345 : vector<16xf32> to vector<16xi32>
        %shift_right_arithmetic3A_347 = arith.constant 1 : i32
        %shift_right_arithmetic3A_348 = vector.broadcast %shift_right_arithmetic3A_347 : i32 to vector<16xi32>
        %shift_right_arithmetic3A_349 = arith.shrsi %bitcast3A_346, %shift_right_arithmetic3A_348 : vector<16xi32>
        %sub3A_350 = arith.constant 1597463007 : i32
        %sub3A_351 = vector.broadcast %sub3A_350 : i32 to vector<16xi32>
        %sub3A_352 = arith.subi %sub3A_351, %shift_right_arithmetic3A_349 : vector<16xi32>
        %bitcast3A_353 = vector.bitcast %sub3A_352 : vector<16xi32> to vector<16xf32>
        %mul3A_354 = arith.constant 5.000000e-01 : f32
        %mul3A_355 = vector.broadcast %mul3A_354 : f32 to vector<16xf32>
        %mul3A_356 = arith.mulf %broadcast_in_dim3A_345, %mul3A_355 : vector<16xf32>
        %mul3A_357 = arith.mulf %mul3A_356, %bitcast3A_353 : vector<16xf32>
        %mul3A_358 = arith.mulf %mul3A_357, %bitcast3A_353 : vector<16xf32>
        %sub3A_359 = arith.constant 1.500000e+00 : f32
        %sub3A_360 = vector.broadcast %sub3A_359 : f32 to vector<16xf32>
        %sub3A_361 = arith.subf %sub3A_360, %mul3A_358 : vector<16xf32>
        %mul3A_362 = arith.mulf %bitcast3A_353, %sub3A_361 : vector<16xf32>
        %mul3A_363 = arith.mulf %mul3A_356, %mul3A_362 : vector<16xf32>
        %mul3A_364 = arith.mulf %mul3A_363, %mul3A_362 : vector<16xf32>
        %sub3A_365 = arith.constant 1.500000e+00 : f32
        %sub3A_366 = vector.broadcast %sub3A_365 : f32 to vector<16xf32>
        %sub3A_367 = arith.subf %sub3A_366, %mul3A_364 : vector<16xf32>
        %mul3A_368 = arith.mulf %mul3A_362, %sub3A_367 : vector<16xf32>
        %mul3A_369 = arith.mulf %mul3A_356, %mul3A_368 : vector<16xf32>
        %mul3A_370 = arith.mulf %mul3A_369, %mul3A_368 : vector<16xf32>
        %sub3A_371 = arith.constant 1.500000e+00 : f32
        %sub3A_372 = vector.broadcast %sub3A_371 : f32 to vector<16xf32>
        %sub3A_373 = arith.subf %sub3A_372, %mul3A_370 : vector<16xf32>
        %mul3A_374 = arith.mulf %mul3A_368, %sub3A_373 : vector<16xf32>
        %sub3A_375 = arith.subf %get3A_308, %broadcast_in_dim3A_342 : vector<16xf32>
        %mul3A_376 = arith.mulf %sub3A_375, %mul3A_374 : vector<16xf32>
        %mul3A_377 = arith.mulf %mul3A_376, %get3A_3 : vector<16xf32>
        %add3A_378 = arith.addf %mul3A_377, %get3A_11 : vector<16xf32>
        %swap3A_379 = arith.index_cast %add3A_305 : i32 to index
        %swap3A_380 = arith.constant 0 : index
        %swap3A_381 = tpu.vector_load %arg8[%swap3A_379, %swap3A_380] {strides = array<i32>} : memref<1024x64xf32, #tpu.memory_space<vmem>>, vector<16xf32>,
        tpu.vector_store %arg8[%swap3A_379, %swap3A_380], %add3A_378 {strides = array<i32>} : memref<1024x64xf32, #tpu.memory_space<vmem>>, vector<16xf32>,
        %sub3A_382 = arith.subf %get3A_311, %broadcast_in_dim3A_342 : vector<16xf32>
        %mul3A_383 = arith.mulf %sub3A_382, %mul3A_374 : vector<16xf32>
        %mul3A_384 = arith.mulf %mul3A_383, %get3A_5 : vector<16xf32>
        %add3A_385 = arith.addf %mul3A_384, %get3A_13 : vector<16xf32>
        %swap3A_386 = arith.index_cast %add3A_305 : i32 to index
        %swap3A_387 = arith.constant 16 : index
        %swap3A_388 = tpu.vector_load %arg8[%swap3A_386, %swap3A_387] {strides = array<i32>} : memref<1024x64xf32, #tpu.memory_space<vmem>>, vector<16xf32>,
        tpu.vector_store %arg8[%swap3A_386, %swap3A_387], %add3A_385 {strides = array<i32>} : memref<1024x64xf32, #tpu.memory_space<vmem>>, vector<16xf32>,
        %sub3A_389 = arith.subf %get3A_314, %broadcast_in_dim3A_342 : vector<16xf32>
        %mul3A_390 = arith.mulf %sub3A_389, %mul3A_374 : vector<16xf32>
        %mul3A_391 = arith.mulf %mul3A_390, %get3A_7 : vector<16xf32>
        %add3A_392 = arith.addf %mul3A_391, %get3A_15 : vector<16xf32>
        %swap3A_393 = arith.index_cast %add3A_305 : i32 to index
        %swap3A_394 = arith.constant 32 : index
        %swap3A_395 = tpu.vector_load %arg8[%swap3A_393, %swap3A_394] {strides = array<i32>} : memref<1024x64xf32, #tpu.memory_space<vmem>>, vector<16xf32>,
        tpu.vector_store %arg8[%swap3A_393, %swap3A_394], %add3A_392 {strides = array<i32>} : memref<1024x64xf32, #tpu.memory_space<vmem>>, vector<16xf32>,
        %sub3A_396 = arith.subf %get3A_317, %broadcast_in_dim3A_342 : vector<16xf32>
        %mul3A_397 = arith.mulf %sub3A_396, %mul3A_374 : vector<16xf32>
        %mul3A_398 = arith.mulf %mul3A_397, %get3A_9 : vector<16xf32>
        %add3A_399 = arith.addf %mul3A_398, %get3A_17 : vector<16xf32>
        %swap3A_400 = arith.index_cast %add3A_305 : i32 to index
        %swap3A_401 = arith.constant 48 : index
        %swap3A_402 = tpu.vector_load %arg8[%swap3A_400, %swap3A_401] {strides = array<i32>} : memref<1024x64xf32, #tpu.memory_space<vmem>>, vector<16xf32>,
        tpu.vector_store %arg8[%swap3A_400, %swap3A_401], %add3A_399 {strides = array<i32>} : memref<1024x64xf32, #tpu.memory_space<vmem>>, vector<16xf32>,
        %add3A_403 = arith.constant 2 : i32
        %add3A_404 = arith.addi %mul3A_209, %add3A_403 : i32
        %get3A_405 = arith.index_cast %add3A_404 : i32 to index
        %get3A_406 = arith.constant 0 : index
        %get3A_407 = tpu.vector_load %arg8[%get3A_405, %get3A_406] {strides = array<i32>} : memref<1024x64xf32, #tpu.memory_space<vmem>>, vector<16xf32>,
        %get3A_408 = arith.index_cast %add3A_404 : i32 to index
        %get3A_409 = arith.constant 16 : index
        %get3A_410 = tpu.vector_load %arg8[%get3A_408, %get3A_409] {strides = array<i32>} : memref<1024x64xf32, #tpu.memory_space<vmem>>, vector<16xf32>,
        %get3A_411 = arith.index_cast %add3A_404 : i32 to index
        %get3A_412 = arith.constant 32 : index
        %get3A_413 = tpu.vector_load %arg8[%get3A_411, %get3A_412] {strides = array<i32>} : memref<1024x64xf32, #tpu.memory_space<vmem>>, vector<16xf32>,
        %get3A_414 = arith.index_cast %add3A_404 : i32 to index
        %get3A_415 = arith.constant 48 : index
        %get3A_416 = tpu.vector_load %arg8[%get3A_414, %get3A_415] {strides = array<i32>} : memref<1024x64xf32, #tpu.memory_space<vmem>>, vector<16xf32>,
        %add3A_417 = arith.addf %get3A_407, %get3A_410 : vector<16xf32>
        %add3A_418 = arith.addf %get3A_413, %get3A_416 : vector<16xf32>
        %add3A_419 = arith.addf %add3A_417, %add3A_418 : vector<16xf32>
        %mul3A_420 = arith.mulf %get3A_407, %get3A_407 : vector<16xf32>
        %mul3A_421 = arith.mulf %get3A_410, %get3A_410 : vector<16xf32>
        %add3A_422 = arith.addf %mul3A_420, %mul3A_421 : vector<16xf32>
        %mul3A_423 = arith.mulf %get3A_413, %get3A_413 : vector<16xf32>
        %mul3A_424 = arith.mulf %get3A_416, %get3A_416 : vector<16xf32>
        %add3A_425 = arith.addf %mul3A_423, %mul3A_424 : vector<16xf32>
        %add3A_426 = arith.addf %add3A_422, %add3A_425 : vector<16xf32>
        %reduce_sum3A_427 = arith.constant true
        %reduce_sum3A_428 = vector.broadcast %reduce_sum3A_427 : i1 to vector<16xi1>
        %reduce_sum3A_429 = tpu.scan <sum>, %add3A_419 masked %reduce_sum3A_428 : vector<16xf32>, vector<16xi1> -> vector<16xf32>
        %reduce_sum3A_430 = vector.extract %reduce_sum3A_429[15] : f32 from vector<16xf32>
        %reduce_sum3A_431 = arith.constant true
        %reduce_sum3A_432 = vector.broadcast %reduce_sum3A_431 : i1 to vector<16xi1>
        %reduce_sum3A_433 = tpu.scan <sum>, %add3A_426 masked %reduce_sum3A_432 : vector<16xf32>, vector<16xi1> -> vector<16xf32>
        %reduce_sum3A_434 = vector.extract %reduce_sum3A_433[15] : f32 from vector<16xf32>
        %mul3A_435 = arith.constant 1.562500e-02 : f32
        %mul3A_436 = arith.mulf %reduce_sum3A_430, %mul3A_435 : f32
        %mul3A_437 = arith.constant 1.562500e-02 : f32
        %mul3A_438 = arith.mulf %reduce_sum3A_434, %mul3A_437 : f32
        %mul3A_439 = arith.mulf %mul3A_436, %mul3A_436 : f32
        %sub3A_440 = arith.subf %mul3A_438, %mul3A_439 : f32
        %broadcast_in_dim3A_441 = vector.broadcast %mul3A_436 : f32 to vector<16xf32>
        %add3A_442 = arith.constant 9.99999974E-6 : f32
        %add3A_443 = arith.addf %sub3A_440, %add3A_442 : f32
        %broadcast_in_dim3A_444 = vector.broadcast %add3A_443 : f32 to vector<16xf32>
        %bitcast3A_445 = vector.bitcast %broadcast_in_dim3A_444 : vector<16xf32> to vector<16xi32>
        %shift_right_arithmetic3A_446 = arith.constant 1 : i32
        %shift_right_arithmetic3A_447 = vector.broadcast %shift_right_arithmetic3A_446 : i32 to vector<16xi32>
        %shift_right_arithmetic3A_448 = arith.shrsi %bitcast3A_445, %shift_right_arithmetic3A_447 : vector<16xi32>
        %sub3A_449 = arith.constant 1597463007 : i32
        %sub3A_450 = vector.broadcast %sub3A_449 : i32 to vector<16xi32>
        %sub3A_451 = arith.subi %sub3A_450, %shift_right_arithmetic3A_448 : vector<16xi32>
        %bitcast3A_452 = vector.bitcast %sub3A_451 : vector<16xi32> to vector<16xf32>
        %mul3A_453 = arith.constant 5.000000e-01 : f32
        %mul3A_454 = vector.broadcast %mul3A_453 : f32 to vector<16xf32>
        %mul3A_455 = arith.mulf %broadcast_in_dim3A_444, %mul3A_454 : vector<16xf32>
        %mul3A_456 = arith.mulf %mul3A_455, %bitcast3A_452 : vector<16xf32>
        %mul3A_457 = arith.mulf %mul3A_456, %bitcast3A_452 : vector<16xf32>
        %sub3A_458 = arith.constant 1.500000e+00 : f32
        %sub3A_459 = vector.broadcast %sub3A_458 : f32 to vector<16xf32>
        %sub3A_460 = arith.subf %sub3A_459, %mul3A_457 : vector<16xf32>
        %mul3A_461 = arith.mulf %bitcast3A_452, %sub3A_460 : vector<16xf32>
        %mul3A_462 = arith.mulf %mul3A_455, %mul3A_461 : vector<16xf32>
        %mul3A_463 = arith.mulf %mul3A_462, %mul3A_461 : vector<16xf32>
        %sub3A_464 = arith.constant 1.500000e+00 : f32
        %sub3A_465 = vector.broadcast %sub3A_464 : f32 to vector<16xf32>
        %sub3A_466 = arith.subf %sub3A_465, %mul3A_463 : vector<16xf32>
        %mul3A_467 = arith.mulf %mul3A_461, %sub3A_466 : vector<16xf32>
        %mul3A_468 = arith.mulf %mul3A_455, %mul3A_467 : vector<16xf32>
        %mul3A_469 = arith.mulf %mul3A_468, %mul3A_467 : vector<16xf32>
        %sub3A_470 = arith.constant 1.500000e+00 : f32
        %sub3A_471 = vector.broadcast %sub3A_470 : f32 to vector<16xf32>
        %sub3A_472 = arith.subf %sub3A_471, %mul3A_469 : vector<16xf32>
        %mul3A_473 = arith.mulf %mul3A_467, %sub3A_472 : vector<16xf32>
        %sub3A_474 = arith.subf %get3A_407, %broadcast_in_dim3A_441 : vector<16xf32>
        %mul3A_475 = arith.mulf %sub3A_474, %mul3A_473 : vector<16xf32>
        %mul3A_476 = arith.mulf %mul3A_475, %get3A_3 : vector<16xf32>
        %add3A_477 = arith.addf %mul3A_476, %get3A_11 : vector<16xf32>
        %swap3A_478 = arith.index_cast %add3A_404 : i32 to index
        %swap3A_479 = arith.constant 0 : index
        %swap3A_480 = tpu.vector_load %arg8[%swap3A_478, %swap3A_479] {strides = array<i32>} : memref<1024x64xf32, #tpu.memory_space<vmem>>, vector<16xf32>,
        tpu.vector_store %arg8[%swap3A_478, %swap3A_479], %add3A_477 {strides = array<i32>} : memref<1024x64xf32, #tpu.memory_space<vmem>>, vector<16xf32>,
        %sub3A_481 = arith.subf %get3A_410, %broadcast_in_dim3A_441 : vector<16xf32>
        %mul3A_482 = arith.mulf %sub3A_481, %mul3A_473 : vector<16xf32>
        %mul3A_483 = arith.mulf %mul3A_482, %get3A_5 : vector<16xf32>
        %add3A_484 = arith.addf %mul3A_483, %get3A_13 : vector<16xf32>
        %swap3A_485 = arith.index_cast %add3A_404 : i32 to index
        %swap3A_486 = arith.constant 16 : index
        %swap3A_487 = tpu.vector_load %arg8[%swap3A_485, %swap3A_486] {strides = array<i32>} : memref<1024x64xf32, #tpu.memory_space<vmem>>, vector<16xf32>,
        tpu.vector_store %arg8[%swap3A_485, %swap3A_486], %add3A_484 {strides = array<i32>} : memref<1024x64xf32, #tpu.memory_space<vmem>>, vector<16xf32>,
        %sub3A_488 = arith.subf %get3A_413, %broadcast_in_dim3A_441 : vector<16xf32>
        %mul3A_489 = arith.mulf %sub3A_488, %mul3A_473 : vector<16xf32>
        %mul3A_490 = arith.mulf %mul3A_489, %get3A_7 : vector<16xf32>
        %add3A_491 = arith.addf %mul3A_490, %get3A_15 : vector<16xf32>
        %swap3A_492 = arith.index_cast %add3A_404 : i32 to index
        %swap3A_493 = arith.constant 32 : index
        %swap3A_494 = tpu.vector_load %arg8[%swap3A_492, %swap3A_493] {strides = array<i32>} : memref<1024x64xf32, #tpu.memory_space<vmem>>, vector<16xf32>,
        tpu.vector_store %arg8[%swap3A_492, %swap3A_493], %add3A_491 {strides = array<i32>} : memref<1024x64xf32, #tpu.memory_space<vmem>>, vector<16xf32>,
        %sub3A_495 = arith.subf %get3A_416, %broadcast_in_dim3A_441 : vector<16xf32>
        %mul3A_496 = arith.mulf %sub3A_495, %mul3A_473 : vector<16xf32>
        %mul3A_497 = arith.mulf %mul3A_496, %get3A_9 : vector<16xf32>
        %add3A_498 = arith.addf %mul3A_497, %get3A_17 : vector<16xf32>
        %swap3A_499 = arith.index_cast %add3A_404 : i32 to index
        %swap3A_500 = arith.constant 48 : index
        %swap3A_501 = tpu.vector_load %arg8[%swap3A_499, %swap3A_500] {strides = array<i32>} : memref<1024x64xf32, #tpu.memory_space<vmem>>, vector<16xf32>,
        tpu.vector_store %arg8[%swap3A_499, %swap3A_500], %add3A_498 {strides = array<i32>} : memref<1024x64xf32, #tpu.memory_space<vmem>>, vector<16xf32>,
        %add3A_502 = arith.constant 3 : i32
        %add3A_503 = arith.addi %mul3A_209, %add3A_502 : i32
        %get3A_504 = arith.index_cast %add3A_503 : i32 to index
        %get3A_505 = arith.constant 0 : index
        %get3A_506 = tpu.vector_load %arg8[%get3A_504, %get3A_505] {strides = array<i32>} : memref<1024x64xf32, #tpu.memory_space<vmem>>, vector<16xf32>,
        %get3A_507 = arith.index_cast %add3A_503 : i32 to index
        %get3A_508 = arith.constant 16 : index
        %get3A_509 = tpu.vector_load %arg8[%get3A_507, %get3A_508] {strides = array<i32>} : memref<1024x64xf32, #tpu.memory_space<vmem>>, vector<16xf32>,
        %get3A_510 = arith.index_cast %add3A_503 : i32 to index
        %get3A_511 = arith.constant 32 : index
        %get3A_512 = tpu.vector_load %arg8[%get3A_510, %get3A_511] {strides = array<i32>} : memref<1024x64xf32, #tpu.memory_space<vmem>>, vector<16xf32>,
        %get3A_513 = arith.index_cast %add3A_503 : i32 to index
        %get3A_514 = arith.constant 48 : index
        %get3A_515 = tpu.vector_load %arg8[%get3A_513, %get3A_514] {strides = array<i32>} : memref<1024x64xf32, #tpu.memory_space<vmem>>, vector<16xf32>,
        %add3A_516 = arith.addf %get3A_506, %get3A_509 : vector<16xf32>
        %add3A_517 = arith.addf %get3A_512, %get3A_515 : vector<16xf32>
        %add3A_518 = arith.addf %add3A_516, %add3A_517 : vector<16xf32>
        %mul3A_519 = arith.mulf %get3A_506, %get3A_506 : vector<16xf32>
        %mul3A_520 = arith.mulf %get3A_509, %get3A_509 : vector<16xf32>
        %add3A_521 = arith.addf %mul3A_519, %mul3A_520 : vector<16xf32>
        %mul3A_522 = arith.mulf %get3A_512, %get3A_512 : vector<16xf32>
        %mul3A_523 = arith.mulf %get3A_515, %get3A_515 : vector<16xf32>
        %add3A_524 = arith.addf %mul3A_522, %mul3A_523 : vector<16xf32>
        %add3A_525 = arith.addf %add3A_521, %add3A_524 : vector<16xf32>
        %reduce_sum3A_526 = arith.constant true
        %reduce_sum3A_527 = vector.broadcast %reduce_sum3A_526 : i1 to vector<16xi1>
        %reduce_sum3A_528 = tpu.scan <sum>, %add3A_518 masked %reduce_sum3A_527 : vector<16xf32>, vector<16xi1> -> vector<16xf32>
        %reduce_sum3A_529 = vector.extract %reduce_sum3A_528[15] : f32 from vector<16xf32>
        %reduce_sum3A_530 = arith.constant true
        %reduce_sum3A_531 = vector.broadcast %reduce_sum3A_530 : i1 to vector<16xi1>
        %reduce_sum3A_532 = tpu.scan <sum>, %add3A_525 masked %reduce_sum3A_531 : vector<16xf32>, vector<16xi1> -> vector<16xf32>
        %reduce_sum3A_533 = vector.extract %reduce_sum3A_532[15] : f32 from vector<16xf32>
        %mul3A_534 = arith.constant 1.562500e-02 : f32
        %mul3A_535 = arith.mulf %reduce_sum3A_529, %mul3A_534 : f32
        %mul3A_536 = arith.constant 1.562500e-02 : f32
        %mul3A_537 = arith.mulf %reduce_sum3A_533, %mul3A_536 : f32
        %mul3A_538 = arith.mulf %mul3A_535, %mul3A_535 : f32
        %sub3A_539 = arith.subf %mul3A_537, %mul3A_538 : f32
        %broadcast_in_dim3A_540 = vector.broadcast %mul3A_535 : f32 to vector<16xf32>
        %add3A_541 = arith.constant 9.99999974E-6 : f32
        %add3A_542 = arith.addf %sub3A_539, %add3A_541 : f32
        %broadcast_in_dim3A_543 = vector.broadcast %add3A_542 : f32 to vector<16xf32>
        %bitcast3A_544 = vector.bitcast %broadcast_in_dim3A_543 : vector<16xf32> to vector<16xi32>
        %shift_right_arithmetic3A_545 = arith.constant 1 : i32
        %shift_right_arithmetic3A_546 = vector.broadcast %shift_right_arithmetic3A_545 : i32 to vector<16xi32>
        %shift_right_arithmetic3A_547 = arith.shrsi %bitcast3A_544, %shift_right_arithmetic3A_546 : vector<16xi32>
        %sub3A_548 = arith.constant 1597463007 : i32
        %sub3A_549 = vector.broadcast %sub3A_548 : i32 to vector<16xi32>
        %sub3A_550 = arith.subi %sub3A_549, %shift_right_arithmetic3A_547 : vector<16xi32>
        %bitcast3A_551 = vector.bitcast %sub3A_550 : vector<16xi32> to vector<16xf32>
        %mul3A_552 = arith.constant 5.000000e-01 : f32
        %mul3A_553 = vector.broadcast %mul3A_552 : f32 to vector<16xf32>
        %mul3A_554 = arith.mulf %broadcast_in_dim3A_543, %mul3A_553 : vector<16xf32>
        %mul3A_555 = arith.mulf %mul3A_554, %bitcast3A_551 : vector<16xf32>
        %mul3A_556 = arith.mulf %mul3A_555, %bitcast3A_551 : vector<16xf32>
        %sub3A_557 = arith.constant 1.500000e+00 : f32
        %sub3A_558 = vector.broadcast %sub3A_557 : f32 to vector<16xf32>
        %sub3A_559 = arith.subf %sub3A_558, %mul3A_556 : vector<16xf32>
        %mul3A_560 = arith.mulf %bitcast3A_551, %sub3A_559 : vector<16xf32>
        %mul3A_561 = arith.mulf %mul3A_554, %mul3A_560 : vector<16xf32>
        %mul3A_562 = arith.mulf %mul3A_561, %mul3A_560 : vector<16xf32>
        %sub3A_563 = arith.constant 1.500000e+00 : f32
        %sub3A_564 = vector.broadcast %sub3A_563 : f32 to vector<16xf32>
        %sub3A_565 = arith.subf %sub3A_564, %mul3A_562 : vector<16xf32>
        %mul3A_566 = arith.mulf %mul3A_560, %sub3A_565 : vector<16xf32>
        %mul3A_567 = arith.mulf %mul3A_554, %mul3A_566 : vector<16xf32>
        %mul3A_568 = arith.mulf %mul3A_567, %mul3A_566 : vector<16xf32>
        %sub3A_569 = arith.constant 1.500000e+00 : f32
        %sub3A_570 = vector.broadcast %sub3A_569 : f32 to vector<16xf32>
        %sub3A_571 = arith.subf %sub3A_570, %mul3A_568 : vector<16xf32>
        %mul3A_572 = arith.mulf %mul3A_566, %sub3A_571 : vector<16xf32>
        %sub3A_573 = arith.subf %get3A_506, %broadcast_in_dim3A_540 : vector<16xf32>
        %mul3A_574 = arith.mulf %sub3A_573, %mul3A_572 : vector<16xf32>
        %mul3A_575 = arith.mulf %mul3A_574, %get3A_3 : vector<16xf32>
        %add3A_576 = arith.addf %mul3A_575, %get3A_11 : vector<16xf32>
        %swap3A_577 = arith.index_cast %add3A_503 : i32 to index
        %swap3A_578 = arith.constant 0 : index
        %swap3A_579 = tpu.vector_load %arg8[%swap3A_577, %swap3A_578] {strides = array<i32>} : memref<1024x64xf32, #tpu.memory_space<vmem>>, vector<16xf32>,
        tpu.vector_store %arg8[%swap3A_577, %swap3A_578], %add3A_576 {strides = array<i32>} : memref<1024x64xf32, #tpu.memory_space<vmem>>, vector<16xf32>,
        %sub3A_580 = arith.subf %get3A_509, %broadcast_in_dim3A_540 : vector<16xf32>
        %mul3A_581 = arith.mulf %sub3A_580, %mul3A_572 : vector<16xf32>
        %mul3A_582 = arith.mulf %mul3A_581, %get3A_5 : vector<16xf32>
        %add3A_583 = arith.addf %mul3A_582, %get3A_13 : vector<16xf32>
        %swap3A_584 = arith.index_cast %add3A_503 : i32 to index
        %swap3A_585 = arith.constant 16 : index
        %swap3A_586 = tpu.vector_load %arg8[%swap3A_584, %swap3A_585] {strides = array<i32>} : memref<1024x64xf32, #tpu.memory_space<vmem>>, vector<16xf32>,
        tpu.vector_store %arg8[%swap3A_584, %swap3A_585], %add3A_583 {strides = array<i32>} : memref<1024x64xf32, #tpu.memory_space<vmem>>, vector<16xf32>,
        %sub3A_587 = arith.subf %get3A_512, %broadcast_in_dim3A_540 : vector<16xf32>
        %mul3A_588 = arith.mulf %sub3A_587, %mul3A_572 : vector<16xf32>
        %mul3A_589 = arith.mulf %mul3A_588, %get3A_7 : vector<16xf32>
        %add3A_590 = arith.addf %mul3A_589, %get3A_15 : vector<16xf32>
        %swap3A_591 = arith.index_cast %add3A_503 : i32 to index
        %swap3A_592 = arith.constant 32 : index
        %swap3A_593 = tpu.vector_load %arg8[%swap3A_591, %swap3A_592] {strides = array<i32>} : memref<1024x64xf32, #tpu.memory_space<vmem>>, vector<16xf32>,
        tpu.vector_store %arg8[%swap3A_591, %swap3A_592], %add3A_590 {strides = array<i32>} : memref<1024x64xf32, #tpu.memory_space<vmem>>, vector<16xf32>,
        %sub3A_594 = arith.subf %get3A_515, %broadcast_in_dim3A_540 : vector<16xf32>
        %mul3A_595 = arith.mulf %sub3A_594, %mul3A_572 : vector<16xf32>
        %mul3A_596 = arith.mulf %mul3A_595, %get3A_9 : vector<16xf32>
        %add3A_597 = arith.addf %mul3A_596, %get3A_17 : vector<16xf32>
        %swap3A_598 = arith.index_cast %add3A_503 : i32 to index
        %swap3A_599 = arith.constant 48 : index
        %swap3A_600 = tpu.vector_load %arg8[%swap3A_598, %swap3A_599] {strides = array<i32>} : memref<1024x64xf32, #tpu.memory_space<vmem>>, vector<16xf32>,
        tpu.vector_store %arg8[%swap3A_598, %swap3A_599], %add3A_597 {strides = array<i32>} : memref<1024x64xf32, #tpu.memory_space<vmem>>, vector<16xf32>,
        %add3A_601 = arith.constant 4 : i32
        %add3A_602 = arith.addi %mul3A_209, %add3A_601 : i32
        %get3A_603 = arith.index_cast %add3A_602 : i32 to index
        %get3A_604 = arith.constant 0 : index
        %get3A_605 = tpu.vector_load %arg8[%get3A_603, %get3A_604] {strides = array<i32>} : memref<1024x64xf32, #tpu.memory_space<vmem>>, vector<16xf32>,
        %get3A_606 = arith.index_cast %add3A_602 : i32 to index
        %get3A_607 = arith.constant 16 : index
        %get3A_608 = tpu.vector_load %arg8[%get3A_606, %get3A_607] {strides = array<i32>} : memref<1024x64xf32, #tpu.memory_space<vmem>>, vector<16xf32>,
        %get3A_609 = arith.index_cast %add3A_602 : i32 to index
        %get3A_610 = arith.constant 32 : index
        %get3A_611 = tpu.vector_load %arg8[%get3A_609, %get3A_610] {strides = array<i32>} : memref<1024x64xf32, #tpu.memory_space<vmem>>, vector<16xf32>,
        %get3A_612 = arith.index_cast %add3A_602 : i32 to index
        %get3A_613 = arith.constant 48 : index
        %get3A_614 = tpu.vector_load %arg8[%get3A_612, %get3A_613] {strides = array<i32>} : memref<1024x64xf32, #tpu.memory_space<vmem>>, vector<16xf32>,
        %add3A_615 = arith.addf %get3A_605, %get3A_608 : vector<16xf32>
        %add3A_616 = arith.addf %get3A_611, %get3A_614 : vector<16xf32>
        %add3A_617 = arith.addf %add3A_615, %add3A_616 : vector<16xf32>
        %mul3A_618 = arith.mulf %get3A_605, %get3A_605 : vector<16xf32>
        %mul3A_619 = arith.mulf %get3A_608, %get3A_608 : vector<16xf32>
        %add3A_620 = arith.addf %mul3A_618, %mul3A_619 : vector<16xf32>
        %mul3A_621 = arith.mulf %get3A_611, %get3A_611 : vector<16xf32>
        %mul3A_622 = arith.mulf %get3A_614, %get3A_614 : vector<16xf32>
        %add3A_623 = arith.addf %mul3A_621, %mul3A_622 : vector<16xf32>
        %add3A_624 = arith.addf %add3A_620, %add3A_623 : vector<16xf32>
        %reduce_sum3A_625 = arith.constant true
        %reduce_sum3A_626 = vector.broadcast %reduce_sum3A_625 : i1 to vector<16xi1>
        %reduce_sum3A_627 = tpu.scan <sum>, %add3A_617 masked %reduce_sum3A_626 : vector<16xf32>, vector<16xi1> -> vector<16xf32>
        %reduce_sum3A_628 = vector.extract %reduce_sum3A_627[15] : f32 from vector<16xf32>
        %reduce_sum3A_629 = arith.constant true
        %reduce_sum3A_630 = vector.broadcast %reduce_sum3A_629 : i1 to vector<16xi1>
        %reduce_sum3A_631 = tpu.scan <sum>, %add3A_624 masked %reduce_sum3A_630 : vector<16xf32>, vector<16xi1> -> vector<16xf32>
        %reduce_sum3A_632 = vector.extract %reduce_sum3A_631[15] : f32 from vector<16xf32>
        %mul3A_633 = arith.constant 1.562500e-02 : f32
        %mul3A_634 = arith.mulf %reduce_sum3A_628, %mul3A_633 : f32
        %mul3A_635 = arith.constant 1.562500e-02 : f32
        %mul3A_636 = arith.mulf %reduce_sum3A_632, %mul3A_635 : f32
        %mul3A_637 = arith.mulf %mul3A_634, %mul3A_634 : f32
        %sub3A_638 = arith.subf %mul3A_636, %mul3A_637 : f32
        %broadcast_in_dim3A_639 = vector.broadcast %mul3A_634 : f32 to vector<16xf32>
        %add3A_640 = arith.constant 9.99999974E-6 : f32
        %add3A_641 = arith.addf %sub3A_638, %add3A_640 : f32
        %broadcast_in_dim3A_642 = vector.broadcast %add3A_641 : f32 to vector<16xf32>
        %bitcast3A_643 = vector.bitcast %broadcast_in_dim3A_642 : vector<16xf32> to vector<16xi32>
        %shift_right_arithmetic3A_644 = arith.constant 1 : i32
        %shift_right_arithmetic3A_645 = vector.broadcast %shift_right_arithmetic3A_644 : i32 to vector<16xi32>
        %shift_right_arithmetic3A_646 = arith.shrsi %bitcast3A_643, %shift_right_arithmetic3A_645 : vector<16xi32>
        %sub3A_647 = arith.constant 1597463007 : i32
        %sub3A_648 = vector.broadcast %sub3A_647 : i32 to vector<16xi32>
        %sub3A_649 = arith.subi %sub3A_648, %shift_right_arithmetic3A_646 : vector<16xi32>
        %bitcast3A_650 = vector.bitcast %sub3A_649 : vector<16xi32> to vector<16xf32>
        %mul3A_651 = arith.constant 5.000000e-01 : f32
        %mul3A_652 = vector.broadcast %mul3A_651 : f32 to vector<16xf32>
        %mul3A_653 = arith.mulf %broadcast_in_dim3A_642, %mul3A_652 : vector<16xf32>
        %mul3A_654 = arith.mulf %mul3A_653, %bitcast3A_650 : vector<16xf32>
        %mul3A_655 = arith.mulf %mul3A_654, %bitcast3A_650 : vector<16xf32>
        %sub3A_656 = arith.constant 1.500000e+00 : f32
        %sub3A_657 = vector.broadcast %sub3A_656 : f32 to vector<16xf32>
        %sub3A_658 = arith.subf %sub3A_657, %mul3A_655 : vector<16xf32>
        %mul3A_659 = arith.mulf %bitcast3A_650, %sub3A_658 : vector<16xf32>
        %mul3A_660 = arith.mulf %mul3A_653, %mul3A_659 : vector<16xf32>
        %mul3A_661 = arith.mulf %mul3A_660, %mul3A_659 : vector<16xf32>
        %sub3A_662 = arith.constant 1.500000e+00 : f32
        %sub3A_663 = vector.broadcast %sub3A_662 : f32 to vector<16xf32>
        %sub3A_664 = arith.subf %sub3A_663, %mul3A_661 : vector<16xf32>
        %mul3A_665 = arith.mulf %mul3A_659, %sub3A_664 : vector<16xf32>
        %mul3A_666 = arith.mulf %mul3A_653, %mul3A_665 : vector<16xf32>
        %mul3A_667 = arith.mulf %mul3A_666, %mul3A_665 : vector<16xf32>
        %sub3A_668 = arith.constant 1.500000e+00 : f32
        %sub3A_669 = vector.broadcast %sub3A_668 : f32 to vector<16xf32>
        %sub3A_670 = arith.subf %sub3A_669, %mul3A_667 : vector<16xf32>
        %mul3A_671 = arith.mulf %mul3A_665, %sub3A_670 : vector<16xf32>
        %sub3A_672 = arith.subf %get3A_605, %broadcast_in_dim3A_639 : vector<16xf32>
        %mul3A_673 = arith.mulf %sub3A_672, %mul3A_671 : vector<16xf32>
        %mul3A_674 = arith.mulf %mul3A_673, %get3A_3 : vector<16xf32>
        %add3A_675 = arith.addf %mul3A_674, %get3A_11 : vector<16xf32>
        %swap3A_676 = arith.index_cast %add3A_602 : i32 to index
        %swap3A_677 = arith.constant 0 : index
        %swap3A_678 = tpu.vector_load %arg8[%swap3A_676, %swap3A_677] {strides = array<i32>} : memref<1024x64xf32, #tpu.memory_space<vmem>>, vector<16xf32>,
        tpu.vector_store %arg8[%swap3A_676, %swap3A_677], %add3A_675 {strides = array<i32>} : memref<1024x64xf32, #tpu.memory_space<vmem>>, vector<16xf32>,
        %sub3A_679 = arith.subf %get3A_608, %broadcast_in_dim3A_639 : vector<16xf32>
        %mul3A_680 = arith.mulf %sub3A_679, %mul3A_671 : vector<16xf32>
        %mul3A_681 = arith.mulf %mul3A_680, %get3A_5 : vector<16xf32>
        %add3A_682 = arith.addf %mul3A_681, %get3A_13 : vector<16xf32>
        %swap3A_683 = arith.index_cast %add3A_602 : i32 to index
        %swap3A_684 = arith.constant 16 : index
        %swap3A_685 = tpu.vector_load %arg8[%swap3A_683, %swap3A_684] {strides = array<i32>} : memref<1024x64xf32, #tpu.memory_space<vmem>>, vector<16xf32>,
        tpu.vector_store %arg8[%swap3A_683, %swap3A_684], %add3A_682 {strides = array<i32>} : memref<1024x64xf32, #tpu.memory_space<vmem>>, vector<16xf32>,
        %sub3A_686 = arith.subf %get3A_611, %broadcast_in_dim3A_639 : vector<16xf32>
        %mul3A_687 = arith.mulf %sub3A_686, %mul3A_671 : vector<16xf32>
        %mul3A_688 = arith.mulf %mul3A_687, %get3A_7 : vector<16xf32>
        %add3A_689 = arith.addf %mul3A_688, %get3A_15 : vector<16xf32>
        %swap3A_690 = arith.index_cast %add3A_602 : i32 to index
        %swap3A_691 = arith.constant 32 : index
        %swap3A_692 = tpu.vector_load %arg8[%swap3A_690, %swap3A_691] {strides = array<i32>} : memref<1024x64xf32, #tpu.memory_space<vmem>>, vector<16xf32>,
        tpu.vector_store %arg8[%swap3A_690, %swap3A_691], %add3A_689 {strides = array<i32>} : memref<1024x64xf32, #tpu.memory_space<vmem>>, vector<16xf32>,
        %sub3A_693 = arith.subf %get3A_614, %broadcast_in_dim3A_639 : vector<16xf32>
        %mul3A_694 = arith.mulf %sub3A_693, %mul3A_671 : vector<16xf32>
        %mul3A_695 = arith.mulf %mul3A_694, %get3A_9 : vector<16xf32>
        %add3A_696 = arith.addf %mul3A_695, %get3A_17 : vector<16xf32>
        %swap3A_697 = arith.index_cast %add3A_602 : i32 to index
        %swap3A_698 = arith.constant 48 : index
        %swap3A_699 = tpu.vector_load %arg8[%swap3A_697, %swap3A_698] {strides = array<i32>} : memref<1024x64xf32, #tpu.memory_space<vmem>>, vector<16xf32>,
        tpu.vector_store %arg8[%swap3A_697, %swap3A_698], %add3A_696 {strides = array<i32>} : memref<1024x64xf32, #tpu.memory_space<vmem>>, vector<16xf32>,
        %add3A_700 = arith.constant 5 : i32
        %add3A_701 = arith.addi %mul3A_209, %add3A_700 : i32
        %get3A_702 = arith.index_cast %add3A_701 : i32 to index
        %get3A_703 = arith.constant 0 : index
        %get3A_704 = tpu.vector_load %arg8[%get3A_702, %get3A_703] {strides = array<i32>} : memref<1024x64xf32, #tpu.memory_space<vmem>>, vector<16xf32>,
        %get3A_705 = arith.index_cast %add3A_701 : i32 to index
        %get3A_706 = arith.constant 16 : index
        %get3A_707 = tpu.vector_load %arg8[%get3A_705, %get3A_706] {strides = array<i32>} : memref<1024x64xf32, #tpu.memory_space<vmem>>, vector<16xf32>,
        %get3A_708 = arith.index_cast %add3A_701 : i32 to index
        %get3A_709 = arith.constant 32 : index
        %get3A_710 = tpu.vector_load %arg8[%get3A_708, %get3A_709] {strides = array<i32>} : memref<1024x64xf32, #tpu.memory_space<vmem>>, vector<16xf32>,
        %get3A_711 = arith.index_cast %add3A_701 : i32 to index
        %get3A_712 = arith.constant 48 : index
        %get3A_713 = tpu.vector_load %arg8[%get3A_711, %get3A_712] {strides = array<i32>} : memref<1024x64xf32, #tpu.memory_space<vmem>>, vector<16xf32>,
        %add3A_714 = arith.addf %get3A_704, %get3A_707 : vector<16xf32>
        %add3A_715 = arith.addf %get3A_710, %get3A_713 : vector<16xf32>
        %add3A_716 = arith.addf %add3A_714, %add3A_715 : vector<16xf32>
        %mul3A_717 = arith.mulf %get3A_704, %get3A_704 : vector<16xf32>
        %mul3A_718 = arith.mulf %get3A_707, %get3A_707 : vector<16xf32>
        %add3A_719 = arith.addf %mul3A_717, %mul3A_718 : vector<16xf32>
        %mul3A_720 = arith.mulf %get3A_710, %get3A_710 : vector<16xf32>
        %mul3A_721 = arith.mulf %get3A_713, %get3A_713 : vector<16xf32>
        %add3A_722 = arith.addf %mul3A_720, %mul3A_721 : vector<16xf32>
        %add3A_723 = arith.addf %add3A_719, %add3A_722 : vector<16xf32>
        %reduce_sum3A_724 = arith.constant true
        %reduce_sum3A_725 = vector.broadcast %reduce_sum3A_724 : i1 to vector<16xi1>
        %reduce_sum3A_726 = tpu.scan <sum>, %add3A_716 masked %reduce_sum3A_725 : vector<16xf32>, vector<16xi1> -> vector<16xf32>
        %reduce_sum3A_727 = vector.extract %reduce_sum3A_726[15] : f32 from vector<16xf32>
        %reduce_sum3A_728 = arith.constant true
        %reduce_sum3A_729 = vector.broadcast %reduce_sum3A_728 : i1 to vector<16xi1>
        %reduce_sum3A_730 = tpu.scan <sum>, %add3A_723 masked %reduce_sum3A_729 : vector<16xf32>, vector<16xi1> -> vector<16xf32>
        %reduce_sum3A_731 = vector.extract %reduce_sum3A_730[15] : f32 from vector<16xf32>
        %mul3A_732 = arith.constant 1.562500e-02 : f32
        %mul3A_733 = arith.mulf %reduce_sum3A_727, %mul3A_732 : f32
        %mul3A_734 = arith.constant 1.562500e-02 : f32
        %mul3A_735 = arith.mulf %reduce_sum3A_731, %mul3A_734 : f32
        %mul3A_736 = arith.mulf %mul3A_733, %mul3A_733 : f32
        %sub3A_737 = arith.subf %mul3A_735, %mul3A_736 : f32
        %broadcast_in_dim3A_738 = vector.broadcast %mul3A_733 : f32 to vector<16xf32>
        %add3A_739 = arith.constant 9.99999974E-6 : f32
        %add3A_740 = arith.addf %sub3A_737, %add3A_739 : f32
        %broadcast_in_dim3A_741 = vector.broadcast %add3A_740 : f32 to vector<16xf32>
        %bitcast3A_742 = vector.bitcast %broadcast_in_dim3A_741 : vector<16xf32> to vector<16xi32>
        %shift_right_arithmetic3A_743 = arith.constant 1 : i32
        %shift_right_arithmetic3A_744 = vector.broadcast %shift_right_arithmetic3A_743 : i32 to vector<16xi32>
        %shift_right_arithmetic3A_745 = arith.shrsi %bitcast3A_742, %shift_right_arithmetic3A_744 : vector<16xi32>
        %sub3A_746 = arith.constant 1597463007 : i32
        %sub3A_747 = vector.broadcast %sub3A_746 : i32 to vector<16xi32>
        %sub3A_748 = arith.subi %sub3A_747, %shift_right_arithmetic3A_745 : vector<16xi32>
        %bitcast3A_749 = vector.bitcast %sub3A_748 : vector<16xi32> to vector<16xf32>
        %mul3A_750 = arith.constant 5.000000e-01 : f32
        %mul3A_751 = vector.broadcast %mul3A_750 : f32 to vector<16xf32>
        %mul3A_752 = arith.mulf %broadcast_in_dim3A_741, %mul3A_751 : vector<16xf32>
        %mul3A_753 = arith.mulf %mul3A_752, %bitcast3A_749 : vector<16xf32>
        %mul3A_754 = arith.mulf %mul3A_753, %bitcast3A_749 : vector<16xf32>
        %sub3A_755 = arith.constant 1.500000e+00 : f32
        %sub3A_756 = vector.broadcast %sub3A_755 : f32 to vector<16xf32>
        %sub3A_757 = arith.subf %sub3A_756, %mul3A_754 : vector<16xf32>
        %mul3A_758 = arith.mulf %bitcast3A_749, %sub3A_757 : vector<16xf32>
        %mul3A_759 = arith.mulf %mul3A_752, %mul3A_758 : vector<16xf32>
        %mul3A_760 = arith.mulf %mul3A_759, %mul3A_758 : vector<16xf32>
        %sub3A_761 = arith.constant 1.500000e+00 : f32
        %sub3A_762 = vector.broadcast %sub3A_761 : f32 to vector<16xf32>
        %sub3A_763 = arith.subf %sub3A_762, %mul3A_760 : vector<16xf32>
        %mul3A_764 = arith.mulf %mul3A_758, %sub3A_763 : vector<16xf32>
        %mul3A_765 = arith.mulf %mul3A_752, %mul3A_764 : vector<16xf32>
        %mul3A_766 = arith.mulf %mul3A_765, %mul3A_764 : vector<16xf32>
        %sub3A_767 = arith.constant 1.500000e+00 : f32
        %sub3A_768 = vector.broadcast %sub3A_767 : f32 to vector<16xf32>
        %sub3A_769 = arith.subf %sub3A_768, %mul3A_766 : vector<16xf32>
        %mul3A_770 = arith.mulf %mul3A_764, %sub3A_769 : vector<16xf32>
        %sub3A_771 = arith.subf %get3A_704, %broadcast_in_dim3A_738 : vector<16xf32>
        %mul3A_772 = arith.mulf %sub3A_771, %mul3A_770 : vector<16xf32>
        %mul3A_773 = arith.mulf %mul3A_772, %get3A_3 : vector<16xf32>
        %add3A_774 = arith.addf %mul3A_773, %get3A_11 : vector<16xf32>
        %swap3A_775 = arith.index_cast %add3A_701 : i32 to index
        %swap3A_776 = arith.constant 0 : index
        %swap3A_777 = tpu.vector_load %arg8[%swap3A_775, %swap3A_776] {strides = array<i32>} : memref<1024x64xf32, #tpu.memory_space<vmem>>, vector<16xf32>,
        tpu.vector_store %arg8[%swap3A_775, %swap3A_776], %add3A_774 {strides = array<i32>} : memref<1024x64xf32, #tpu.memory_space<vmem>>, vector<16xf32>,
        %sub3A_778 = arith.subf %get3A_707, %broadcast_in_dim3A_738 : vector<16xf32>
        %mul3A_779 = arith.mulf %sub3A_778, %mul3A_770 : vector<16xf32>
        %mul3A_780 = arith.mulf %mul3A_779, %get3A_5 : vector<16xf32>
        %add3A_781 = arith.addf %mul3A_780, %get3A_13 : vector<16xf32>
        %swap3A_782 = arith.index_cast %add3A_701 : i32 to index
        %swap3A_783 = arith.constant 16 : index
        %swap3A_784 = tpu.vector_load %arg8[%swap3A_782, %swap3A_783] {strides = array<i32>} : memref<1024x64xf32, #tpu.memory_space<vmem>>, vector<16xf32>,
        tpu.vector_store %arg8[%swap3A_782, %swap3A_783], %add3A_781 {strides = array<i32>} : memref<1024x64xf32, #tpu.memory_space<vmem>>, vector<16xf32>,
        %sub3A_785 = arith.subf %get3A_710, %broadcast_in_dim3A_738 : vector<16xf32>
        %mul3A_786 = arith.mulf %sub3A_785, %mul3A_770 : vector<16xf32>
        %mul3A_787 = arith.mulf %mul3A_786, %get3A_7 : vector<16xf32>
        %add3A_788 = arith.addf %mul3A_787, %get3A_15 : vector<16xf32>
        %swap3A_789 = arith.index_cast %add3A_701 : i32 to index
        %swap3A_790 = arith.constant 32 : index
        %swap3A_791 = tpu.vector_load %arg8[%swap3A_789, %swap3A_790] {strides = array<i32>} : memref<1024x64xf32, #tpu.memory_space<vmem>>, vector<16xf32>,
        tpu.vector_store %arg8[%swap3A_789, %swap3A_790], %add3A_788 {strides = array<i32>} : memref<1024x64xf32, #tpu.memory_space<vmem>>, vector<16xf32>,
        %sub3A_792 = arith.subf %get3A_713, %broadcast_in_dim3A_738 : vector<16xf32>
        %mul3A_793 = arith.mulf %sub3A_792, %mul3A_770 : vector<16xf32>
        %mul3A_794 = arith.mulf %mul3A_793, %get3A_9 : vector<16xf32>
        %add3A_795 = arith.addf %mul3A_794, %get3A_17 : vector<16xf32>
        %swap3A_796 = arith.index_cast %add3A_701 : i32 to index
        %swap3A_797 = arith.constant 48 : index
        %swap3A_798 = tpu.vector_load %arg8[%swap3A_796, %swap3A_797] {strides = array<i32>} : memref<1024x64xf32, #tpu.memory_space<vmem>>, vector<16xf32>,
        tpu.vector_store %arg8[%swap3A_796, %swap3A_797], %add3A_795 {strides = array<i32>} : memref<1024x64xf32, #tpu.memory_space<vmem>>, vector<16xf32>,
        %add3A_799 = arith.constant 6 : i32
        %add3A_800 = arith.addi %mul3A_209, %add3A_799 : i32
        %get3A_801 = arith.index_cast %add3A_800 : i32 to index
        %get3A_802 = arith.constant 0 : index
        %get3A_803 = tpu.vector_load %arg8[%get3A_801, %get3A_802] {strides = array<i32>} : memref<1024x64xf32, #tpu.memory_space<vmem>>, vector<16xf32>,
        %get3A_804 = arith.index_cast %add3A_800 : i32 to index
        %get3A_805 = arith.constant 16 : index
        %get3A_806 = tpu.vector_load %arg8[%get3A_804, %get3A_805] {strides = array<i32>} : memref<1024x64xf32, #tpu.memory_space<vmem>>, vector<16xf32>,
        %get3A_807 = arith.index_cast %add3A_800 : i32 to index
        %get3A_808 = arith.constant 32 : index
        %get3A_809 = tpu.vector_load %arg8[%get3A_807, %get3A_808] {strides = array<i32>} : memref<1024x64xf32, #tpu.memory_space<vmem>>, vector<16xf32>,
        %get3A_810 = arith.index_cast %add3A_800 : i32 to index
        %get3A_811 = arith.constant 48 : index
        %get3A_812 = tpu.vector_load %arg8[%get3A_810, %get3A_811] {strides = array<i32>} : memref<1024x64xf32, #tpu.memory_space<vmem>>, vector<16xf32>,
        %add3A_813 = arith.addf %get3A_803, %get3A_806 : vector<16xf32>
        %add3A_814 = arith.addf %get3A_809, %get3A_812 : vector<16xf32>
        %add3A_815 = arith.addf %add3A_813, %add3A_814 : vector<16xf32>
        %mul3A_816 = arith.mulf %get3A_803, %get3A_803 : vector<16xf32>
        %mul3A_817 = arith.mulf %get3A_806, %get3A_806 : vector<16xf32>
        %add3A_818 = arith.addf %mul3A_816, %mul3A_817 : vector<16xf32>
        %mul3A_819 = arith.mulf %get3A_809, %get3A_809 : vector<16xf32>
        %mul3A_820 = arith.mulf %get3A_812, %get3A_812 : vector<16xf32>
        %add3A_821 = arith.addf %mul3A_819, %mul3A_820 : vector<16xf32>
        %add3A_822 = arith.addf %add3A_818, %add3A_821 : vector<16xf32>
        %reduce_sum3A_823 = arith.constant true
        %reduce_sum3A_824 = vector.broadcast %reduce_sum3A_823 : i1 to vector<16xi1>
        %reduce_sum3A_825 = tpu.scan <sum>, %add3A_815 masked %reduce_sum3A_824 : vector<16xf32>, vector<16xi1> -> vector<16xf32>
        %reduce_sum3A_826 = vector.extract %reduce_sum3A_825[15] : f32 from vector<16xf32>
        %reduce_sum3A_827 = arith.constant true
        %reduce_sum3A_828 = vector.broadcast %reduce_sum3A_827 : i1 to vector<16xi1>
        %reduce_sum3A_829 = tpu.scan <sum>, %add3A_822 masked %reduce_sum3A_828 : vector<16xf32>, vector<16xi1> -> vector<16xf32>
        %reduce_sum3A_830 = vector.extract %reduce_sum3A_829[15] : f32 from vector<16xf32>
        %mul3A_831 = arith.constant 1.562500e-02 : f32
        %mul3A_832 = arith.mulf %reduce_sum3A_826, %mul3A_831 : f32
        %mul3A_833 = arith.constant 1.562500e-02 : f32
        %mul3A_834 = arith.mulf %reduce_sum3A_830, %mul3A_833 : f32
        %mul3A_835 = arith.mulf %mul3A_832, %mul3A_832 : f32
        %sub3A_836 = arith.subf %mul3A_834, %mul3A_835 : f32
        %broadcast_in_dim3A_837 = vector.broadcast %mul3A_832 : f32 to vector<16xf32>
        %add3A_838 = arith.constant 9.99999974E-6 : f32
        %add3A_839 = arith.addf %sub3A_836, %add3A_838 : f32
        %broadcast_in_dim3A_840 = vector.broadcast %add3A_839 : f32 to vector<16xf32>
        %bitcast3A_841 = vector.bitcast %broadcast_in_dim3A_840 : vector<16xf32> to vector<16xi32>
        %shift_right_arithmetic3A_842 = arith.constant 1 : i32
        %shift_right_arithmetic3A_843 = vector.broadcast %shift_right_arithmetic3A_842 : i32 to vector<16xi32>
        %shift_right_arithmetic3A_844 = arith.shrsi %bitcast3A_841, %shift_right_arithmetic3A_843 : vector<16xi32>
        %sub3A_845 = arith.constant 1597463007 : i32
        %sub3A_846 = vector.broadcast %sub3A_845 : i32 to vector<16xi32>
        %sub3A_847 = arith.subi %sub3A_846, %shift_right_arithmetic3A_844 : vector<16xi32>
        %bitcast3A_848 = vector.bitcast %sub3A_847 : vector<16xi32> to vector<16xf32>
        %mul3A_849 = arith.constant 5.000000e-01 : f32
        %mul3A_850 = vector.broadcast %mul3A_849 : f32 to vector<16xf32>
        %mul3A_851 = arith.mulf %broadcast_in_dim3A_840, %mul3A_850 : vector<16xf32>
        %mul3A_852 = arith.mulf %mul3A_851, %bitcast3A_848 : vector<16xf32>
        %mul3A_853 = arith.mulf %mul3A_852, %bitcast3A_848 : vector<16xf32>
        %sub3A_854 = arith.constant 1.500000e+00 : f32
        %sub3A_855 = vector.broadcast %sub3A_854 : f32 to vector<16xf32>
        %sub3A_856 = arith.subf %sub3A_855, %mul3A_853 : vector<16xf32>
        %mul3A_857 = arith.mulf %bitcast3A_848, %sub3A_856 : vector<16xf32>
        %mul3A_858 = arith.mulf %mul3A_851, %mul3A_857 : vector<16xf32>
        %mul3A_859 = arith.mulf %mul3A_858, %mul3A_857 : vector<16xf32>
        %sub3A_860 = arith.constant 1.500000e+00 : f32
        %sub3A_861 = vector.broadcast %sub3A_860 : f32 to vector<16xf32>
        %sub3A_862 = arith.subf %sub3A_861, %mul3A_859 : vector<16xf32>
        %mul3A_863 = arith.mulf %mul3A_857, %sub3A_862 : vector<16xf32>
        %mul3A_864 = arith.mulf %mul3A_851, %mul3A_863 : vector<16xf32>
        %mul3A_865 = arith.mulf %mul3A_864, %mul3A_863 : vector<16xf32>
        %sub3A_866 = arith.constant 1.500000e+00 : f32
        %sub3A_867 = vector.broadcast %sub3A_866 : f32 to vector<16xf32>
        %sub3A_868 = arith.subf %sub3A_867, %mul3A_865 : vector<16xf32>
        %mul3A_869 = arith.mulf %mul3A_863, %sub3A_868 : vector<16xf32>
        %sub3A_870 = arith.subf %get3A_803, %broadcast_in_dim3A_837 : vector<16xf32>
        %mul3A_871 = arith.mulf %sub3A_870, %mul3A_869 : vector<16xf32>
        %mul3A_872 = arith.mulf %mul3A_871, %get3A_3 : vector<16xf32>
        %add3A_873 = arith.addf %mul3A_872, %get3A_11 : vector<16xf32>
        %swap3A_874 = arith.index_cast %add3A_800 : i32 to index
        %swap3A_875 = arith.constant 0 : index
        %swap3A_876 = tpu.vector_load %arg8[%swap3A_874, %swap3A_875] {strides = array<i32>} : memref<1024x64xf32, #tpu.memory_space<vmem>>, vector<16xf32>,
        tpu.vector_store %arg8[%swap3A_874, %swap3A_875], %add3A_873 {strides = array<i32>} : memref<1024x64xf32, #tpu.memory_space<vmem>>, vector<16xf32>,
        %sub3A_877 = arith.subf %get3A_806, %broadcast_in_dim3A_837 : vector<16xf32>
        %mul3A_878 = arith.mulf %sub3A_877, %mul3A_869 : vector<16xf32>
        %mul3A_879 = arith.mulf %mul3A_878, %get3A_5 : vector<16xf32>
        %add3A_880 = arith.addf %mul3A_879, %get3A_13 : vector<16xf32>
        %swap3A_881 = arith.index_cast %add3A_800 : i32 to index
        %swap3A_882 = arith.constant 16 : index
        %swap3A_883 = tpu.vector_load %arg8[%swap3A_881, %swap3A_882] {strides = array<i32>} : memref<1024x64xf32, #tpu.memory_space<vmem>>, vector<16xf32>,
        tpu.vector_store %arg8[%swap3A_881, %swap3A_882], %add3A_880 {strides = array<i32>} : memref<1024x64xf32, #tpu.memory_space<vmem>>, vector<16xf32>,
        %sub3A_884 = arith.subf %get3A_809, %broadcast_in_dim3A_837 : vector<16xf32>
        %mul3A_885 = arith.mulf %sub3A_884, %mul3A_869 : vector<16xf32>
        %mul3A_886 = arith.mulf %mul3A_885, %get3A_7 : vector<16xf32>
        %add3A_887 = arith.addf %mul3A_886, %get3A_15 : vector<16xf32>
        %swap3A_888 = arith.index_cast %add3A_800 : i32 to index
        %swap3A_889 = arith.constant 32 : index
        %swap3A_890 = tpu.vector_load %arg8[%swap3A_888, %swap3A_889] {strides = array<i32>} : memref<1024x64xf32, #tpu.memory_space<vmem>>, vector<16xf32>,
        tpu.vector_store %arg8[%swap3A_888, %swap3A_889], %add3A_887 {strides = array<i32>} : memref<1024x64xf32, #tpu.memory_space<vmem>>, vector<16xf32>,
        %sub3A_891 = arith.subf %get3A_812, %broadcast_in_dim3A_837 : vector<16xf32>
        %mul3A_892 = arith.mulf %sub3A_891, %mul3A_869 : vector<16xf32>
        %mul3A_893 = arith.mulf %mul3A_892, %get3A_9 : vector<16xf32>
        %add3A_894 = arith.addf %mul3A_893, %get3A_17 : vector<16xf32>
        %swap3A_895 = arith.index_cast %add3A_800 : i32 to index
        %swap3A_896 = arith.constant 48 : index
        %swap3A_897 = tpu.vector_load %arg8[%swap3A_895, %swap3A_896] {strides = array<i32>} : memref<1024x64xf32, #tpu.memory_space<vmem>>, vector<16xf32>,
        tpu.vector_store %arg8[%swap3A_895, %swap3A_896], %add3A_894 {strides = array<i32>} : memref<1024x64xf32, #tpu.memory_space<vmem>>, vector<16xf32>,
        %add3A_898 = arith.constant 7 : i32
        %add3A_899 = arith.addi %mul3A_209, %add3A_898 : i32
        %get3A_900 = arith.index_cast %add3A_899 : i32 to index
        %get3A_901 = arith.constant 0 : index
        %get3A_902 = tpu.vector_load %arg8[%get3A_900, %get3A_901] {strides = array<i32>} : memref<1024x64xf32, #tpu.memory_space<vmem>>, vector<16xf32>,
        %get3A_903 = arith.index_cast %add3A_899 : i32 to index
        %get3A_904 = arith.constant 16 : index
        %get3A_905 = tpu.vector_load %arg8[%get3A_903, %get3A_904] {strides = array<i32>} : memref<1024x64xf32, #tpu.memory_space<vmem>>, vector<16xf32>,
        %get3A_906 = arith.index_cast %add3A_899 : i32 to index
        %get3A_907 = arith.constant 32 : index
        %get3A_908 = tpu.vector_load %arg8[%get3A_906, %get3A_907] {strides = array<i32>} : memref<1024x64xf32, #tpu.memory_space<vmem>>, vector<16xf32>,
        %get3A_909 = arith.index_cast %add3A_899 : i32 to index
        %get3A_910 = arith.constant 48 : index
        %get3A_911 = tpu.vector_load %arg8[%get3A_909, %get3A_910] {strides = array<i32>} : memref<1024x64xf32, #tpu.memory_space<vmem>>, vector<16xf32>,
        %add3A_912 = arith.addf %get3A_902, %get3A_905 : vector<16xf32>
        %add3A_913 = arith.addf %get3A_908, %get3A_911 : vector<16xf32>
        %add3A_914 = arith.addf %add3A_912, %add3A_913 : vector<16xf32>
        %mul3A_915 = arith.mulf %get3A_902, %get3A_902 : vector<16xf32>
        %mul3A_916 = arith.mulf %get3A_905, %get3A_905 : vector<16xf32>
        %add3A_917 = arith.addf %mul3A_915, %mul3A_916 : vector<16xf32>
        %mul3A_918 = arith.mulf %get3A_908, %get3A_908 : vector<16xf32>
        %mul3A_919 = arith.mulf %get3A_911, %get3A_911 : vector<16xf32>
        %add3A_920 = arith.addf %mul3A_918, %mul3A_919 : vector<16xf32>
        %add3A_921 = arith.addf %add3A_917, %add3A_920 : vector<16xf32>
        %reduce_sum3A_922 = arith.constant true
        %reduce_sum3A_923 = vector.broadcast %reduce_sum3A_922 : i1 to vector<16xi1>
        %reduce_sum3A_924 = tpu.scan <sum>, %add3A_914 masked %reduce_sum3A_923 : vector<16xf32>, vector<16xi1> -> vector<16xf32>
        %reduce_sum3A_925 = vector.extract %reduce_sum3A_924[15] : f32 from vector<16xf32>
        %reduce_sum3A_926 = arith.constant true
        %reduce_sum3A_927 = vector.broadcast %reduce_sum3A_926 : i1 to vector<16xi1>
        %reduce_sum3A_928 = tpu.scan <sum>, %add3A_921 masked %reduce_sum3A_927 : vector<16xf32>, vector<16xi1> -> vector<16xf32>
        %reduce_sum3A_929 = vector.extract %reduce_sum3A_928[15] : f32 from vector<16xf32>
        %mul3A_930 = arith.constant 1.562500e-02 : f32
        %mul3A_931 = arith.mulf %reduce_sum3A_925, %mul3A_930 : f32
        %mul3A_932 = arith.constant 1.562500e-02 : f32
        %mul3A_933 = arith.mulf %reduce_sum3A_929, %mul3A_932 : f32
        %mul3A_934 = arith.mulf %mul3A_931, %mul3A_931 : f32
        %sub3A_935 = arith.subf %mul3A_933, %mul3A_934 : f32
        %broadcast_in_dim3A_936 = vector.broadcast %mul3A_931 : f32 to vector<16xf32>
        %add3A_937 = arith.constant 9.99999974E-6 : f32
        %add3A_938 = arith.addf %sub3A_935, %add3A_937 : f32
        %broadcast_in_dim3A_939 = vector.broadcast %add3A_938 : f32 to vector<16xf32>
        %bitcast3A_940 = vector.bitcast %broadcast_in_dim3A_939 : vector<16xf32> to vector<16xi32>
        %shift_right_arithmetic3A_941 = arith.constant 1 : i32
        %shift_right_arithmetic3A_942 = vector.broadcast %shift_right_arithmetic3A_941 : i32 to vector<16xi32>
        %shift_right_arithmetic3A_943 = arith.shrsi %bitcast3A_940, %shift_right_arithmetic3A_942 : vector<16xi32>
        %sub3A_944 = arith.constant 1597463007 : i32
        %sub3A_945 = vector.broadcast %sub3A_944 : i32 to vector<16xi32>
        %sub3A_946 = arith.subi %sub3A_945, %shift_right_arithmetic3A_943 : vector<16xi32>
        %bitcast3A_947 = vector.bitcast %sub3A_946 : vector<16xi32> to vector<16xf32>
        %mul3A_948 = arith.constant 5.000000e-01 : f32
        %mul3A_949 = vector.broadcast %mul3A_948 : f32 to vector<16xf32>
        %mul3A_950 = arith.mulf %broadcast_in_dim3A_939, %mul3A_949 : vector<16xf32>
        %mul3A_951 = arith.mulf %mul3A_950, %bitcast3A_947 : vector<16xf32>
        %mul3A_952 = arith.mulf %mul3A_951, %bitcast3A_947 : vector<16xf32>
        %sub3A_953 = arith.constant 1.500000e+00 : f32
        %sub3A_954 = vector.broadcast %sub3A_953 : f32 to vector<16xf32>
        %sub3A_955 = arith.subf %sub3A_954, %mul3A_952 : vector<16xf32>
        %mul3A_956 = arith.mulf %bitcast3A_947, %sub3A_955 : vector<16xf32>
        %mul3A_957 = arith.mulf %mul3A_950, %mul3A_956 : vector<16xf32>
        %mul3A_958 = arith.mulf %mul3A_957, %mul3A_956 : vector<16xf32>
        %sub3A_959 = arith.constant 1.500000e+00 : f32
        %sub3A_960 = vector.broadcast %sub3A_959 : f32 to vector<16xf32>
        %sub3A_961 = arith.subf %sub3A_960, %mul3A_958 : vector<16xf32>
        %mul3A_962 = arith.mulf %mul3A_956, %sub3A_961 : vector<16xf32>
        %mul3A_963 = arith.mulf %mul3A_950, %mul3A_962 : vector<16xf32>
        %mul3A_964 = arith.mulf %mul3A_963, %mul3A_962 : vector<16xf32>
        %sub3A_965 = arith.constant 1.500000e+00 : f32
        %sub3A_966 = vector.broadcast %sub3A_965 : f32 to vector<16xf32>
        %sub3A_967 = arith.subf %sub3A_966, %mul3A_964 : vector<16xf32>
        %mul3A_968 = arith.mulf %mul3A_962, %sub3A_967 : vector<16xf32>
        %sub3A_969 = arith.subf %get3A_902, %broadcast_in_dim3A_936 : vector<16xf32>
        %mul3A_970 = arith.mulf %sub3A_969, %mul3A_968 : vector<16xf32>
        %mul3A_971 = arith.mulf %mul3A_970, %get3A_3 : vector<16xf32>
        %add3A_972 = arith.addf %mul3A_971, %get3A_11 : vector<16xf32>
        %swap3A_973 = arith.index_cast %add3A_899 : i32 to index
        %swap3A_974 = arith.constant 0 : index
        %swap3A_975 = tpu.vector_load %arg8[%swap3A_973, %swap3A_974] {strides = array<i32>} : memref<1024x64xf32, #tpu.memory_space<vmem>>, vector<16xf32>,
        tpu.vector_store %arg8[%swap3A_973, %swap3A_974], %add3A_972 {strides = array<i32>} : memref<1024x64xf32, #tpu.memory_space<vmem>>, vector<16xf32>,
        %sub3A_976 = arith.subf %get3A_905, %broadcast_in_dim3A_936 : vector<16xf32>
        %mul3A_977 = arith.mulf %sub3A_976, %mul3A_968 : vector<16xf32>
        %mul3A_978 = arith.mulf %mul3A_977, %get3A_5 : vector<16xf32>
        %add3A_979 = arith.addf %mul3A_978, %get3A_13 : vector<16xf32>
        %swap3A_980 = arith.index_cast %add3A_899 : i32 to index
        %swap3A_981 = arith.constant 16 : index
        %swap3A_982 = tpu.vector_load %arg8[%swap3A_980, %swap3A_981] {strides = array<i32>} : memref<1024x64xf32, #tpu.memory_space<vmem>>, vector<16xf32>,
        tpu.vector_store %arg8[%swap3A_980, %swap3A_981], %add3A_979 {strides = array<i32>} : memref<1024x64xf32, #tpu.memory_space<vmem>>, vector<16xf32>,
        %sub3A_983 = arith.subf %get3A_908, %broadcast_in_dim3A_936 : vector<16xf32>
        %mul3A_984 = arith.mulf %sub3A_983, %mul3A_968 : vector<16xf32>
        %mul3A_985 = arith.mulf %mul3A_984, %get3A_7 : vector<16xf32>
        %add3A_986 = arith.addf %mul3A_985, %get3A_15 : vector<16xf32>
        %swap3A_987 = arith.index_cast %add3A_899 : i32 to index
        %swap3A_988 = arith.constant 32 : index
        %swap3A_989 = tpu.vector_load %arg8[%swap3A_987, %swap3A_988] {strides = array<i32>} : memref<1024x64xf32, #tpu.memory_space<vmem>>, vector<16xf32>,
        tpu.vector_store %arg8[%swap3A_987, %swap3A_988], %add3A_986 {strides = array<i32>} : memref<1024x64xf32, #tpu.memory_space<vmem>>, vector<16xf32>,
        %sub3A_990 = arith.subf %get3A_911, %broadcast_in_dim3A_936 : vector<16xf32>
        %mul3A_991 = arith.mulf %sub3A_990, %mul3A_968 : vector<16xf32>
        %mul3A_992 = arith.mulf %mul3A_991, %get3A_9 : vector<16xf32>
        %add3A_993 = arith.addf %mul3A_992, %get3A_17 : vector<16xf32>
        %swap3A_994 = arith.index_cast %add3A_899 : i32 to index
        %swap3A_995 = arith.constant 48 : index
        %swap3A_996 = tpu.vector_load %arg8[%swap3A_994, %swap3A_995] {strides = array<i32>} : memref<1024x64xf32, #tpu.memory_space<vmem>>, vector<16xf32>,
        tpu.vector_store %arg8[%swap3A_994, %swap3A_995], %add3A_993 {strides = array<i32>} : memref<1024x64xf32, #tpu.memory_space<vmem>>, vector<16xf32>,
        %add3A_997 = arith.constant 8 : i32
        %add3A_998 = arith.addi %mul3A_209, %add3A_997 : i32
        %get3A_999 = arith.index_cast %add3A_998 : i32 to index
        %get3A_1000 = arith.constant 0 : index
        %get3A_1001 = tpu.vector_load %arg8[%get3A_999, %get3A_1000] {strides = array<i32>} : memref<1024x64xf32, #tpu.memory_space<vmem>>, vector<16xf32>,
        %get3A_1002 = arith.index_cast %add3A_998 : i32 to index
        %get3A_1003 = arith.constant 16 : index
        %get3A_1004 = tpu.vector_load %arg8[%get3A_1002, %get3A_1003] {strides = array<i32>} : memref<1024x64xf32, #tpu.memory_space<vmem>>, vector<16xf32>,
        %get3A_1005 = arith.index_cast %add3A_998 : i32 to index
        %get3A_1006 = arith.constant 32 : index
        %get3A_1007 = tpu.vector_load %arg8[%get3A_1005, %get3A_1006] {strides = array<i32>} : memref<1024x64xf32, #tpu.memory_space<vmem>>, vector<16xf32>,
        %get3A_1008 = arith.index_cast %add3A_998 : i32 to index
        %get3A_1009 = arith.constant 48 : index
        %get3A_1010 = tpu.vector_load %arg8[%get3A_1008, %get3A_1009] {strides = array<i32>} : memref<1024x64xf32, #tpu.memory_space<vmem>>, vector<16xf32>,
        %add3A_1011 = arith.addf %get3A_1001, %get3A_1004 : vector<16xf32>
        %add3A_1012 = arith.addf %get3A_1007, %get3A_1010 : vector<16xf32>
        %add3A_1013 = arith.addf %add3A_1011, %add3A_1012 : vector<16xf32>
        %mul3A_1014 = arith.mulf %get3A_1001, %get3A_1001 : vector<16xf32>
        %mul3A_1015 = arith.mulf %get3A_1004, %get3A_1004 : vector<16xf32>
        %add3A_1016 = arith.addf %mul3A_1014, %mul3A_1015 : vector<16xf32>
        %mul3A_1017 = arith.mulf %get3A_1007, %get3A_1007 : vector<16xf32>
        %mul3A_1018 = arith.mulf %get3A_1010, %get3A_1010 : vector<16xf32>
        %add3A_1019 = arith.addf %mul3A_1017, %mul3A_1018 : vector<16xf32>
        %add3A_1020 = arith.addf %add3A_1016, %add3A_1019 : vector<16xf32>
        %reduce_sum3A_1021 = arith.constant true
        %reduce_sum3A_1022 = vector.broadcast %reduce_sum3A_1021 : i1 to vector<16xi1>
        %reduce_sum3A_1023 = tpu.scan <sum>, %add3A_1013 masked %reduce_sum3A_1022 : vector<16xf32>, vector<16xi1> -> vector<16xf32>
        %reduce_sum3A_1024 = vector.extract %reduce_sum3A_1023[15] : f32 from vector<16xf32>
        %reduce_sum3A_1025 = arith.constant true
        %reduce_sum3A_1026 = vector.broadcast %reduce_sum3A_1025 : i1 to vector<16xi1>
        %reduce_sum3A_1027 = tpu.scan <sum>, %add3A_1020 masked %reduce_sum3A_1026 : vector<16xf32>, vector<16xi1> -> vector<16xf32>
        %reduce_sum3A_1028 = vector.extract %reduce_sum3A_1027[15] : f32 from vector<16xf32>
        %mul3A_1029 = arith.constant 1.562500e-02 : f32
        %mul3A_1030 = arith.mulf %reduce_sum3A_1024, %mul3A_1029 : f32
        %mul3A_1031 = arith.constant 1.562500e-02 : f32
        %mul3A_1032 = arith.mulf %reduce_sum3A_1028, %mul3A_1031 : f32
        %mul3A_1033 = arith.mulf %mul3A_1030, %mul3A_1030 : f32
        %sub3A_1034 = arith.subf %mul3A_1032, %mul3A_1033 : f32
        %broadcast_in_dim3A_1035 = vector.broadcast %mul3A_1030 : f32 to vector<16xf32>
        %add3A_1036 = arith.constant 9.99999974E-6 : f32
        %add3A_1037 = arith.addf %sub3A_1034, %add3A_1036 : f32
        %broadcast_in_dim3A_1038 = vector.broadcast %add3A_1037 : f32 to vector<16xf32>
        %bitcast3A_1039 = vector.bitcast %broadcast_in_dim3A_1038 : vector<16xf32> to vector<16xi32>
        %shift_right_arithmetic3A_1040 = arith.constant 1 : i32
        %shift_right_arithmetic3A_1041 = vector.broadcast %shift_right_arithmetic3A_1040 : i32 to vector<16xi32>
        %shift_right_arithmetic3A_1042 = arith.shrsi %bitcast3A_1039, %shift_right_arithmetic3A_1041 : vector<16xi32>
        %sub3A_1043 = arith.constant 1597463007 : i32
        %sub3A_1044 = vector.broadcast %sub3A_1043 : i32 to vector<16xi32>
        %sub3A_1045 = arith.subi %sub3A_1044, %shift_right_arithmetic3A_1042 : vector<16xi32>
        %bitcast3A_1046 = vector.bitcast %sub3A_1045 : vector<16xi32> to vector<16xf32>
        %mul3A_1047 = arith.constant 5.000000e-01 : f32
        %mul3A_1048 = vector.broadcast %mul3A_1047 : f32 to vector<16xf32>
        %mul3A_1049 = arith.mulf %broadcast_in_dim3A_1038, %mul3A_1048 : vector<16xf32>
        %mul3A_1050 = arith.mulf %mul3A_1049, %bitcast3A_1046 : vector<16xf32>
        %mul3A_1051 = arith.mulf %mul3A_1050, %bitcast3A_1046 : vector<16xf32>
        %sub3A_1052 = arith.constant 1.500000e+00 : f32
        %sub3A_1053 = vector.broadcast %sub3A_1052 : f32 to vector<16xf32>
        %sub3A_1054 = arith.subf %sub3A_1053, %mul3A_1051 : vector<16xf32>
        %mul3A_1055 = arith.mulf %bitcast3A_1046, %sub3A_1054 : vector<16xf32>
        %mul3A_1056 = arith.mulf %mul3A_1049, %mul3A_1055 : vector<16xf32>
        %mul3A_1057 = arith.mulf %mul3A_1056, %mul3A_1055 : vector<16xf32>
        %sub3A_1058 = arith.constant 1.500000e+00 : f32
        %sub3A_1059 = vector.broadcast %sub3A_1058 : f32 to vector<16xf32>
        %sub3A_1060 = arith.subf %sub3A_1059, %mul3A_1057 : vector<16xf32>
        %mul3A_1061 = arith.mulf %mul3A_1055, %sub3A_1060 : vector<16xf32>
        %mul3A_1062 = arith.mulf %mul3A_1049, %mul3A_1061 : vector<16xf32>
        %mul3A_1063 = arith.mulf %mul3A_1062, %mul3A_1061 : vector<16xf32>
        %sub3A_1064 = arith.constant 1.500000e+00 : f32
        %sub3A_1065 = vector.broadcast %sub3A_1064 : f32 to vector<16xf32>
        %sub3A_1066 = arith.subf %sub3A_1065, %mul3A_1063 : vector<16xf32>
        %mul3A_1067 = arith.mulf %mul3A_1061, %sub3A_1066 : vector<16xf32>
        %sub3A_1068 = arith.subf %get3A_1001, %broadcast_in_dim3A_1035 : vector<16xf32>
        %mul3A_1069 = arith.mulf %sub3A_1068, %mul3A_1067 : vector<16xf32>
        %mul3A_1070 = arith.mulf %mul3A_1069, %get3A_3 : vector<16xf32>
        %add3A_1071 = arith.addf %mul3A_1070, %get3A_11 : vector<16xf32>
        %swap3A_1072 = arith.index_cast %add3A_998 : i32 to index
        %swap3A_1073 = arith.constant 0 : index
        %swap3A_1074 = tpu.vector_load %arg8[%swap3A_1072, %swap3A_1073] {strides = array<i32>} : memref<1024x64xf32, #tpu.memory_space<vmem>>, vector<16xf32>,
        tpu.vector_store %arg8[%swap3A_1072, %swap3A_1073], %add3A_1071 {strides = array<i32>} : memref<1024x64xf32, #tpu.memory_space<vmem>>, vector<16xf32>,
        %sub3A_1075 = arith.subf %get3A_1004, %broadcast_in_dim3A_1035 : vector<16xf32>
        %mul3A_1076 = arith.mulf %sub3A_1075, %mul3A_1067 : vector<16xf32>
        %mul3A_1077 = arith.mulf %mul3A_1076, %get3A_5 : vector<16xf32>
        %add3A_1078 = arith.addf %mul3A_1077, %get3A_13 : vector<16xf32>
        %swap3A_1079 = arith.index_cast %add3A_998 : i32 to index
        %swap3A_1080 = arith.constant 16 : index
        %swap3A_1081 = tpu.vector_load %arg8[%swap3A_1079, %swap3A_1080] {strides = array<i32>} : memref<1024x64xf32, #tpu.memory_space<vmem>>, vector<16xf32>,
        tpu.vector_store %arg8[%swap3A_1079, %swap3A_1080], %add3A_1078 {strides = array<i32>} : memref<1024x64xf32, #tpu.memory_space<vmem>>, vector<16xf32>,
        %sub3A_1082 = arith.subf %get3A_1007, %broadcast_in_dim3A_1035 : vector<16xf32>
        %mul3A_1083 = arith.mulf %sub3A_1082, %mul3A_1067 : vector<16xf32>
        %mul3A_1084 = arith.mulf %mul3A_1083, %get3A_7 : vector<16xf32>
        %add3A_1085 = arith.addf %mul3A_1084, %get3A_15 : vector<16xf32>
        %swap3A_1086 = arith.index_cast %add3A_998 : i32 to index
        %swap3A_1087 = arith.constant 32 : index
        %swap3A_1088 = tpu.vector_load %arg8[%swap3A_1086, %swap3A_1087] {strides = array<i32>} : memref<1024x64xf32, #tpu.memory_space<vmem>>, vector<16xf32>,
        tpu.vector_store %arg8[%swap3A_1086, %swap3A_1087], %add3A_1085 {strides = array<i32>} : memref<1024x64xf32, #tpu.memory_space<vmem>>, vector<16xf32>,
        %sub3A_1089 = arith.subf %get3A_1010, %broadcast_in_dim3A_1035 : vector<16xf32>
        %mul3A_1090 = arith.mulf %sub3A_1089, %mul3A_1067 : vector<16xf32>
        %mul3A_1091 = arith.mulf %mul3A_1090, %get3A_9 : vector<16xf32>
        %add3A_1092 = arith.addf %mul3A_1091, %get3A_17 : vector<16xf32>
        %swap3A_1093 = arith.index_cast %add3A_998 : i32 to index
        %swap3A_1094 = arith.constant 48 : index
        %swap3A_1095 = tpu.vector_load %arg8[%swap3A_1093, %swap3A_1094] {strides = array<i32>} : memref<1024x64xf32, #tpu.memory_space<vmem>>, vector<16xf32>,
        tpu.vector_store %arg8[%swap3A_1093, %swap3A_1094], %add3A_1092 {strides = array<i32>} : memref<1024x64xf32, #tpu.memory_space<vmem>>, vector<16xf32>,
        %add3A_1096 = arith.constant 9 : i32
        %add3A_1097 = arith.addi %mul3A_209, %add3A_1096 : i32
        %get3A_1098 = arith.index_cast %add3A_1097 : i32 to index
        %get3A_1099 = arith.constant 0 : index
        %get3A_1100 = tpu.vector_load %arg8[%get3A_1098, %get3A_1099] {strides = array<i32>} : memref<1024x64xf32, #tpu.memory_space<vmem>>, vector<16xf32>,
        %get3A_1101 = arith.index_cast %add3A_1097 : i32 to index
        %get3A_1102 = arith.constant 16 : index
        %get3A_1103 = tpu.vector_load %arg8[%get3A_1101, %get3A_1102] {strides = array<i32>} : memref<1024x64xf32, #tpu.memory_space<vmem>>, vector<16xf32>,
        %get3A_1104 = arith.index_cast %add3A_1097 : i32 to index
        %get3A_1105 = arith.constant 32 : index
        %get3A_1106 = tpu.vector_load %arg8[%get3A_1104, %get3A_1105] {strides = array<i32>} : memref<1024x64xf32, #tpu.memory_space<vmem>>, vector<16xf32>,
        %get3A_1107 = arith.index_cast %add3A_1097 : i32 to index
        %get3A_1108 = arith.constant 48 : index
        %get3A_1109 = tpu.vector_load %arg8[%get3A_1107, %get3A_1108] {strides = array<i32>} : memref<1024x64xf32, #tpu.memory_space<vmem>>, vector<16xf32>,
        %add3A_1110 = arith.addf %get3A_1100, %get3A_1103 : vector<16xf32>
        %add3A_1111 = arith.addf %get3A_1106, %get3A_1109 : vector<16xf32>
        %add3A_1112 = arith.addf %add3A_1110, %add3A_1111 : vector<16xf32>
        %mul3A_1113 = arith.mulf %get3A_1100, %get3A_1100 : vector<16xf32>
        %mul3A_1114 = arith.mulf %get3A_1103, %get3A_1103 : vector<16xf32>
        %add3A_1115 = arith.addf %mul3A_1113, %mul3A_1114 : vector<16xf32>
        %mul3A_1116 = arith.mulf %get3A_1106, %get3A_1106 : vector<16xf32>
        %mul3A_1117 = arith.mulf %get3A_1109, %get3A_1109 : vector<16xf32>
        %add3A_1118 = arith.addf %mul3A_1116, %mul3A_1117 : vector<16xf32>
        %add3A_1119 = arith.addf %add3A_1115, %add3A_1118 : vector<16xf32>
        %reduce_sum3A_1120 = arith.constant true
        %reduce_sum3A_1121 = vector.broadcast %reduce_sum3A_1120 : i1 to vector<16xi1>
        %reduce_sum3A_1122 = tpu.scan <sum>, %add3A_1112 masked %reduce_sum3A_1121 : vector<16xf32>, vector<16xi1> -> vector<16xf32>
        %reduce_sum3A_1123 = vector.extract %reduce_sum3A_1122[15] : f32 from vector<16xf32>
        %reduce_sum3A_1124 = arith.constant true
        %reduce_sum3A_1125 = vector.broadcast %reduce_sum3A_1124 : i1 to vector<16xi1>
        %reduce_sum3A_1126 = tpu.scan <sum>, %add3A_1119 masked %reduce_sum3A_1125 : vector<16xf32>, vector<16xi1> -> vector<16xf32>
        %reduce_sum3A_1127 = vector.extract %reduce_sum3A_1126[15] : f32 from vector<16xf32>
        %mul3A_1128 = arith.constant 1.562500e-02 : f32
        %mul3A_1129 = arith.mulf %reduce_sum3A_1123, %mul3A_1128 : f32
        %mul3A_1130 = arith.constant 1.562500e-02 : f32
        %mul3A_1131 = arith.mulf %reduce_sum3A_1127, %mul3A_1130 : f32
        %mul3A_1132 = arith.mulf %mul3A_1129, %mul3A_1129 : f32
        %sub3A_1133 = arith.subf %mul3A_1131, %mul3A_1132 : f32
        %broadcast_in_dim3A_1134 = vector.broadcast %mul3A_1129 : f32 to vector<16xf32>
        %add3A_1135 = arith.constant 9.99999974E-6 : f32
        %add3A_1136 = arith.addf %sub3A_1133, %add3A_1135 : f32
        %broadcast_in_dim3A_1137 = vector.broadcast %add3A_1136 : f32 to vector<16xf32>
        %bitcast3A_1138 = vector.bitcast %broadcast_in_dim3A_1137 : vector<16xf32> to vector<16xi32>
        %shift_right_arithmetic3A_1139 = arith.constant 1 : i32
        %shift_right_arithmetic3A_1140 = vector.broadcast %shift_right_arithmetic3A_1139 : i32 to vector<16xi32>
        %shift_right_arithmetic3A_1141 = arith.shrsi %bitcast3A_1138, %shift_right_arithmetic3A_1140 : vector<16xi32>
        %sub3A_1142 = arith.constant 1597463007 : i32
        %sub3A_1143 = vector.broadcast %sub3A_1142 : i32 to vector<16xi32>
        %sub3A_1144 = arith.subi %sub3A_1143, %shift_right_arithmetic3A_1141 : vector<16xi32>
        %bitcast3A_1145 = vector.bitcast %sub3A_1144 : vector<16xi32> to vector<16xf32>
        %mul3A_1146 = arith.constant 5.000000e-01 : f32
        %mul3A_1147 = vector.broadcast %mul3A_1146 : f32 to vector<16xf32>
        %mul3A_1148 = arith.mulf %broadcast_in_dim3A_1137, %mul3A_1147 : vector<16xf32>
        %mul3A_1149 = arith.mulf %mul3A_1148, %bitcast3A_1145 : vector<16xf32>
        %mul3A_1150 = arith.mulf %mul3A_1149, %bitcast3A_1145 : vector<16xf32>
        %sub3A_1151 = arith.constant 1.500000e+00 : f32
        %sub3A_1152 = vector.broadcast %sub3A_1151 : f32 to vector<16xf32>
        %sub3A_1153 = arith.subf %sub3A_1152, %mul3A_1150 : vector<16xf32>
        %mul3A_1154 = arith.mulf %bitcast3A_1145, %sub3A_1153 : vector<16xf32>
        %mul3A_1155 = arith.mulf %mul3A_1148, %mul3A_1154 : vector<16xf32>
        %mul3A_1156 = arith.mulf %mul3A_1155, %mul3A_1154 : vector<16xf32>
        %sub3A_1157 = arith.constant 1.500000e+00 : f32
        %sub3A_1158 = vector.broadcast %sub3A_1157 : f32 to vector<16xf32>
        %sub3A_1159 = arith.subf %sub3A_1158, %mul3A_1156 : vector<16xf32>
        %mul3A_1160 = arith.mulf %mul3A_1154, %sub3A_1159 : vector<16xf32>
        %mul3A_1161 = arith.mulf %mul3A_1148, %mul3A_1160 : vector<16xf32>
        %mul3A_1162 = arith.mulf %mul3A_1161, %mul3A_1160 : vector<16xf32>
        %sub3A_1163 = arith.constant 1.500000e+00 : f32
        %sub3A_1164 = vector.broadcast %sub3A_1163 : f32 to vector<16xf32>
        %sub3A_1165 = arith.subf %sub3A_1164, %mul3A_1162 : vector<16xf32>
        %mul3A_1166 = arith.mulf %mul3A_1160, %sub3A_1165 : vector<16xf32>
        %sub3A_1167 = arith.subf %get3A_1100, %broadcast_in_dim3A_1134 : vector<16xf32>
        %mul3A_1168 = arith.mulf %sub3A_1167, %mul3A_1166 : vector<16xf32>
        %mul3A_1169 = arith.mulf %mul3A_1168, %get3A_3 : vector<16xf32>
        %add3A_1170 = arith.addf %mul3A_1169, %get3A_11 : vector<16xf32>
        %swap3A_1171 = arith.index_cast %add3A_1097 : i32 to index
        %swap3A_1172 = arith.constant 0 : index
        %swap3A_1173 = tpu.vector_load %arg8[%swap3A_1171, %swap3A_1172] {strides = array<i32>} : memref<1024x64xf32, #tpu.memory_space<vmem>>, vector<16xf32>,
        tpu.vector_store %arg8[%swap3A_1171, %swap3A_1172], %add3A_1170 {strides = array<i32>} : memref<1024x64xf32, #tpu.memory_space<vmem>>, vector<16xf32>,
        %sub3A_1174 = arith.subf %get3A_1103, %broadcast_in_dim3A_1134 : vector<16xf32>
        %mul3A_1175 = arith.mulf %sub3A_1174, %mul3A_1166 : vector<16xf32>
        %mul3A_1176 = arith.mulf %mul3A_1175, %get3A_5 : vector<16xf32>
        %add3A_1177 = arith.addf %mul3A_1176, %get3A_13 : vector<16xf32>
        %swap3A_1178 = arith.index_cast %add3A_1097 : i32 to index
        %swap3A_1179 = arith.constant 16 : index
        %swap3A_1180 = tpu.vector_load %arg8[%swap3A_1178, %swap3A_1179] {strides = array<i32>} : memref<1024x64xf32, #tpu.memory_space<vmem>>, vector<16xf32>,
        tpu.vector_store %arg8[%swap3A_1178, %swap3A_1179], %add3A_1177 {strides = array<i32>} : memref<1024x64xf32, #tpu.memory_space<vmem>>, vector<16xf32>,
        %sub3A_1181 = arith.subf %get3A_1106, %broadcast_in_dim3A_1134 : vector<16xf32>
        %mul3A_1182 = arith.mulf %sub3A_1181, %mul3A_1166 : vector<16xf32>
        %mul3A_1183 = arith.mulf %mul3A_1182, %get3A_7 : vector<16xf32>
        %add3A_1184 = arith.addf %mul3A_1183, %get3A_15 : vector<16xf32>
        %swap3A_1185 = arith.index_cast %add3A_1097 : i32 to index
        %swap3A_1186 = arith.constant 32 : index
        %swap3A_1187 = tpu.vector_load %arg8[%swap3A_1185, %swap3A_1186] {strides = array<i32>} : memref<1024x64xf32, #tpu.memory_space<vmem>>, vector<16xf32>,
        tpu.vector_store %arg8[%swap3A_1185, %swap3A_1186], %add3A_1184 {strides = array<i32>} : memref<1024x64xf32, #tpu.memory_space<vmem>>, vector<16xf32>,
        %sub3A_1188 = arith.subf %get3A_1109, %broadcast_in_dim3A_1134 : vector<16xf32>
        %mul3A_1189 = arith.mulf %sub3A_1188, %mul3A_1166 : vector<16xf32>
        %mul3A_1190 = arith.mulf %mul3A_1189, %get3A_9 : vector<16xf32>
        %add3A_1191 = arith.addf %mul3A_1190, %get3A_17 : vector<16xf32>
        %swap3A_1192 = arith.index_cast %add3A_1097 : i32 to index
        %swap3A_1193 = arith.constant 48 : index
        %swap3A_1194 = tpu.vector_load %arg8[%swap3A_1192, %swap3A_1193] {strides = array<i32>} : memref<1024x64xf32, #tpu.memory_space<vmem>>, vector<16xf32>,
        tpu.vector_store %arg8[%swap3A_1192, %swap3A_1193], %add3A_1191 {strides = array<i32>} : memref<1024x64xf32, #tpu.memory_space<vmem>>, vector<16xf32>,
        %add3A_1195 = arith.constant 10 : i32
        %add3A_1196 = arith.addi %mul3A_209, %add3A_1195 : i32
        %get3A_1197 = arith.index_cast %add3A_1196 : i32 to index
        %get3A_1198 = arith.constant 0 : index
        %get3A_1199 = tpu.vector_load %arg8[%get3A_1197, %get3A_1198] {strides = array<i32>} : memref<1024x64xf32, #tpu.memory_space<vmem>>, vector<16xf32>,
        %get3A_1200 = arith.index_cast %add3A_1196 : i32 to index
        %get3A_1201 = arith.constant 16 : index
        %get3A_1202 = tpu.vector_load %arg8[%get3A_1200, %get3A_1201] {strides = array<i32>} : memref<1024x64xf32, #tpu.memory_space<vmem>>, vector<16xf32>,
        %get3A_1203 = arith.index_cast %add3A_1196 : i32 to index
        %get3A_1204 = arith.constant 32 : index
        %get3A_1205 = tpu.vector_load %arg8[%get3A_1203, %get3A_1204] {strides = array<i32>} : memref<1024x64xf32, #tpu.memory_space<vmem>>, vector<16xf32>,
        %get3A_1206 = arith.index_cast %add3A_1196 : i32 to index
        %get3A_1207 = arith.constant 48 : index
        %get3A_1208 = tpu.vector_load %arg8[%get3A_1206, %get3A_1207] {strides = array<i32>} : memref<1024x64xf32, #tpu.memory_space<vmem>>, vector<16xf32>,
        %add3A_1209 = arith.addf %get3A_1199, %get3A_1202 : vector<16xf32>
        %add3A_1210 = arith.addf %get3A_1205, %get3A_1208 : vector<16xf32>
        %add3A_1211 = arith.addf %add3A_1209, %add3A_1210 : vector<16xf32>
        %mul3A_1212 = arith.mulf %get3A_1199, %get3A_1199 : vector<16xf32>
        %mul3A_1213 = arith.mulf %get3A_1202, %get3A_1202 : vector<16xf32>
        %add3A_1214 = arith.addf %mul3A_1212, %mul3A_1213 : vector<16xf32>
        %mul3A_1215 = arith.mulf %get3A_1205, %get3A_1205 : vector<16xf32>
        %mul3A_1216 = arith.mulf %get3A_1208, %get3A_1208 : vector<16xf32>
        %add3A_1217 = arith.addf %mul3A_1215, %mul3A_1216 : vector<16xf32>
        %add3A_1218 = arith.addf %add3A_1214, %add3A_1217 : vector<16xf32>
        %reduce_sum3A_1219 = arith.constant true
        %reduce_sum3A_1220 = vector.broadcast %reduce_sum3A_1219 : i1 to vector<16xi1>
        %reduce_sum3A_1221 = tpu.scan <sum>, %add3A_1211 masked %reduce_sum3A_1220 : vector<16xf32>, vector<16xi1> -> vector<16xf32>
        %reduce_sum3A_1222 = vector.extract %reduce_sum3A_1221[15] : f32 from vector<16xf32>
        %reduce_sum3A_1223 = arith.constant true
        %reduce_sum3A_1224 = vector.broadcast %reduce_sum3A_1223 : i1 to vector<16xi1>
        %reduce_sum3A_1225 = tpu.scan <sum>, %add3A_1218 masked %reduce_sum3A_1224 : vector<16xf32>, vector<16xi1> -> vector<16xf32>
        %reduce_sum3A_1226 = vector.extract %reduce_sum3A_1225[15] : f32 from vector<16xf32>
        %mul3A_1227 = arith.constant 1.562500e-02 : f32
        %mul3A_1228 = arith.mulf %reduce_sum3A_1222, %mul3A_1227 : f32
        %mul3A_1229 = arith.constant 1.562500e-02 : f32
        %mul3A_1230 = arith.mulf %reduce_sum3A_1226, %mul3A_1229 : f32
        %mul3A_1231 = arith.mulf %mul3A_1228, %mul3A_1228 : f32
        %sub3A_1232 = arith.subf %mul3A_1230, %mul3A_1231 : f32
        %broadcast_in_dim3A_1233 = vector.broadcast %mul3A_1228 : f32 to vector<16xf32>
        %add3A_1234 = arith.constant 9.99999974E-6 : f32
        %add3A_1235 = arith.addf %sub3A_1232, %add3A_1234 : f32
        %broadcast_in_dim3A_1236 = vector.broadcast %add3A_1235 : f32 to vector<16xf32>
        %bitcast3A_1237 = vector.bitcast %broadcast_in_dim3A_1236 : vector<16xf32> to vector<16xi32>
        %shift_right_arithmetic3A_1238 = arith.constant 1 : i32
        %shift_right_arithmetic3A_1239 = vector.broadcast %shift_right_arithmetic3A_1238 : i32 to vector<16xi32>
        %shift_right_arithmetic3A_1240 = arith.shrsi %bitcast3A_1237, %shift_right_arithmetic3A_1239 : vector<16xi32>
        %sub3A_1241 = arith.constant 1597463007 : i32
        %sub3A_1242 = vector.broadcast %sub3A_1241 : i32 to vector<16xi32>
        %sub3A_1243 = arith.subi %sub3A_1242, %shift_right_arithmetic3A_1240 : vector<16xi32>
        %bitcast3A_1244 = vector.bitcast %sub3A_1243 : vector<16xi32> to vector<16xf32>
        %mul3A_1245 = arith.constant 5.000000e-01 : f32
        %mul3A_1246 = vector.broadcast %mul3A_1245 : f32 to vector<16xf32>
        %mul3A_1247 = arith.mulf %broadcast_in_dim3A_1236, %mul3A_1246 : vector<16xf32>
        %mul3A_1248 = arith.mulf %mul3A_1247, %bitcast3A_1244 : vector<16xf32>
        %mul3A_1249 = arith.mulf %mul3A_1248, %bitcast3A_1244 : vector<16xf32>
        %sub3A_1250 = arith.constant 1.500000e+00 : f32
        %sub3A_1251 = vector.broadcast %sub3A_1250 : f32 to vector<16xf32>
        %sub3A_1252 = arith.subf %sub3A_1251, %mul3A_1249 : vector<16xf32>
        %mul3A_1253 = arith.mulf %bitcast3A_1244, %sub3A_1252 : vector<16xf32>
        %mul3A_1254 = arith.mulf %mul3A_1247, %mul3A_1253 : vector<16xf32>
        %mul3A_1255 = arith.mulf %mul3A_1254, %mul3A_1253 : vector<16xf32>
        %sub3A_1256 = arith.constant 1.500000e+00 : f32
        %sub3A_1257 = vector.broadcast %sub3A_1256 : f32 to vector<16xf32>
        %sub3A_1258 = arith.subf %sub3A_1257, %mul3A_1255 : vector<16xf32>
        %mul3A_1259 = arith.mulf %mul3A_1253, %sub3A_1258 : vector<16xf32>
        %mul3A_1260 = arith.mulf %mul3A_1247, %mul3A_1259 : vector<16xf32>
        %mul3A_1261 = arith.mulf %mul3A_1260, %mul3A_1259 : vector<16xf32>
        %sub3A_1262 = arith.constant 1.500000e+00 : f32
        %sub3A_1263 = vector.broadcast %sub3A_1262 : f32 to vector<16xf32>
        %sub3A_1264 = arith.subf %sub3A_1263, %mul3A_1261 : vector<16xf32>
        %mul3A_1265 = arith.mulf %mul3A_1259, %sub3A_1264 : vector<16xf32>
        %sub3A_1266 = arith.subf %get3A_1199, %broadcast_in_dim3A_1233 : vector<16xf32>
        %mul3A_1267 = arith.mulf %sub3A_1266, %mul3A_1265 : vector<16xf32>
        %mul3A_1268 = arith.mulf %mul3A_1267, %get3A_3 : vector<16xf32>
        %add3A_1269 = arith.addf %mul3A_1268, %get3A_11 : vector<16xf32>
        %swap3A_1270 = arith.index_cast %add3A_1196 : i32 to index
        %swap3A_1271 = arith.constant 0 : index
        %swap3A_1272 = tpu.vector_load %arg8[%swap3A_1270, %swap3A_1271] {strides = array<i32>} : memref<1024x64xf32, #tpu.memory_space<vmem>>, vector<16xf32>,
        tpu.vector_store %arg8[%swap3A_1270, %swap3A_1271], %add3A_1269 {strides = array<i32>} : memref<1024x64xf32, #tpu.memory_space<vmem>>, vector<16xf32>,
        %sub3A_1273 = arith.subf %get3A_1202, %broadcast_in_dim3A_1233 : vector<16xf32>
        %mul3A_1274 = arith.mulf %sub3A_1273, %mul3A_1265 : vector<16xf32>
        %mul3A_1275 = arith.mulf %mul3A_1274, %get3A_5 : vector<16xf32>
        %add3A_1276 = arith.addf %mul3A_1275, %get3A_13 : vector<16xf32>
        %swap3A_1277 = arith.index_cast %add3A_1196 : i32 to index
        %swap3A_1278 = arith.constant 16 : index
        %swap3A_1279 = tpu.vector_load %arg8[%swap3A_1277, %swap3A_1278] {strides = array<i32>} : memref<1024x64xf32, #tpu.memory_space<vmem>>, vector<16xf32>,
        tpu.vector_store %arg8[%swap3A_1277, %swap3A_1278], %add3A_1276 {strides = array<i32>} : memref<1024x64xf32, #tpu.memory_space<vmem>>, vector<16xf32>,
        %sub3A_1280 = arith.subf %get3A_1205, %broadcast_in_dim3A_1233 : vector<16xf32>
        %mul3A_1281 = arith.mulf %sub3A_1280, %mul3A_1265 : vector<16xf32>
        %mul3A_1282 = arith.mulf %mul3A_1281, %get3A_7 : vector<16xf32>
        %add3A_1283 = arith.addf %mul3A_1282, %get3A_15 : vector<16xf32>
        %swap3A_1284 = arith.index_cast %add3A_1196 : i32 to index
        %swap3A_1285 = arith.constant 32 : index
        %swap3A_1286 = tpu.vector_load %arg8[%swap3A_1284, %swap3A_1285] {strides = array<i32>} : memref<1024x64xf32, #tpu.memory_space<vmem>>, vector<16xf32>,
        tpu.vector_store %arg8[%swap3A_1284, %swap3A_1285], %add3A_1283 {strides = array<i32>} : memref<1024x64xf32, #tpu.memory_space<vmem>>, vector<16xf32>,
        %sub3A_1287 = arith.subf %get3A_1208, %broadcast_in_dim3A_1233 : vector<16xf32>
        %mul3A_1288 = arith.mulf %sub3A_1287, %mul3A_1265 : vector<16xf32>
        %mul3A_1289 = arith.mulf %mul3A_1288, %get3A_9 : vector<16xf32>
        %add3A_1290 = arith.addf %mul3A_1289, %get3A_17 : vector<16xf32>
        %swap3A_1291 = arith.index_cast %add3A_1196 : i32 to index
        %swap3A_1292 = arith.constant 48 : index
        %swap3A_1293 = tpu.vector_load %arg8[%swap3A_1291, %swap3A_1292] {strides = array<i32>} : memref<1024x64xf32, #tpu.memory_space<vmem>>, vector<16xf32>,
        tpu.vector_store %arg8[%swap3A_1291, %swap3A_1292], %add3A_1290 {strides = array<i32>} : memref<1024x64xf32, #tpu.memory_space<vmem>>, vector<16xf32>,
        %add3A_1294 = arith.constant 11 : i32
        %add3A_1295 = arith.addi %mul3A_209, %add3A_1294 : i32
        %get3A_1296 = arith.index_cast %add3A_1295 : i32 to index
        %get3A_1297 = arith.constant 0 : index
        %get3A_1298 = tpu.vector_load %arg8[%get3A_1296, %get3A_1297] {strides = array<i32>} : memref<1024x64xf32, #tpu.memory_space<vmem>>, vector<16xf32>,
        %get3A_1299 = arith.index_cast %add3A_1295 : i32 to index
        %get3A_1300 = arith.constant 16 : index
        %get3A_1301 = tpu.vector_load %arg8[%get3A_1299, %get3A_1300] {strides = array<i32>} : memref<1024x64xf32, #tpu.memory_space<vmem>>, vector<16xf32>,
        %get3A_1302 = arith.index_cast %add3A_1295 : i32 to index
        %get3A_1303 = arith.constant 32 : index
        %get3A_1304 = tpu.vector_load %arg8[%get3A_1302, %get3A_1303] {strides = array<i32>} : memref<1024x64xf32, #tpu.memory_space<vmem>>, vector<16xf32>,
        %get3A_1305 = arith.index_cast %add3A_1295 : i32 to index
        %get3A_1306 = arith.constant 48 : index
        %get3A_1307 = tpu.vector_load %arg8[%get3A_1305, %get3A_1306] {strides = array<i32>} : memref<1024x64xf32, #tpu.memory_space<vmem>>, vector<16xf32>,
        %add3A_1308 = arith.addf %get3A_1298, %get3A_1301 : vector<16xf32>
        %add3A_1309 = arith.addf %get3A_1304, %get3A_1307 : vector<16xf32>
        %add3A_1310 = arith.addf %add3A_1308, %add3A_1309 : vector<16xf32>
        %mul3A_1311 = arith.mulf %get3A_1298, %get3A_1298 : vector<16xf32>
        %mul3A_1312 = arith.mulf %get3A_1301, %get3A_1301 : vector<16xf32>
        %add3A_1313 = arith.addf %mul3A_1311, %mul3A_1312 : vector<16xf32>
        %mul3A_1314 = arith.mulf %get3A_1304, %get3A_1304 : vector<16xf32>
        %mul3A_1315 = arith.mulf %get3A_1307, %get3A_1307 : vector<16xf32>
        %add3A_1316 = arith.addf %mul3A_1314, %mul3A_1315 : vector<16xf32>
        %add3A_1317 = arith.addf %add3A_1313, %add3A_1316 : vector<16xf32>
        %reduce_sum3A_1318 = arith.constant true
        %reduce_sum3A_1319 = vector.broadcast %reduce_sum3A_1318 : i1 to vector<16xi1>
        %reduce_sum3A_1320 = tpu.scan <sum>, %add3A_1310 masked %reduce_sum3A_1319 : vector<16xf32>, vector<16xi1> -> vector<16xf32>
        %reduce_sum3A_1321 = vector.extract %reduce_sum3A_1320[15] : f32 from vector<16xf32>
        %reduce_sum3A_1322 = arith.constant true
        %reduce_sum3A_1323 = vector.broadcast %reduce_sum3A_1322 : i1 to vector<16xi1>
        %reduce_sum3A_1324 = tpu.scan <sum>, %add3A_1317 masked %reduce_sum3A_1323 : vector<16xf32>, vector<16xi1> -> vector<16xf32>
        %reduce_sum3A_1325 = vector.extract %reduce_sum3A_1324[15] : f32 from vector<16xf32>
        %mul3A_1326 = arith.constant 1.562500e-02 : f32
        %mul3A_1327 = arith.mulf %reduce_sum3A_1321, %mul3A_1326 : f32
        %mul3A_1328 = arith.constant 1.562500e-02 : f32
        %mul3A_1329 = arith.mulf %reduce_sum3A_1325, %mul3A_1328 : f32
        %mul3A_1330 = arith.mulf %mul3A_1327, %mul3A_1327 : f32
        %sub3A_1331 = arith.subf %mul3A_1329, %mul3A_1330 : f32
        %broadcast_in_dim3A_1332 = vector.broadcast %mul3A_1327 : f32 to vector<16xf32>
        %add3A_1333 = arith.constant 9.99999974E-6 : f32
        %add3A_1334 = arith.addf %sub3A_1331, %add3A_1333 : f32
        %broadcast_in_dim3A_1335 = vector.broadcast %add3A_1334 : f32 to vector<16xf32>
        %bitcast3A_1336 = vector.bitcast %broadcast_in_dim3A_1335 : vector<16xf32> to vector<16xi32>
        %shift_right_arithmetic3A_1337 = arith.constant 1 : i32
        %shift_right_arithmetic3A_1338 = vector.broadcast %shift_right_arithmetic3A_1337 : i32 to vector<16xi32>
        %shift_right_arithmetic3A_1339 = arith.shrsi %bitcast3A_1336, %shift_right_arithmetic3A_1338 : vector<16xi32>
        %sub3A_1340 = arith.constant 1597463007 : i32
        %sub3A_1341 = vector.broadcast %sub3A_1340 : i32 to vector<16xi32>
        %sub3A_1342 = arith.subi %sub3A_1341, %shift_right_arithmetic3A_1339 : vector<16xi32>
        %bitcast3A_1343 = vector.bitcast %sub3A_1342 : vector<16xi32> to vector<16xf32>
        %mul3A_1344 = arith.constant 5.000000e-01 : f32
        %mul3A_1345 = vector.broadcast %mul3A_1344 : f32 to vector<16xf32>
        %mul3A_1346 = arith.mulf %broadcast_in_dim3A_1335, %mul3A_1345 : vector<16xf32>
        %mul3A_1347 = arith.mulf %mul3A_1346, %bitcast3A_1343 : vector<16xf32>
        %mul3A_1348 = arith.mulf %mul3A_1347, %bitcast3A_1343 : vector<16xf32>
        %sub3A_1349 = arith.constant 1.500000e+00 : f32
        %sub3A_1350 = vector.broadcast %sub3A_1349 : f32 to vector<16xf32>
        %sub3A_1351 = arith.subf %sub3A_1350, %mul3A_1348 : vector<16xf32>
        %mul3A_1352 = arith.mulf %bitcast3A_1343, %sub3A_1351 : vector<16xf32>
        %mul3A_1353 = arith.mulf %mul3A_1346, %mul3A_1352 : vector<16xf32>
        %mul3A_1354 = arith.mulf %mul3A_1353, %mul3A_1352 : vector<16xf32>
        %sub3A_1355 = arith.constant 1.500000e+00 : f32
        %sub3A_1356 = vector.broadcast %sub3A_1355 : f32 to vector<16xf32>
        %sub3A_1357 = arith.subf %sub3A_1356, %mul3A_1354 : vector<16xf32>
        %mul3A_1358 = arith.mulf %mul3A_1352, %sub3A_1357 : vector<16xf32>
        %mul3A_1359 = arith.mulf %mul3A_1346, %mul3A_1358 : vector<16xf32>
        %mul3A_1360 = arith.mulf %mul3A_1359, %mul3A_1358 : vector<16xf32>
        %sub3A_1361 = arith.constant 1.500000e+00 : f32
        %sub3A_1362 = vector.broadcast %sub3A_1361 : f32 to vector<16xf32>
        %sub3A_1363 = arith.subf %sub3A_1362, %mul3A_1360 : vector<16xf32>
        %mul3A_1364 = arith.mulf %mul3A_1358, %sub3A_1363 : vector<16xf32>
        %sub3A_1365 = arith.subf %get3A_1298, %broadcast_in_dim3A_1332 : vector<16xf32>
        %mul3A_1366 = arith.mulf %sub3A_1365, %mul3A_1364 : vector<16xf32>
        %mul3A_1367 = arith.mulf %mul3A_1366, %get3A_3 : vector<16xf32>
        %add3A_1368 = arith.addf %mul3A_1367, %get3A_11 : vector<16xf32>
        %swap3A_1369 = arith.index_cast %add3A_1295 : i32 to index
        %swap3A_1370 = arith.constant 0 : index
        %swap3A_1371 = tpu.vector_load %arg8[%swap3A_1369, %swap3A_1370] {strides = array<i32>} : memref<1024x64xf32, #tpu.memory_space<vmem>>, vector<16xf32>,
        tpu.vector_store %arg8[%swap3A_1369, %swap3A_1370], %add3A_1368 {strides = array<i32>} : memref<1024x64xf32, #tpu.memory_space<vmem>>, vector<16xf32>,
        %sub3A_1372 = arith.subf %get3A_1301, %broadcast_in_dim3A_1332 : vector<16xf32>
        %mul3A_1373 = arith.mulf %sub3A_1372, %mul3A_1364 : vector<16xf32>
        %mul3A_1374 = arith.mulf %mul3A_1373, %get3A_5 : vector<16xf32>
        %add3A_1375 = arith.addf %mul3A_1374, %get3A_13 : vector<16xf32>
        %swap3A_1376 = arith.index_cast %add3A_1295 : i32 to index
        %swap3A_1377 = arith.constant 16 : index
        %swap3A_1378 = tpu.vector_load %arg8[%swap3A_1376, %swap3A_1377] {strides = array<i32>} : memref<1024x64xf32, #tpu.memory_space<vmem>>, vector<16xf32>,
        tpu.vector_store %arg8[%swap3A_1376, %swap3A_1377], %add3A_1375 {strides = array<i32>} : memref<1024x64xf32, #tpu.memory_space<vmem>>, vector<16xf32>,
        %sub3A_1379 = arith.subf %get3A_1304, %broadcast_in_dim3A_1332 : vector<16xf32>
        %mul3A_1380 = arith.mulf %sub3A_1379, %mul3A_1364 : vector<16xf32>
        %mul3A_1381 = arith.mulf %mul3A_1380, %get3A_7 : vector<16xf32>
        %add3A_1382 = arith.addf %mul3A_1381, %get3A_15 : vector<16xf32>
        %swap3A_1383 = arith.index_cast %add3A_1295 : i32 to index
        %swap3A_1384 = arith.constant 32 : index
        %swap3A_1385 = tpu.vector_load %arg8[%swap3A_1383, %swap3A_1384] {strides = array<i32>} : memref<1024x64xf32, #tpu.memory_space<vmem>>, vector<16xf32>,
        tpu.vector_store %arg8[%swap3A_1383, %swap3A_1384], %add3A_1382 {strides = array<i32>} : memref<1024x64xf32, #tpu.memory_space<vmem>>, vector<16xf32>,
        %sub3A_1386 = arith.subf %get3A_1307, %broadcast_in_dim3A_1332 : vector<16xf32>
        %mul3A_1387 = arith.mulf %sub3A_1386, %mul3A_1364 : vector<16xf32>
        %mul3A_1388 = arith.mulf %mul3A_1387, %get3A_9 : vector<16xf32>
        %add3A_1389 = arith.addf %mul3A_1388, %get3A_17 : vector<16xf32>
        %swap3A_1390 = arith.index_cast %add3A_1295 : i32 to index
        %swap3A_1391 = arith.constant 48 : index
        %swap3A_1392 = tpu.vector_load %arg8[%swap3A_1390, %swap3A_1391] {strides = array<i32>} : memref<1024x64xf32, #tpu.memory_space<vmem>>, vector<16xf32>,
        tpu.vector_store %arg8[%swap3A_1390, %swap3A_1391], %add3A_1389 {strides = array<i32>} : memref<1024x64xf32, #tpu.memory_space<vmem>>, vector<16xf32>,
        %add3A_1393 = arith.constant 12 : i32
        %add3A_1394 = arith.addi %mul3A_209, %add3A_1393 : i32
        %get3A_1395 = arith.index_cast %add3A_1394 : i32 to index
        %get3A_1396 = arith.constant 0 : index
        %get3A_1397 = tpu.vector_load %arg8[%get3A_1395, %get3A_1396] {strides = array<i32>} : memref<1024x64xf32, #tpu.memory_space<vmem>>, vector<16xf32>,
        %get3A_1398 = arith.index_cast %add3A_1394 : i32 to index
        %get3A_1399 = arith.constant 16 : index
        %get3A_1400 = tpu.vector_load %arg8[%get3A_1398, %get3A_1399] {strides = array<i32>} : memref<1024x64xf32, #tpu.memory_space<vmem>>, vector<16xf32>,
        %get3A_1401 = arith.index_cast %add3A_1394 : i32 to index
        %get3A_1402 = arith.constant 32 : index
        %get3A_1403 = tpu.vector_load %arg8[%get3A_1401, %get3A_1402] {strides = array<i32>} : memref<1024x64xf32, #tpu.memory_space<vmem>>, vector<16xf32>,
        %get3A_1404 = arith.index_cast %add3A_1394 : i32 to index
        %get3A_1405 = arith.constant 48 : index
        %get3A_1406 = tpu.vector_load %arg8[%get3A_1404, %get3A_1405] {strides = array<i32>} : memref<1024x64xf32, #tpu.memory_space<vmem>>, vector<16xf32>,
        %add3A_1407 = arith.addf %get3A_1397, %get3A_1400 : vector<16xf32>
        %add3A_1408 = arith.addf %get3A_1403, %get3A_1406 : vector<16xf32>
        %add3A_1409 = arith.addf %add3A_1407, %add3A_1408 : vector<16xf32>
        %mul3A_1410 = arith.mulf %get3A_1397, %get3A_1397 : vector<16xf32>
        %mul3A_1411 = arith.mulf %get3A_1400, %get3A_1400 : vector<16xf32>
        %add3A_1412 = arith.addf %mul3A_1410, %mul3A_1411 : vector<16xf32>
        %mul3A_1413 = arith.mulf %get3A_1403, %get3A_1403 : vector<16xf32>
        %mul3A_1414 = arith.mulf %get3A_1406, %get3A_1406 : vector<16xf32>
        %add3A_1415 = arith.addf %mul3A_1413, %mul3A_1414 : vector<16xf32>
        %add3A_1416 = arith.addf %add3A_1412, %add3A_1415 : vector<16xf32>
        %reduce_sum3A_1417 = arith.constant true
        %reduce_sum3A_1418 = vector.broadcast %reduce_sum3A_1417 : i1 to vector<16xi1>
        %reduce_sum3A_1419 = tpu.scan <sum>, %add3A_1409 masked %reduce_sum3A_1418 : vector<16xf32>, vector<16xi1> -> vector<16xf32>
        %reduce_sum3A_1420 = vector.extract %reduce_sum3A_1419[15] : f32 from vector<16xf32>
        %reduce_sum3A_1421 = arith.constant true
        %reduce_sum3A_1422 = vector.broadcast %reduce_sum3A_1421 : i1 to vector<16xi1>
        %reduce_sum3A_1423 = tpu.scan <sum>, %add3A_1416 masked %reduce_sum3A_1422 : vector<16xf32>, vector<16xi1> -> vector<16xf32>
        %reduce_sum3A_1424 = vector.extract %reduce_sum3A_1423[15] : f32 from vector<16xf32>
        %mul3A_1425 = arith.constant 1.562500e-02 : f32
        %mul3A_1426 = arith.mulf %reduce_sum3A_1420, %mul3A_1425 : f32
        %mul3A_1427 = arith.constant 1.562500e-02 : f32
        %mul3A_1428 = arith.mulf %reduce_sum3A_1424, %mul3A_1427 : f32
        %mul3A_1429 = arith.mulf %mul3A_1426, %mul3A_1426 : f32
        %sub3A_1430 = arith.subf %mul3A_1428, %mul3A_1429 : f32
        %broadcast_in_dim3A_1431 = vector.broadcast %mul3A_1426 : f32 to vector<16xf32>
        %add3A_1432 = arith.constant 9.99999974E-6 : f32
        %add3A_1433 = arith.addf %sub3A_1430, %add3A_1432 : f32
        %broadcast_in_dim3A_1434 = vector.broadcast %add3A_1433 : f32 to vector<16xf32>
        %bitcast3A_1435 = vector.bitcast %broadcast_in_dim3A_1434 : vector<16xf32> to vector<16xi32>
        %shift_right_arithmetic3A_1436 = arith.constant 1 : i32
        %shift_right_arithmetic3A_1437 = vector.broadcast %shift_right_arithmetic3A_1436 : i32 to vector<16xi32>
        %shift_right_arithmetic3A_1438 = arith.shrsi %bitcast3A_1435, %shift_right_arithmetic3A_1437 : vector<16xi32>
        %sub3A_1439 = arith.constant 1597463007 : i32
        %sub3A_1440 = vector.broadcast %sub3A_1439 : i32 to vector<16xi32>
        %sub3A_1441 = arith.subi %sub3A_1440, %shift_right_arithmetic3A_1438 : vector<16xi32>
        %bitcast3A_1442 = vector.bitcast %sub3A_1441 : vector<16xi32> to vector<16xf32>
        %mul3A_1443 = arith.constant 5.000000e-01 : f32
        %mul3A_1444 = vector.broadcast %mul3A_1443 : f32 to vector<16xf32>
        %mul3A_1445 = arith.mulf %broadcast_in_dim3A_1434, %mul3A_1444 : vector<16xf32>
        %mul3A_1446 = arith.mulf %mul3A_1445, %bitcast3A_1442 : vector<16xf32>
        %mul3A_1447 = arith.mulf %mul3A_1446, %bitcast3A_1442 : vector<16xf32>
        %sub3A_1448 = arith.constant 1.500000e+00 : f32
        %sub3A_1449 = vector.broadcast %sub3A_1448 : f32 to vector<16xf32>
        %sub3A_1450 = arith.subf %sub3A_1449, %mul3A_1447 : vector<16xf32>
        %mul3A_1451 = arith.mulf %bitcast3A_1442, %sub3A_1450 : vector<16xf32>
        %mul3A_1452 = arith.mulf %mul3A_1445, %mul3A_1451 : vector<16xf32>
        %mul3A_1453 = arith.mulf %mul3A_1452, %mul3A_1451 : vector<16xf32>
        %sub3A_1454 = arith.constant 1.500000e+00 : f32
        %sub3A_1455 = vector.broadcast %sub3A_1454 : f32 to vector<16xf32>
        %sub3A_1456 = arith.subf %sub3A_1455, %mul3A_1453 : vector<16xf32>
        %mul3A_1457 = arith.mulf %mul3A_1451, %sub3A_1456 : vector<16xf32>
        %mul3A_1458 = arith.mulf %mul3A_1445, %mul3A_1457 : vector<16xf32>
        %mul3A_1459 = arith.mulf %mul3A_1458, %mul3A_1457 : vector<16xf32>
        %sub3A_1460 = arith.constant 1.500000e+00 : f32
        %sub3A_1461 = vector.broadcast %sub3A_1460 : f32 to vector<16xf32>
        %sub3A_1462 = arith.subf %sub3A_1461, %mul3A_1459 : vector<16xf32>
        %mul3A_1463 = arith.mulf %mul3A_1457, %sub3A_1462 : vector<16xf32>
        %sub3A_1464 = arith.subf %get3A_1397, %broadcast_in_dim3A_1431 : vector<16xf32>
        %mul3A_1465 = arith.mulf %sub3A_1464, %mul3A_1463 : vector<16xf32>
        %mul3A_1466 = arith.mulf %mul3A_1465, %get3A_3 : vector<16xf32>
        %add3A_1467 = arith.addf %mul3A_1466, %get3A_11 : vector<16xf32>
        %swap3A_1468 = arith.index_cast %add3A_1394 : i32 to index
        %swap3A_1469 = arith.constant 0 : index
        %swap3A_1470 = tpu.vector_load %arg8[%swap3A_1468, %swap3A_1469] {strides = array<i32>} : memref<1024x64xf32, #tpu.memory_space<vmem>>, vector<16xf32>,
        tpu.vector_store %arg8[%swap3A_1468, %swap3A_1469], %add3A_1467 {strides = array<i32>} : memref<1024x64xf32, #tpu.memory_space<vmem>>, vector<16xf32>,
        %sub3A_1471 = arith.subf %get3A_1400, %broadcast_in_dim3A_1431 : vector<16xf32>
        %mul3A_1472 = arith.mulf %sub3A_1471, %mul3A_1463 : vector<16xf32>
        %mul3A_1473 = arith.mulf %mul3A_1472, %get3A_5 : vector<16xf32>
        %add3A_1474 = arith.addf %mul3A_1473, %get3A_13 : vector<16xf32>
        %swap3A_1475 = arith.index_cast %add3A_1394 : i32 to index
        %swap3A_1476 = arith.constant 16 : index
        %swap3A_1477 = tpu.vector_load %arg8[%swap3A_1475, %swap3A_1476] {strides = array<i32>} : memref<1024x64xf32, #tpu.memory_space<vmem>>, vector<16xf32>,
        tpu.vector_store %arg8[%swap3A_1475, %swap3A_1476], %add3A_1474 {strides = array<i32>} : memref<1024x64xf32, #tpu.memory_space<vmem>>, vector<16xf32>,
        %sub3A_1478 = arith.subf %get3A_1403, %broadcast_in_dim3A_1431 : vector<16xf32>
        %mul3A_1479 = arith.mulf %sub3A_1478, %mul3A_1463 : vector<16xf32>
        %mul3A_1480 = arith.mulf %mul3A_1479, %get3A_7 : vector<16xf32>
        %add3A_1481 = arith.addf %mul3A_1480, %get3A_15 : vector<16xf32>
        %swap3A_1482 = arith.index_cast %add3A_1394 : i32 to index
        %swap3A_1483 = arith.constant 32 : index
        %swap3A_1484 = tpu.vector_load %arg8[%swap3A_1482, %swap3A_1483] {strides = array<i32>} : memref<1024x64xf32, #tpu.memory_space<vmem>>, vector<16xf32>,
        tpu.vector_store %arg8[%swap3A_1482, %swap3A_1483], %add3A_1481 {strides = array<i32>} : memref<1024x64xf32, #tpu.memory_space<vmem>>, vector<16xf32>,
        %sub3A_1485 = arith.subf %get3A_1406, %broadcast_in_dim3A_1431 : vector<16xf32>
        %mul3A_1486 = arith.mulf %sub3A_1485, %mul3A_1463 : vector<16xf32>
        %mul3A_1487 = arith.mulf %mul3A_1486, %get3A_9 : vector<16xf32>
        %add3A_1488 = arith.addf %mul3A_1487, %get3A_17 : vector<16xf32>
        %swap3A_1489 = arith.index_cast %add3A_1394 : i32 to index
        %swap3A_1490 = arith.constant 48 : index
        %swap3A_1491 = tpu.vector_load %arg8[%swap3A_1489, %swap3A_1490] {strides = array<i32>} : memref<1024x64xf32, #tpu.memory_space<vmem>>, vector<16xf32>,
        tpu.vector_store %arg8[%swap3A_1489, %swap3A_1490], %add3A_1488 {strides = array<i32>} : memref<1024x64xf32, #tpu.memory_space<vmem>>, vector<16xf32>,
        %add3A_1492 = arith.constant 13 : i32
        %add3A_1493 = arith.addi %mul3A_209, %add3A_1492 : i32
        %get3A_1494 = arith.index_cast %add3A_1493 : i32 to index
        %get3A_1495 = arith.constant 0 : index
        %get3A_1496 = tpu.vector_load %arg8[%get3A_1494, %get3A_1495] {strides = array<i32>} : memref<1024x64xf32, #tpu.memory_space<vmem>>, vector<16xf32>,
        %get3A_1497 = arith.index_cast %add3A_1493 : i32 to index
        %get3A_1498 = arith.constant 16 : index
        %get3A_1499 = tpu.vector_load %arg8[%get3A_1497, %get3A_1498] {strides = array<i32>} : memref<1024x64xf32, #tpu.memory_space<vmem>>, vector<16xf32>,
        %get3A_1500 = arith.index_cast %add3A_1493 : i32 to index
        %get3A_1501 = arith.constant 32 : index
        %get3A_1502 = tpu.vector_load %arg8[%get3A_1500, %get3A_1501] {strides = array<i32>} : memref<1024x64xf32, #tpu.memory_space<vmem>>, vector<16xf32>,
        %get3A_1503 = arith.index_cast %add3A_1493 : i32 to index
        %get3A_1504 = arith.constant 48 : index
        %get3A_1505 = tpu.vector_load %arg8[%get3A_1503, %get3A_1504] {strides = array<i32>} : memref<1024x64xf32, #tpu.memory_space<vmem>>, vector<16xf32>,
        %add3A_1506 = arith.addf %get3A_1496, %get3A_1499 : vector<16xf32>
        %add3A_1507 = arith.addf %get3A_1502, %get3A_1505 : vector<16xf32>
        %add3A_1508 = arith.addf %add3A_1506, %add3A_1507 : vector<16xf32>
        %mul3A_1509 = arith.mulf %get3A_1496, %get3A_1496 : vector<16xf32>
        %mul3A_1510 = arith.mulf %get3A_1499, %get3A_1499 : vector<16xf32>
        %add3A_1511 = arith.addf %mul3A_1509, %mul3A_1510 : vector<16xf32>
        %mul3A_1512 = arith.mulf %get3A_1502, %get3A_1502 : vector<16xf32>
        %mul3A_1513 = arith.mulf %get3A_1505, %get3A_1505 : vector<16xf32>
        %add3A_1514 = arith.addf %mul3A_1512, %mul3A_1513 : vector<16xf32>
        %add3A_1515 = arith.addf %add3A_1511, %add3A_1514 : vector<16xf32>
        %reduce_sum3A_1516 = arith.constant true
        %reduce_sum3A_1517 = vector.broadcast %reduce_sum3A_1516 : i1 to vector<16xi1>
        %reduce_sum3A_1518 = tpu.scan <sum>, %add3A_1508 masked %reduce_sum3A_1517 : vector<16xf32>, vector<16xi1> -> vector<16xf32>
        %reduce_sum3A_1519 = vector.extract %reduce_sum3A_1518[15] : f32 from vector<16xf32>
        %reduce_sum3A_1520 = arith.constant true
        %reduce_sum3A_1521 = vector.broadcast %reduce_sum3A_1520 : i1 to vector<16xi1>
        %reduce_sum3A_1522 = tpu.scan <sum>, %add3A_1515 masked %reduce_sum3A_1521 : vector<16xf32>, vector<16xi1> -> vector<16xf32>
        %reduce_sum3A_1523 = vector.extract %reduce_sum3A_1522[15] : f32 from vector<16xf32>
        %mul3A_1524 = arith.constant 1.562500e-02 : f32
        %mul3A_1525 = arith.mulf %reduce_sum3A_1519, %mul3A_1524 : f32
        %mul3A_1526 = arith.constant 1.562500e-02 : f32
        %mul3A_1527 = arith.mulf %reduce_sum3A_1523, %mul3A_1526 : f32
        %mul3A_1528 = arith.mulf %mul3A_1525, %mul3A_1525 : f32
        %sub3A_1529 = arith.subf %mul3A_1527, %mul3A_1528 : f32
        %broadcast_in_dim3A_1530 = vector.broadcast %mul3A_1525 : f32 to vector<16xf32>
        %add3A_1531 = arith.constant 9.99999974E-6 : f32
        %add3A_1532 = arith.addf %sub3A_1529, %add3A_1531 : f32
        %broadcast_in_dim3A_1533 = vector.broadcast %add3A_1532 : f32 to vector<16xf32>
        %bitcast3A_1534 = vector.bitcast %broadcast_in_dim3A_1533 : vector<16xf32> to vector<16xi32>
        %shift_right_arithmetic3A_1535 = arith.constant 1 : i32
        %shift_right_arithmetic3A_1536 = vector.broadcast %shift_right_arithmetic3A_1535 : i32 to vector<16xi32>
        %shift_right_arithmetic3A_1537 = arith.shrsi %bitcast3A_1534, %shift_right_arithmetic3A_1536 : vector<16xi32>
        %sub3A_1538 = arith.constant 1597463007 : i32
        %sub3A_1539 = vector.broadcast %sub3A_1538 : i32 to vector<16xi32>
        %sub3A_1540 = arith.subi %sub3A_1539, %shift_right_arithmetic3A_1537 : vector<16xi32>
        %bitcast3A_1541 = vector.bitcast %sub3A_1540 : vector<16xi32> to vector<16xf32>
        %mul3A_1542 = arith.constant 5.000000e-01 : f32
        %mul3A_1543 = vector.broadcast %mul3A_1542 : f32 to vector<16xf32>
        %mul3A_1544 = arith.mulf %broadcast_in_dim3A_1533, %mul3A_1543 : vector<16xf32>
        %mul3A_1545 = arith.mulf %mul3A_1544, %bitcast3A_1541 : vector<16xf32>
        %mul3A_1546 = arith.mulf %mul3A_1545, %bitcast3A_1541 : vector<16xf32>
        %sub3A_1547 = arith.constant 1.500000e+00 : f32
        %sub3A_1548 = vector.broadcast %sub3A_1547 : f32 to vector<16xf32>
        %sub3A_1549 = arith.subf %sub3A_1548, %mul3A_1546 : vector<16xf32>
        %mul3A_1550 = arith.mulf %bitcast3A_1541, %sub3A_1549 : vector<16xf32>
        %mul3A_1551 = arith.mulf %mul3A_1544, %mul3A_1550 : vector<16xf32>
        %mul3A_1552 = arith.mulf %mul3A_1551, %mul3A_1550 : vector<16xf32>
        %sub3A_1553 = arith.constant 1.500000e+00 : f32
        %sub3A_1554 = vector.broadcast %sub3A_1553 : f32 to vector<16xf32>
        %sub3A_1555 = arith.subf %sub3A_1554, %mul3A_1552 : vector<16xf32>
        %mul3A_1556 = arith.mulf %mul3A_1550, %sub3A_1555 : vector<16xf32>
        %mul3A_1557 = arith.mulf %mul3A_1544, %mul3A_1556 : vector<16xf32>
        %mul3A_1558 = arith.mulf %mul3A_1557, %mul3A_1556 : vector<16xf32>
        %sub3A_1559 = arith.constant 1.500000e+00 : f32
        %sub3A_1560 = vector.broadcast %sub3A_1559 : f32 to vector<16xf32>
        %sub3A_1561 = arith.subf %sub3A_1560, %mul3A_1558 : vector<16xf32>
        %mul3A_1562 = arith.mulf %mul3A_1556, %sub3A_1561 : vector<16xf32>
        %sub3A_1563 = arith.subf %get3A_1496, %broadcast_in_dim3A_1530 : vector<16xf32>
        %mul3A_1564 = arith.mulf %sub3A_1563, %mul3A_1562 : vector<16xf32>
        %mul3A_1565 = arith.mulf %mul3A_1564, %get3A_3 : vector<16xf32>
        %add3A_1566 = arith.addf %mul3A_1565, %get3A_11 : vector<16xf32>
        %swap3A_1567 = arith.index_cast %add3A_1493 : i32 to index
        %swap3A_1568 = arith.constant 0 : index
        %swap3A_1569 = tpu.vector_load %arg8[%swap3A_1567, %swap3A_1568] {strides = array<i32>} : memref<1024x64xf32, #tpu.memory_space<vmem>>, vector<16xf32>,
        tpu.vector_store %arg8[%swap3A_1567, %swap3A_1568], %add3A_1566 {strides = array<i32>} : memref<1024x64xf32, #tpu.memory_space<vmem>>, vector<16xf32>,
        %sub3A_1570 = arith.subf %get3A_1499, %broadcast_in_dim3A_1530 : vector<16xf32>
        %mul3A_1571 = arith.mulf %sub3A_1570, %mul3A_1562 : vector<16xf32>
        %mul3A_1572 = arith.mulf %mul3A_1571, %get3A_5 : vector<16xf32>
        %add3A_1573 = arith.addf %mul3A_1572, %get3A_13 : vector<16xf32>
        %swap3A_1574 = arith.index_cast %add3A_1493 : i32 to index
        %swap3A_1575 = arith.constant 16 : index
        %swap3A_1576 = tpu.vector_load %arg8[%swap3A_1574, %swap3A_1575] {strides = array<i32>} : memref<1024x64xf32, #tpu.memory_space<vmem>>, vector<16xf32>,
        tpu.vector_store %arg8[%swap3A_1574, %swap3A_1575], %add3A_1573 {strides = array<i32>} : memref<1024x64xf32, #tpu.memory_space<vmem>>, vector<16xf32>,
        %sub3A_1577 = arith.subf %get3A_1502, %broadcast_in_dim3A_1530 : vector<16xf32>
        %mul3A_1578 = arith.mulf %sub3A_1577, %mul3A_1562 : vector<16xf32>
        %mul3A_1579 = arith.mulf %mul3A_1578, %get3A_7 : vector<16xf32>
        %add3A_1580 = arith.addf %mul3A_1579, %get3A_15 : vector<16xf32>
        %swap3A_1581 = arith.index_cast %add3A_1493 : i32 to index
        %swap3A_1582 = arith.constant 32 : index
        %swap3A_1583 = tpu.vector_load %arg8[%swap3A_1581, %swap3A_1582] {strides = array<i32>} : memref<1024x64xf32, #tpu.memory_space<vmem>>, vector<16xf32>,
        tpu.vector_store %arg8[%swap3A_1581, %swap3A_1582], %add3A_1580 {strides = array<i32>} : memref<1024x64xf32, #tpu.memory_space<vmem>>, vector<16xf32>,
        %sub3A_1584 = arith.subf %get3A_1505, %broadcast_in_dim3A_1530 : vector<16xf32>
        %mul3A_1585 = arith.mulf %sub3A_1584, %mul3A_1562 : vector<16xf32>
        %mul3A_1586 = arith.mulf %mul3A_1585, %get3A_9 : vector<16xf32>
        %add3A_1587 = arith.addf %mul3A_1586, %get3A_17 : vector<16xf32>
        %swap3A_1588 = arith.index_cast %add3A_1493 : i32 to index
        %swap3A_1589 = arith.constant 48 : index
        %swap3A_1590 = tpu.vector_load %arg8[%swap3A_1588, %swap3A_1589] {strides = array<i32>} : memref<1024x64xf32, #tpu.memory_space<vmem>>, vector<16xf32>,
        tpu.vector_store %arg8[%swap3A_1588, %swap3A_1589], %add3A_1587 {strides = array<i32>} : memref<1024x64xf32, #tpu.memory_space<vmem>>, vector<16xf32>,
        %add3A_1591 = arith.constant 14 : i32
        %add3A_1592 = arith.addi %mul3A_209, %add3A_1591 : i32
        %get3A_1593 = arith.index_cast %add3A_1592 : i32 to index
        %get3A_1594 = arith.constant 0 : index
        %get3A_1595 = tpu.vector_load %arg8[%get3A_1593, %get3A_1594] {strides = array<i32>} : memref<1024x64xf32, #tpu.memory_space<vmem>>, vector<16xf32>,
        %get3A_1596 = arith.index_cast %add3A_1592 : i32 to index
        %get3A_1597 = arith.constant 16 : index
        %get3A_1598 = tpu.vector_load %arg8[%get3A_1596, %get3A_1597] {strides = array<i32>} : memref<1024x64xf32, #tpu.memory_space<vmem>>, vector<16xf32>,
        %get3A_1599 = arith.index_cast %add3A_1592 : i32 to index
        %get3A_1600 = arith.constant 32 : index
        %get3A_1601 = tpu.vector_load %arg8[%get3A_1599, %get3A_1600] {strides = array<i32>} : memref<1024x64xf32, #tpu.memory_space<vmem>>, vector<16xf32>,
        %get3A_1602 = arith.index_cast %add3A_1592 : i32 to index
        %get3A_1603 = arith.constant 48 : index
        %get3A_1604 = tpu.vector_load %arg8[%get3A_1602, %get3A_1603] {strides = array<i32>} : memref<1024x64xf32, #tpu.memory_space<vmem>>, vector<16xf32>,
        %add3A_1605 = arith.addf %get3A_1595, %get3A_1598 : vector<16xf32>
        %add3A_1606 = arith.addf %get3A_1601, %get3A_1604 : vector<16xf32>
        %add3A_1607 = arith.addf %add3A_1605, %add3A_1606 : vector<16xf32>
        %mul3A_1608 = arith.mulf %get3A_1595, %get3A_1595 : vector<16xf32>
        %mul3A_1609 = arith.mulf %get3A_1598, %get3A_1598 : vector<16xf32>
        %add3A_1610 = arith.addf %mul3A_1608, %mul3A_1609 : vector<16xf32>
        %mul3A_1611 = arith.mulf %get3A_1601, %get3A_1601 : vector<16xf32>
        %mul3A_1612 = arith.mulf %get3A_1604, %get3A_1604 : vector<16xf32>
        %add3A_1613 = arith.addf %mul3A_1611, %mul3A_1612 : vector<16xf32>
        %add3A_1614 = arith.addf %add3A_1610, %add3A_1613 : vector<16xf32>
        %reduce_sum3A_1615 = arith.constant true
        %reduce_sum3A_1616 = vector.broadcast %reduce_sum3A_1615 : i1 to vector<16xi1>
        %reduce_sum3A_1617 = tpu.scan <sum>, %add3A_1607 masked %reduce_sum3A_1616 : vector<16xf32>, vector<16xi1> -> vector<16xf32>
        %reduce_sum3A_1618 = vector.extract %reduce_sum3A_1617[15] : f32 from vector<16xf32>
        %reduce_sum3A_1619 = arith.constant true
        %reduce_sum3A_1620 = vector.broadcast %reduce_sum3A_1619 : i1 to vector<16xi1>
        %reduce_sum3A_1621 = tpu.scan <sum>, %add3A_1614 masked %reduce_sum3A_1620 : vector<16xf32>, vector<16xi1> -> vector<16xf32>
        %reduce_sum3A_1622 = vector.extract %reduce_sum3A_1621[15] : f32 from vector<16xf32>
        %mul3A_1623 = arith.constant 1.562500e-02 : f32
        %mul3A_1624 = arith.mulf %reduce_sum3A_1618, %mul3A_1623 : f32
        %mul3A_1625 = arith.constant 1.562500e-02 : f32
        %mul3A_1626 = arith.mulf %reduce_sum3A_1622, %mul3A_1625 : f32
        %mul3A_1627 = arith.mulf %mul3A_1624, %mul3A_1624 : f32
        %sub3A_1628 = arith.subf %mul3A_1626, %mul3A_1627 : f32
        %broadcast_in_dim3A_1629 = vector.broadcast %mul3A_1624 : f32 to vector<16xf32>
        %add3A_1630 = arith.constant 9.99999974E-6 : f32
        %add3A_1631 = arith.addf %sub3A_1628, %add3A_1630 : f32
        %broadcast_in_dim3A_1632 = vector.broadcast %add3A_1631 : f32 to vector<16xf32>
        %bitcast3A_1633 = vector.bitcast %broadcast_in_dim3A_1632 : vector<16xf32> to vector<16xi32>
        %shift_right_arithmetic3A_1634 = arith.constant 1 : i32
        %shift_right_arithmetic3A_1635 = vector.broadcast %shift_right_arithmetic3A_1634 : i32 to vector<16xi32>
        %shift_right_arithmetic3A_1636 = arith.shrsi %bitcast3A_1633, %shift_right_arithmetic3A_1635 : vector<16xi32>
        %sub3A_1637 = arith.constant 1597463007 : i32
        %sub3A_1638 = vector.broadcast %sub3A_1637 : i32 to vector<16xi32>
        %sub3A_1639 = arith.subi %sub3A_1638, %shift_right_arithmetic3A_1636 : vector<16xi32>
        %bitcast3A_1640 = vector.bitcast %sub3A_1639 : vector<16xi32> to vector<16xf32>
        %mul3A_1641 = arith.constant 5.000000e-01 : f32
        %mul3A_1642 = vector.broadcast %mul3A_1641 : f32 to vector<16xf32>
        %mul3A_1643 = arith.mulf %broadcast_in_dim3A_1632, %mul3A_1642 : vector<16xf32>
        %mul3A_1644 = arith.mulf %mul3A_1643, %bitcast3A_1640 : vector<16xf32>
        %mul3A_1645 = arith.mulf %mul3A_1644, %bitcast3A_1640 : vector<16xf32>
        %sub3A_1646 = arith.constant 1.500000e+00 : f32
        %sub3A_1647 = vector.broadcast %sub3A_1646 : f32 to vector<16xf32>
        %sub3A_1648 = arith.subf %sub3A_1647, %mul3A_1645 : vector<16xf32>
        %mul3A_1649 = arith.mulf %bitcast3A_1640, %sub3A_1648 : vector<16xf32>
        %mul3A_1650 = arith.mulf %mul3A_1643, %mul3A_1649 : vector<16xf32>
        %mul3A_1651 = arith.mulf %mul3A_1650, %mul3A_1649 : vector<16xf32>
        %sub3A_1652 = arith.constant 1.500000e+00 : f32
        %sub3A_1653 = vector.broadcast %sub3A_1652 : f32 to vector<16xf32>
        %sub3A_1654 = arith.subf %sub3A_1653, %mul3A_1651 : vector<16xf32>
        %mul3A_1655 = arith.mulf %mul3A_1649, %sub3A_1654 : vector<16xf32>
        %mul3A_1656 = arith.mulf %mul3A_1643, %mul3A_1655 : vector<16xf32>
        %mul3A_1657 = arith.mulf %mul3A_1656, %mul3A_1655 : vector<16xf32>
        %sub3A_1658 = arith.constant 1.500000e+00 : f32
        %sub3A_1659 = vector.broadcast %sub3A_1658 : f32 to vector<16xf32>
        %sub3A_1660 = arith.subf %sub3A_1659, %mul3A_1657 : vector<16xf32>
        %mul3A_1661 = arith.mulf %mul3A_1655, %sub3A_1660 : vector<16xf32>
        %sub3A_1662 = arith.subf %get3A_1595, %broadcast_in_dim3A_1629 : vector<16xf32>
        %mul3A_1663 = arith.mulf %sub3A_1662, %mul3A_1661 : vector<16xf32>
        %mul3A_1664 = arith.mulf %mul3A_1663, %get3A_3 : vector<16xf32>
        %add3A_1665 = arith.addf %mul3A_1664, %get3A_11 : vector<16xf32>
        %swap3A_1666 = arith.index_cast %add3A_1592 : i32 to index
        %swap3A_1667 = arith.constant 0 : index
        %swap3A_1668 = tpu.vector_load %arg8[%swap3A_1666, %swap3A_1667] {strides = array<i32>} : memref<1024x64xf32, #tpu.memory_space<vmem>>, vector<16xf32>,
        tpu.vector_store %arg8[%swap3A_1666, %swap3A_1667], %add3A_1665 {strides = array<i32>} : memref<1024x64xf32, #tpu.memory_space<vmem>>, vector<16xf32>,
        %sub3A_1669 = arith.subf %get3A_1598, %broadcast_in_dim3A_1629 : vector<16xf32>
        %mul3A_1670 = arith.mulf %sub3A_1669, %mul3A_1661 : vector<16xf32>
        %mul3A_1671 = arith.mulf %mul3A_1670, %get3A_5 : vector<16xf32>
        %add3A_1672 = arith.addf %mul3A_1671, %get3A_13 : vector<16xf32>
        %swap3A_1673 = arith.index_cast %add3A_1592 : i32 to index
        %swap3A_1674 = arith.constant 16 : index
        %swap3A_1675 = tpu.vector_load %arg8[%swap3A_1673, %swap3A_1674] {strides = array<i32>} : memref<1024x64xf32, #tpu.memory_space<vmem>>, vector<16xf32>,
        tpu.vector_store %arg8[%swap3A_1673, %swap3A_1674], %add3A_1672 {strides = array<i32>} : memref<1024x64xf32, #tpu.memory_space<vmem>>, vector<16xf32>,
        %sub3A_1676 = arith.subf %get3A_1601, %broadcast_in_dim3A_1629 : vector<16xf32>
        %mul3A_1677 = arith.mulf %sub3A_1676, %mul3A_1661 : vector<16xf32>
        %mul3A_1678 = arith.mulf %mul3A_1677, %get3A_7 : vector<16xf32>
        %add3A_1679 = arith.addf %mul3A_1678, %get3A_15 : vector<16xf32>
        %swap3A_1680 = arith.index_cast %add3A_1592 : i32 to index
        %swap3A_1681 = arith.constant 32 : index
        %swap3A_1682 = tpu.vector_load %arg8[%swap3A_1680, %swap3A_1681] {strides = array<i32>} : memref<1024x64xf32, #tpu.memory_space<vmem>>, vector<16xf32>,
        tpu.vector_store %arg8[%swap3A_1680, %swap3A_1681], %add3A_1679 {strides = array<i32>} : memref<1024x64xf32, #tpu.memory_space<vmem>>, vector<16xf32>,
        %sub3A_1683 = arith.subf %get3A_1604, %broadcast_in_dim3A_1629 : vector<16xf32>
        %mul3A_1684 = arith.mulf %sub3A_1683, %mul3A_1661 : vector<16xf32>
        %mul3A_1685 = arith.mulf %mul3A_1684, %get3A_9 : vector<16xf32>
        %add3A_1686 = arith.addf %mul3A_1685, %get3A_17 : vector<16xf32>
        %swap3A_1687 = arith.index_cast %add3A_1592 : i32 to index
        %swap3A_1688 = arith.constant 48 : index
        %swap3A_1689 = tpu.vector_load %arg8[%swap3A_1687, %swap3A_1688] {strides = array<i32>} : memref<1024x64xf32, #tpu.memory_space<vmem>>, vector<16xf32>,
        tpu.vector_store %arg8[%swap3A_1687, %swap3A_1688], %add3A_1686 {strides = array<i32>} : memref<1024x64xf32, #tpu.memory_space<vmem>>, vector<16xf32>,
        %add3A_1690 = arith.constant 15 : i32
        %add3A_1691 = arith.addi %mul3A_209, %add3A_1690 : i32
        %get3A_1692 = arith.index_cast %add3A_1691 : i32 to index
        %get3A_1693 = arith.constant 0 : index
        %get3A_1694 = tpu.vector_load %arg8[%get3A_1692, %get3A_1693] {strides = array<i32>} : memref<1024x64xf32, #tpu.memory_space<vmem>>, vector<16xf32>,
        %get3A_1695 = arith.index_cast %add3A_1691 : i32 to index
        %get3A_1696 = arith.constant 16 : index
        %get3A_1697 = tpu.vector_load %arg8[%get3A_1695, %get3A_1696] {strides = array<i32>} : memref<1024x64xf32, #tpu.memory_space<vmem>>, vector<16xf32>,
        %get3A_1698 = arith.index_cast %add3A_1691 : i32 to index
        %get3A_1699 = arith.constant 32 : index
        %get3A_1700 = tpu.vector_load %arg8[%get3A_1698, %get3A_1699] {strides = array<i32>} : memref<1024x64xf32, #tpu.memory_space<vmem>>, vector<16xf32>,
        %get3A_1701 = arith.index_cast %add3A_1691 : i32 to index
        %get3A_1702 = arith.constant 48 : index
        %get3A_1703 = tpu.vector_load %arg8[%get3A_1701, %get3A_1702] {strides = array<i32>} : memref<1024x64xf32, #tpu.memory_space<vmem>>, vector<16xf32>,
        %add3A_1704 = arith.addf %get3A_1694, %get3A_1697 : vector<16xf32>
        %add3A_1705 = arith.addf %get3A_1700, %get3A_1703 : vector<16xf32>
        %add3A_1706 = arith.addf %add3A_1704, %add3A_1705 : vector<16xf32>
        %mul3A_1707 = arith.mulf %get3A_1694, %get3A_1694 : vector<16xf32>
        %mul3A_1708 = arith.mulf %get3A_1697, %get3A_1697 : vector<16xf32>
        %add3A_1709 = arith.addf %mul3A_1707, %mul3A_1708 : vector<16xf32>
        %mul3A_1710 = arith.mulf %get3A_1700, %get3A_1700 : vector<16xf32>
        %mul3A_1711 = arith.mulf %get3A_1703, %get3A_1703 : vector<16xf32>
        %add3A_1712 = arith.addf %mul3A_1710, %mul3A_1711 : vector<16xf32>
        %add3A_1713 = arith.addf %add3A_1709, %add3A_1712 : vector<16xf32>
        %reduce_sum3A_1714 = arith.constant true
        %reduce_sum3A_1715 = vector.broadcast %reduce_sum3A_1714 : i1 to vector<16xi1>
        %reduce_sum3A_1716 = tpu.scan <sum>, %add3A_1706 masked %reduce_sum3A_1715 : vector<16xf32>, vector<16xi1> -> vector<16xf32>
        %reduce_sum3A_1717 = vector.extract %reduce_sum3A_1716[15] : f32 from vector<16xf32>
        %reduce_sum3A_1718 = arith.constant true
        %reduce_sum3A_1719 = vector.broadcast %reduce_sum3A_1718 : i1 to vector<16xi1>
        %reduce_sum3A_1720 = tpu.scan <sum>, %add3A_1713 masked %reduce_sum3A_1719 : vector<16xf32>, vector<16xi1> -> vector<16xf32>
        %reduce_sum3A_1721 = vector.extract %reduce_sum3A_1720[15] : f32 from vector<16xf32>
        %mul3A_1722 = arith.constant 1.562500e-02 : f32
        %mul3A_1723 = arith.mulf %reduce_sum3A_1717, %mul3A_1722 : f32
        %mul3A_1724 = arith.constant 1.562500e-02 : f32
        %mul3A_1725 = arith.mulf %reduce_sum3A_1721, %mul3A_1724 : f32
        %mul3A_1726 = arith.mulf %mul3A_1723, %mul3A_1723 : f32
        %sub3A_1727 = arith.subf %mul3A_1725, %mul3A_1726 : f32
        %broadcast_in_dim3A_1728 = vector.broadcast %mul3A_1723 : f32 to vector<16xf32>
        %add3A_1729 = arith.constant 9.99999974E-6 : f32
        %add3A_1730 = arith.addf %sub3A_1727, %add3A_1729 : f32
        %broadcast_in_dim3A_1731 = vector.broadcast %add3A_1730 : f32 to vector<16xf32>
        %bitcast3A_1732 = vector.bitcast %broadcast_in_dim3A_1731 : vector<16xf32> to vector<16xi32>
        %shift_right_arithmetic3A_1733 = arith.constant 1 : i32
        %shift_right_arithmetic3A_1734 = vector.broadcast %shift_right_arithmetic3A_1733 : i32 to vector<16xi32>
        %shift_right_arithmetic3A_1735 = arith.shrsi %bitcast3A_1732, %shift_right_arithmetic3A_1734 : vector<16xi32>
        %sub3A_1736 = arith.constant 1597463007 : i32
        %sub3A_1737 = vector.broadcast %sub3A_1736 : i32 to vector<16xi32>
        %sub3A_1738 = arith.subi %sub3A_1737, %shift_right_arithmetic3A_1735 : vector<16xi32>
        %bitcast3A_1739 = vector.bitcast %sub3A_1738 : vector<16xi32> to vector<16xf32>
        %mul3A_1740 = arith.constant 5.000000e-01 : f32
        %mul3A_1741 = vector.broadcast %mul3A_1740 : f32 to vector<16xf32>
        %mul3A_1742 = arith.mulf %broadcast_in_dim3A_1731, %mul3A_1741 : vector<16xf32>
        %mul3A_1743 = arith.mulf %mul3A_1742, %bitcast3A_1739 : vector<16xf32>
        %mul3A_1744 = arith.mulf %mul3A_1743, %bitcast3A_1739 : vector<16xf32>
        %sub3A_1745 = arith.constant 1.500000e+00 : f32
        %sub3A_1746 = vector.broadcast %sub3A_1745 : f32 to vector<16xf32>
        %sub3A_1747 = arith.subf %sub3A_1746, %mul3A_1744 : vector<16xf32>
        %mul3A_1748 = arith.mulf %bitcast3A_1739, %sub3A_1747 : vector<16xf32>
        %mul3A_1749 = arith.mulf %mul3A_1742, %mul3A_1748 : vector<16xf32>
        %mul3A_1750 = arith.mulf %mul3A_1749, %mul3A_1748 : vector<16xf32>
        %sub3A_1751 = arith.constant 1.500000e+00 : f32
        %sub3A_1752 = vector.broadcast %sub3A_1751 : f32 to vector<16xf32>
        %sub3A_1753 = arith.subf %sub3A_1752, %mul3A_1750 : vector<16xf32>
        %mul3A_1754 = arith.mulf %mul3A_1748, %sub3A_1753 : vector<16xf32>
        %mul3A_1755 = arith.mulf %mul3A_1742, %mul3A_1754 : vector<16xf32>
        %mul3A_1756 = arith.mulf %mul3A_1755, %mul3A_1754 : vector<16xf32>
        %sub3A_1757 = arith.constant 1.500000e+00 : f32
        %sub3A_1758 = vector.broadcast %sub3A_1757 : f32 to vector<16xf32>
        %sub3A_1759 = arith.subf %sub3A_1758, %mul3A_1756 : vector<16xf32>
        %mul3A_1760 = arith.mulf %mul3A_1754, %sub3A_1759 : vector<16xf32>
        %sub3A_1761 = arith.subf %get3A_1694, %broadcast_in_dim3A_1728 : vector<16xf32>
        %mul3A_1762 = arith.mulf %sub3A_1761, %mul3A_1760 : vector<16xf32>
        %mul3A_1763 = arith.mulf %mul3A_1762, %get3A_3 : vector<16xf32>
        %add3A_1764 = arith.addf %mul3A_1763, %get3A_11 : vector<16xf32>
        %swap3A_1765 = arith.index_cast %add3A_1691 : i32 to index
        %swap3A_1766 = arith.constant 0 : index
        %swap3A_1767 = tpu.vector_load %arg8[%swap3A_1765, %swap3A_1766] {strides = array<i32>} : memref<1024x64xf32, #tpu.memory_space<vmem>>, vector<16xf32>,
        tpu.vector_store %arg8[%swap3A_1765, %swap3A_1766], %add3A_1764 {strides = array<i32>} : memref<1024x64xf32, #tpu.memory_space<vmem>>, vector<16xf32>,
        %sub3A_1768 = arith.subf %get3A_1697, %broadcast_in_dim3A_1728 : vector<16xf32>
        %mul3A_1769 = arith.mulf %sub3A_1768, %mul3A_1760 : vector<16xf32>
        %mul3A_1770 = arith.mulf %mul3A_1769, %get3A_5 : vector<16xf32>
        %add3A_1771 = arith.addf %mul3A_1770, %get3A_13 : vector<16xf32>
        %swap3A_1772 = arith.index_cast %add3A_1691 : i32 to index
        %swap3A_1773 = arith.constant 16 : index
        %swap3A_1774 = tpu.vector_load %arg8[%swap3A_1772, %swap3A_1773] {strides = array<i32>} : memref<1024x64xf32, #tpu.memory_space<vmem>>, vector<16xf32>,
        tpu.vector_store %arg8[%swap3A_1772, %swap3A_1773], %add3A_1771 {strides = array<i32>} : memref<1024x64xf32, #tpu.memory_space<vmem>>, vector<16xf32>,
        %sub3A_1775 = arith.subf %get3A_1700, %broadcast_in_dim3A_1728 : vector<16xf32>
        %mul3A_1776 = arith.mulf %sub3A_1775, %mul3A_1760 : vector<16xf32>
        %mul3A_1777 = arith.mulf %mul3A_1776, %get3A_7 : vector<16xf32>
        %add3A_1778 = arith.addf %mul3A_1777, %get3A_15 : vector<16xf32>
        %swap3A_1779 = arith.index_cast %add3A_1691 : i32 to index
        %swap3A_1780 = arith.constant 32 : index
        %swap3A_1781 = tpu.vector_load %arg8[%swap3A_1779, %swap3A_1780] {strides = array<i32>} : memref<1024x64xf32, #tpu.memory_space<vmem>>, vector<16xf32>,
        tpu.vector_store %arg8[%swap3A_1779, %swap3A_1780], %add3A_1778 {strides = array<i32>} : memref<1024x64xf32, #tpu.memory_space<vmem>>, vector<16xf32>,
        %sub3A_1782 = arith.subf %get3A_1703, %broadcast_in_dim3A_1728 : vector<16xf32>
        %mul3A_1783 = arith.mulf %sub3A_1782, %mul3A_1760 : vector<16xf32>
        %mul3A_1784 = arith.mulf %mul3A_1783, %get3A_9 : vector<16xf32>
        %add3A_1785 = arith.addf %mul3A_1784, %get3A_17 : vector<16xf32>
        %swap3A_1786 = arith.index_cast %add3A_1691 : i32 to index
        %swap3A_1787 = arith.constant 48 : index
        %swap3A_1788 = tpu.vector_load %arg8[%swap3A_1786, %swap3A_1787] {strides = array<i32>} : memref<1024x64xf32, #tpu.memory_space<vmem>>, vector<16xf32>,
        tpu.vector_store %arg8[%swap3A_1786, %swap3A_1787], %add3A_1785 {strides = array<i32>} : memref<1024x64xf32, #tpu.memory_space<vmem>>, vector<16xf32>,
      }
      %scan3A_206 = arith.constant 64 : i32
      "tpu.region"() ({
        %run_scoped3A = tpu.sem_alloc : memref<!tpu.dma_semaphore, #tpu.memory_space<semaphore_mem>>
        %dma_start3A_207 = arith.constant 0 : i32
        %dma_start3A_208 = tpu.memref_slice %arg6[%add3A_26, %dma_start3A_207] : memref<819200x64xf32, #tpu.memory_space<hbm>> -> memref<1024x64xf32, #tpu.memory_space<hbm>>
        %dma_start3A_209 = arith.constant 0 : i32
        %dma_start3A_210 = tpu.memref_slice %arg6[%add3A_26, %dma_start3A_209] : memref<819200x64xf32, #tpu.memory_space<hbm>> -> memref<1024x64xf32, #tpu.memory_space<hbm>>
        tpu.enqueue_dma source(%arg8 : memref<1024x64xf32, #tpu.memory_space<vmem>>) target(%dma_start3A_210 : memref<1024x64xf32, #tpu.memory_space<hbm>>) target_semaphore(%run_scoped3A : memref<!tpu.dma_semaphore, #tpu.memory_space<semaphore_mem>>)
        %dma_wait3A_211 = arith.constant 0 : i32
        %dma_wait3A_212 = tpu.memref_slice %arg6[%add3A_26, %dma_wait3A_211] : memref<819200x64xf32, #tpu.memory_space<hbm>> -> memref<1024x64xf32, #tpu.memory_space<hbm>>
        %dma_wait3A_213 = arith.constant 0 : i32
        %dma_wait3A_214 = tpu.memref_slice %arg6[%add3A_26, %dma_wait3A_213] : memref<819200x64xf32, #tpu.memory_space<hbm>> -> memref<1024x64xf32, #tpu.memory_space<hbm>>
        tpu.wait_dma2 semaphore(%run_scoped3A : memref<!tpu.dma_semaphore, #tpu.memory_space<semaphore_mem>>) src(%arg8 : memref<1024x64xf32, #tpu.memory_space<vmem>>) dst(%dma_wait3A_214 : memref<1024x64xf32, #tpu.memory_space<hbm>>)
        tpu.yield
      }) : () -> ()
    }
    %scan3A_22 = arith.constant 25 : i32
    return
  }
}

</mosaic_0001>

<sc_bundles>
// kernel: kernel.3.cloned.1.call-start
scs
__scs_entry_jumppad:
0x0: {  	(pc) =	sbr.rel $0x88, $3  }
0x1: {  	(tag) =	ssettag $0x0;
	lr =	simm.s32 $0x1  }
0x2: {  	[smem:$0x3F9D] =	sst lr;
	_ =	strace $0xD0000000  }
0x3: {  	_ = 	snop  }
0x4: {  	_ = 	snop  }
0x5: {  	_ = 	snop  }
0x6: {  	_ = 	snop  }
0x7: {  	_ = 	snop  }
__scs_overlays_trampoline_lowered:
0x8: {  	[smem:$0x3FAC] =	sst s0  }
0x9: {  	[smem:$0x3FAD] =	sst s1  }
0xa: {  	[smem:$0x3FAE] =	sst s2  }
0xb: {  	[smem:$0x3FAF] =	sst s3  }
0xc: {  	[smem:$0x3FB0] =	sst s4  }
0xd: {  	[smem:$0x3FB1] =	sst s5  }
0xe: {  	[smem:$0x3FB2] =	sst s6  }
0xf: {  	[smem:$0x3FB3] =	sst s7  }
0x10: {  	[smem:$0x3FB4] =	sst s8  }
0x11: {  	[smem:$0x3FB5] =	sst s9;
	s0 =	simm.s32 @!p0 $0x0  }
0x12: {  	s1 =	sld [smem:$0x3F9B];
	s0 =	simm.s32 @p0 $0x1  }
0x13: {  	[smem:$0x3FB6] =	sst s0;
	s0 =	simm.s32 @!p1 $0x0  }
0x14: {  	s2 =	sld [smem:$0x3F9A];
	s0 =	simm.s32 @p1 $0x1  }
0x15: {  	[smem:$0x3FB7] =	sst s0;
	s0 =	simm.s32 @!p2 $0x0  }
0x16: {  	s3 =	sld [smem:$0x3FDB];
	s0 =	simm.s32 @p2 $0x1  }
0x17: {  	s4 =	simm.s32 $0x1BF5;
	[smem:$0x3FB9] =	sst s0  }
0x18: {  	s0 =	sld [smem:$0x3F9C];
	_ =	swait.ge [sflag:s4], $0x0  }
0x19: {  	s7 =	sld [smem:$0x3F9D]  }
0x1a: {  	s8 =	sadd.s32 $0xFFFFE003, lr  }
0x1b: {  	s9 =	sadd.s32 $0xFFFFFEF7, lr;
	s5 =	simm.s32 $0xFFFFFFFF;
	p2 =	slt.u32 s8, $0xFFFFF086  }
0x1c: {  	p1 =	slt.u32 s9, $0xF7A;
	s5 =	simm.s32 @!p2 $0x0  }
0x1d: {  	s5 =	simm.s32 @p1 $0x1;
	p0 =	seq.s32 s7, s2  }
0x1e: {  	s7 =	smul.u32 @!p0 $0xF7A, s2;
	p2 =	seq.s32 @!p0 s5, $0x0  }
0x1f: {  	s9 =	smul.u32 $0xF7A, s1;
	s8 =	simm.s32 @!p0 $0x1BF5;
	p2 =	por !p2, p0  }
0x20: {  	[sflag:s8] =	ssyncset.s32 @!p0 $0xFFFFF086;
	s6 =	sadd.s32 @!p0 s3, s7;
	s7 =	simm.s32 @!p0 $0x108  }
0x21: {  	s3 =	sadd.s32 s3, s9;
	s6 =	sadd.s32 @!p0 $0x88, s6;
	s7 =	simm.s32 @p2 $0x1082  }
0x22: {  	[simem:s7], [sflag:s8] =	dma.local @!p0 [hbm:s6], $0xF7A  }
0x23: {  	s9 =	sor.u32 $0xD0000000, s2;
	s6 =	simm.s32 $0x108;
	_ =	swait.ge @!p0 [sflag:s8], $0x0  }
0x24: {  	s3 =	sadd.s32 $0x88, s3;
	s6 =	simm.s32 @!p1 $0x1082;
	[sflag:s4] =	ssyncset.s32 $0xFFFFF086  }
0x25: {  	[simem:s6], [sflag:s4] =	dma.local [hbm:s3], $0xF7A  }
0x26: {  	[smem:$0x3F9D] =	sst s1;
	(tag) =	ssettag s2;
	_ =	strace s9  }
0x27: {  	s1 =	sld [smem:$0x3FAD]  }
0x28: {  	s2 =	sld [smem:$0x3FAE]  }
0x29: {  	s4 =	sld [smem:$0x3FB0]  }
0x2a: {  	p0 =	seq.s32 s5, $0x0;
	s5 =	sld [smem:$0x3FB1]  }
0x2b: {  	s6 =	sld [smem:$0x3FB2]  }
0x2c: {  	s7 =	sld [smem:$0x3FB3]  }
0x2d: {  	s3 =	simm.s32 $0x108;
	s8 =	sld [smem:$0x3FB4]  }
0x2e: {  	s3 =	simm.s32 @!p0 $0x1082;
	s9 =	sld [smem:$0x3FB5]  }
0x2f: {  	lr =	sadd.s32 s0, s3;
	s0 =	sld [smem:$0x3FAC]  }
0x30: {  	s3 =	sld [smem:$0x3FAF]  }
0x31: {  	[smem:$0x3FB8] =	sst s10  }
0x32: {  	s10 =	sld [smem:$0x3FB6];
	_ =	sdelay $0x3  }
0x33: {  	p0 =	seq.s32 s10, $0x1;
	s10 =	sld [smem:$0x3FB8];
	_ =	sdelay $0x3  }
0x34: {  	[smem:$0x3FB8] =	sst s10  }
0x35: {  	s10 =	sld [smem:$0x3FB7];
	_ =	sdelay $0x3  }
0x36: {  	p1 =	seq.s32 s10, $0x1;
	s10 =	sld [smem:$0x3FB8];
	_ =	sdelay $0x3  }
0x37: {  	[smem:$0x3FB8] =	sst s10  }
0x38: {  	s10 =	sld [smem:$0x3FB9]  }
0x39: {  	_ = 	snop;
	(pc) =	sbr.ind lr, $3  }
0x3a: {  	_ = 	snop  }
0x3b: {  	_ = 	snop  }
0x3c: {  	p2 =	seq.s32 s10, $0x1;
	s10 =	sld [smem:$0x3FB8]  }
0x3d: {  	_ =	shalt  }
0x3e: {  	_ =	shalt  }
0x3f: {  	_ =	shalt  }
0x40: {  	_ =	shalt  }
0x41: {  	_ =	shalt  }
0x42: {  	_ =	shalt  }
0x43: {  	_ =	shalt  }
0x44: {  	_ =	shalt  }
0x45: {  	_ =	shalt  }
0x46: {  	_ =	shalt  }
0x47: {  	_ =	shalt  }
0x48: {  	_ =	shalt  }
0x49: {  	_ =	shalt  }
0x4a: {  	_ =	shalt  }
0x4b: {  	_ =	shalt  }
0x4c: {  	_ =	shalt  }
0x4d: {  	_ =	shalt  }
0x4e: {  	_ =	shalt  }
0x4f: {  	_ =	shalt  }
0x50: {  	_ =	shalt  }
0x51: {  	_ =	shalt  }
0x52: {  	_ =	shalt  }
0x53: {  	_ =	shalt  }
0x54: {  	_ =	shalt  }
0x55: {  	_ =	shalt  }
0x56: {  	_ =	shalt  }
0x57: {  	_ =	shalt  }
0x58: {  	_ =	shalt  }
0x59: {  	_ =	shalt  }
0x5a: {  	_ =	shalt  }
0x5b: {  	_ =	shalt  }
0x5c: {  	_ =	shalt  }
0x5d: {  	_ =	shalt  }
0x5e: {  	_ =	shalt  }
0x5f: {  	_ =	shalt  }
0x60: {  	_ =	shalt  }
0x61: {  	_ =	shalt  }
0x62: {  	_ =	shalt  }
0x63: {  	_ =	shalt  }
0x64: {  	_ =	shalt  }
0x65: {  	_ =	shalt  }
0x66: {  	_ =	shalt  }
0x67: {  	_ =	shalt  }
0x68: {  	_ =	shalt  }
0x69: {  	_ =	shalt  }
0x6a: {  	_ =	shalt  }
0x6b: {  	_ =	shalt  }
0x6c: {  	_ =	shalt  }
0x6d: {  	_ =	shalt  }
0x6e: {  	_ =	shalt  }
0x6f: {  	_ =	shalt  }
0x70: {  	_ =	shalt  }
0x71: {  	_ =	shalt  }
0x72: {  	_ =	shalt  }
0x73: {  	_ =	shalt  }
0x74: {  	_ =	shalt  }
0x75: {  	_ =	shalt  }
0x76: {  	_ =	shalt  }
0x77: {  	_ =	shalt  }
0x78: {  	_ =	shalt  }
0x79: {  	_ =	shalt  }
0x7a: {  	_ =	shalt  }
0x7b: {  	_ =	shalt  }
0x7c: {  	_ =	shalt  }
0x7d: {  	_ =	shalt  }
0x7e: {  	_ =	shalt  }
0x7f: {  	_ =	shalt  }
0x80: {  	_ =	shalt  }
0x81: {  	_ =	shalt  }
0x82: {  	_ =	shalt  }
0x83: {  	_ =	shalt  }
0x84: {  	_ =	shalt  }
0x85: {  	_ =	shalt  }
0x86: {  	_ =	shalt  }
0x87: {  	_ =	shalt  }
.Lfunc_end0:
.L_simem_size_0:
called_computation.1_lowered:
.L_overlay_start_0:
0x88: {  	s2 =	sld [smem:$0x3FD9]  }
0x89: {  	s3 =	sld [smem:$0x3FFE];
	_ =	sdelay $0x1  }
0x8a: {  	s1 =	srdreg.scid  }
0x8b: {  	s0 =	sand.u32 $0x1, s1  }
0x8c: {  	s17 =	sshll.u32 s0, $0xA;
	s2 =	sadd.s32 s3, s2  }
0x8d: {  	s2 =	sadd.s32 s2, s17  }
0x8e: {  	[smem:$0x3FC4] =	sst s2  }
0x8f: {  	_ = 	snop  }
0x90: {  	s2 =	sld [smem:$0x3FC7]  }
0x91: {  	s18 =	sld [smem:$0x3FC6]  }
0x92: {  	s4 =	sld [smem:$0x3FD0];
	(tm) =	ssettm $0x1  }
0x93: {  	s5 =	sld [smem:$0x3FFB];
	_ =	sdelay $0x3  }
0x94: {  	_ =	strace s5  }
0x95: {  	s5 =	sld [smem:$0x3FFC];
	_ =	sdelay $0x3  }
0x96: {  	_ =	strace s5  }
0x97: {  	s5 =	sld [smem:$0x3FFD];
	_ =	sdelay $0x3  }
0x98: {  	_ =	strace s5  }
0x99: {  	_ =	strace $0x8FFFFFFF  }
0x9a: {  	s19 =	sld [smem:$0x3FDB];
	_ =	sdelay $0x1  }
0x9b: {  	s6 =	simm.s32 $_scs_section_size  }
0x9c: {  	s7 =	simm.s32 $_size__tile_overlayer_lowered;
	s8 =	simm.s32 $_tile_overlayer_lowered  }
0x9d: {  	s22 =	simm.s32 $0x1BFF;
	s21 =	sshll.u32 s8, $0x1;
	s5 =	sadd.s32 s6, s19  }
0x9e: {  	s9 =	simm.s32 $0x0;
	s20 =	sshll.u32 s7, $0x1;
	s7 =	sadd.s32 s21, s5  }
0x9f: {  	[timem:s9], [sflag:s22] =	dma.local [hbm:s7], s20  }
0xa0: {  	_ =	swait.ge [sflag:s22], s20  }
0xa1: {  	s6 =	ssub.s32 $0x0, s20;
	[sflag:s22] =	ssyncset.done $0x0  }
0xa2: {  	[sflag:s22] =	ssyncadd.s32 s6;
	_ =	sdelay $0x1  }
0xa3: {  	s23 =	simm.s32 $0x1B8B  }
0xa4: {  	_ =	swait.ge [sflag:s23], $0x1  }
0xa5: {  	[sflag:s23] =	ssyncset.done $0x0  }
0xa6: {  	s25 =	simm.s32 $0x1B8E;
	s24 =	sld [smem:$0x3FFE];
	[sflag:s23] =	ssyncadd.s32 $0xFFFFFFFF  }
0xa7: {  	s26 =	simm.s32 $execute0_lowered;
	[smem:$0x3FD2] =	sst s25  }
0xa8: {  	s7 =	sshll.u32 s26, $0x1;
	_ =	strace $0x80000046;
	[dreg:$0x1] =	wrdreg $0xFFFFFFFF  }
0xa9: {  	s28 =	simm.s32 $_size_execute0_lowered;
	s5 =	sadd.s32 s5, s7;
	[dreg:$0x0] =	wrdreg $0x0  }
0xaa: {  	s7 =	sshll.u32 s28, $0x1;
	[dreg:$0x2] =	wrdreg s5  }
0xab: {  	[dreg:$0x3] =	wrdreg s7  }
0xac: {  	[dreg:$0x4] =	wrdreg $0xC0  }
0xad: {  	_ =	task [dreg:s9], $0x5FFFF  }
0xae: {  	[dreg:$0x1] =	wrdreg $0xFFFFFFFF  }
0xaf: {  	[dreg:$0x0] =	wrdreg $0x60  }
0xb0: {  	[dreg:$0x2] =	wrdreg s24  }
0xb1: {  	[dreg:$0x3] =	wrdreg s2  }
0xb2: {  	[dreg:$0x4] =	wrdreg s18  }
0xb3: {  	[dreg:$0x5] =	wrdreg s4  }
0xb4: {  	[dreg:$0x6] =	wrdreg $0x9  }
0xb5: {  	_ =	task.clear_ibuf [dreg:s9], $0x7FFFF;
	_ =	strace $0x90000046  }
0xb6: {  	s29 =	simm.s32 $0x9;
	_ =	strace $0x80000048  }
0xb7: {  	_ =	swait.ge [sflag:s29], $0x1  }
0xb8: {  	[sflag:s29] =	ssyncadd.s32 $0xFFFFFFFF  }
0xb9: {  	_ =	strace $0x90000048  }
0xba: {  	_ =	sfence  }
0xbb: {  	s30 =	sld [smem:$0x0];
	_ =	sdelay $0x2  }
0xbc: {  	s31 =	sshll.u32 s1, $0xD;
	s1 =	sshrl.u32 s1, $0x2  }
0xbd: {  	s3 =	sand.u32 $0x4000, s31;
	s1 =	sadd.s32 s1, s30  }
0xbe: {  	s0 =	sor.u32 s3, s0;
	s1 =	sshll.u32 s1, $0x11  }
0xbf: {  	s0 =	sor.u32 s1, s0  }
0xc0: {  	s0 =	sadd.s32 $0x8F2B, s0  }
0xc1: {  	[sflag:s0] =	ssyncadd.remote.s32 $0x1  }
0xc2: {  	_ =	sfence.sel $0xFFFF  }
0xc3: {  	[dreg:$0x0] =	wrdreg $0xFFFFFFFF;
	(pc) =	sbr.abs _section_cstart, $3  }
0xc4: {  	[dreg:$0x1] =	wrdreg $0xFFFFFFFF  }
0xc5: {  	_ =	task.clear_ibuf [dreg:s9], $0x2FFFF;
	_ =	strace $0x9FFFFFFF  }
0xc6: {  	(tm) =	ssettm $0x7FFFFFFF  }
0xc7: {  	_ =	shalt  }
tec
execute0_lowered:
.L_overlay_start_1:
0x0: {  	(tag) =	ssettag $0x1  }
0x1: {  	s0 =	rddreg [dreg:$0x0];
	s5 =	simm.s32 $0x0;
	s1 =	srdreg.scid  }
0x2: {  	s3 =	stileid.u32;
	s11 =	simm.s32 $0x2;
	s13 =	simm.s32 $0x80  }
0x3: {  	s14 =	simm.s32 $0x400;
	s17 =	simm.s32 $0x4400;
	s18 =	simm.s32 $0x180  }
0x4: {  	s19 =	simm.s32 $0x6400;
	s20 =	simm.s32 $0x200;
	s21 =	simm.s32 $0x8400  }
0x5: {  	s22 =	simm.s32 $0x280;
	s23 =	simm.s32 $0xA400;
	s24 =	simm.s32 $0x300  }
0x6: {  	s25 =	simm.s32 $0xC400;
	s26 =	simm.s32 $0x380;
	s1 =	sand.u32 $0x1, s1  }
0x7: {  	s28 =	simm.s32 $0xE400;
	s29 =	simm.s32 $0x1;
	s2 =	ssub.s32 $0x2, s1  }
0x8: {  	[smem:$0x7FF] =	sst s5;
	s4 =	sshll.u32 s3, $0x1;
	s8 =	sshrl.u32 s2, $0x1  }
0x9: {  	s6 =	sadd.s32 $0xA00, s0;
	s7 =	sadd.s32 $0xF42E00, s0;
	s31 =	ssub.s32 s2, s8  }
0xa: {  	_ =	strace $0x80000047;
	s1 =	sor.u32 s1, s4;
	s0 =	smax.u32 s31, $0x1  }
0xb: {  	s8 =	smul.u32 $0x6400, s1;
	s1 =	simm.s32 $0x0;
	[dreg:$0x5] =	wrdreg s0  }
.LBB2_1:
0xc: {  	[dreg:$0x6] =	wrdreg s1  }
0xd: {  	s0 =	rddreg [dreg:$0x1];
	s15 =	simm.s32 $0x10400  }
0xe: {  	[tilespmem:s15], [sflag:$0x2] =	stream.linear.gather [hbm4b:s0+s5], $0x40, $0x38;
	[tilespmem:$0x10480] =	vst v63  }
0xf: {  	_ =	swait.ge [sflag:s11], $0x40  }
0x10: {  	[sflag:s11] =	ssyncset.done $0x0  }
0x11: {  	[sflag:s11] =	ssyncadd.s32 $0xFFFFFFC0  }
0x12: {  	s30 =	simm.s32 $0x10440;
	s16 =	rddreg [dreg:$0x2]  }
0x13: {  	[tilespmem:s30], [sflag:$0x2] =	stream.linear.gather [hbm4b:s16+s5], $0x40, $0x38;
	[tilespmem:$0x10480] =	vst v63  }
0x14: {  	_ =	swait.ge [sflag:s11], $0x40  }
0x15: {  	[sflag:s11] =	ssyncset.done $0x0  }
0x16: {  	[sflag:s11] =	ssyncadd.s32 $0xFFFFFFC0  }
0x17: {  	v2 =	vld [tilespmem:$0x10400]  }
0x18: {  	v9 =	vld [tilespmem:$0x10460]  }
0x19: {  	v8 =	vld [tilespmem:$0x10470]  }
0x1a: {  	v3 =	vld [tilespmem:$0x10410]  }
0x1b: {  	v4 =	vld [tilespmem:$0x10420]  }
0x1c: {  	v5 =	vld [tilespmem:$0x10430]  }
0x1d: {  	v6 =	vld [tilespmem:$0x10440];
	[tilespmem:$0x1FFE0] =	vst v9  }
0x1e: {  	s31 =	simm.s32 $0x0;
	v7 =	vld [tilespmem:$0x10450];
	[tilespmem:$0x1FFF0] =	vst v8  }
.LBB2_2:
0x1f: {  	s0 =	sshll.u32 s31, $0xA  }
0x20: {  	s0 =	sadd.s32 s8, s0  }
0x21: {  	s1 =	sshrl.u32 s0, $0x3  }
0x22: {  	s4 =	simm.s32 $0x0;
	s1 =	sadd.s32 s6, s1  }
0x23: {  	[tilespmem:s4], [sflag:$0x2] =	stream.linear.gather [hbm4b:s1+s4], $0x400, $0x38;
	[tilespmem:$0x10480] =	vst v63  }
0x24: {  	_ =	swait.ge [sflag:s11], $0x400  }
0x25: {  	[sflag:s11] =	ssyncset.done $0x0  }
0x26: {  	[sflag:s11] =	ssyncadd.s32 $0xFFFFFC00  }
0x27: {  	[tilespmem:s14], [sflag:$0x1] =	stream.indirect.gather [hbm4b:s7+s13], $0x40, s4, s13, $0xb8;
	[tilespmem:$0x10480] =	vst v63  }
0x28: {  	s16 =	simm.s32 $0x2400  }
0x29: {  	[tilespmem:s16], [sflag:$0x1] =	stream.indirect.gather [hbm4b:s7+s13], $0x40, s13, s13, $0xb8;
	[tilespmem:$0x10480] =	vst v63  }
0x2a: {  	s30 =	simm.s32 $0x100  }
0x2b: {  	[tilespmem:s17], [sflag:$0x1] =	stream.indirect.gather [hbm4b:s7+s13], $0x40, s30, s13, $0xb8;
	[tilespmem:$0x10480] =	vst v63  }
0x2c: {  	_ = 	snop  }
0x2d: {  	[tilespmem:s19], [sflag:$0x1] =	stream.indirect.gather [hbm4b:s7+s13], $0x40, s18, s13, $0xb8;
	[tilespmem:$0x10480] =	vst v63  }
0x2e: {  	_ = 	snop  }
0x2f: {  	[tilespmem:s21], [sflag:$0x1] =	stream.indirect.gather [hbm4b:s7+s13], $0x40, s20, s13, $0xb8;
	[tilespmem:$0x10480] =	vst v63  }
0x30: {  	_ = 	snop  }
0x31: {  	[tilespmem:s23], [sflag:$0x1] =	stream.indirect.gather [hbm4b:s7+s13], $0x40, s22, s13, $0xb8;
	[tilespmem:$0x10480] =	vst v63  }
0x32: {  	_ = 	snop  }
0x33: {  	[tilespmem:s25], [sflag:$0x1] =	stream.indirect.gather [hbm4b:s7+s13], $0x40, s24, s13, $0xb8;
	[tilespmem:$0x10480] =	vst v63  }
0x34: {  	_ = 	snop  }
0x35: {  	[tilespmem:s28], [sflag:$0x1] =	stream.indirect.gather [hbm4b:s7+s13], $0x40, s26, s13, $0xb8;
	[tilespmem:$0x10480] =	vst v63  }
0x36: {  	_ =	swait.ge [sflag:s29], $0x2000  }
0x37: {  	[sflag:s29] =	ssyncset.done $0x0  }
0x38: {  	[sflag:s29] =	ssyncadd.s32 $0xFFFFE000  }
0x39: {  	_ =	swait.ge [sflag:s29], $0x2000  }
0x3a: {  	[sflag:s29] =	ssyncset.done $0x0  }
0x3b: {  	[sflag:s29] =	ssyncadd.s32 $0xFFFFE000  }
0x3c: {  	_ =	swait.ge [sflag:s29], $0x2000  }
0x3d: {  	[sflag:s29] =	ssyncset.done $0x0  }
0x3e: {  	[sflag:s29] =	ssyncadd.s32 $0xFFFFE000  }
0x3f: {  	_ =	swait.ge [sflag:s29], $0x2000  }
0x40: {  	[sflag:s29] =	ssyncset.done $0x0  }
0x41: {  	[sflag:s29] =	ssyncadd.s32 $0xFFFFE000  }
0x42: {  	_ =	swait.ge [sflag:s29], $0x2000  }
0x43: {  	[sflag:s29] =	ssyncset.done $0x0  }
0x44: {  	[sflag:s29] =	ssyncadd.s32 $0xFFFFE000  }
0x45: {  	_ =	swait.ge [sflag:s29], $0x2000  }
0x46: {  	[sflag:s29] =	ssyncset.done $0x0  }
0x47: {  	[sflag:s29] =	ssyncadd.s32 $0xFFFFE000  }
0x48: {  	_ =	swait.ge [sflag:s29], $0x2000  }
0x49: {  	[sflag:s29] =	ssyncset.done $0x0  }
0x4a: {  	[sflag:s29] =	ssyncadd.s32 $0xFFFFE000  }
0x4b: {  	_ =	swait.ge [sflag:s29], $0x2000  }
0x4c: {  	[sflag:s29] =	ssyncset.done $0x0  }
0x4d: {  	[sflag:s29] =	ssyncadd.s32 $0xFFFFE000  }
.LBB2_3:
0x4e: {  	s1 =	sshra.s32 s4, $0x2  }
0x4f: {  	v27 =	vld [tilespmem:s1+$0x400]  }
0x50: {  	v26 =	vld [tilespmem:s1+$0x410]  }
0x51: {  	v25 =	vld [tilespmem:s1+$0x420]  }
0x52: {  	v24 =	vld [tilespmem:s1+$0x430];
	_ =	sdelay $0x3  }
0x53: {  	v8 =	vmul.f32 v27, v27;
	v9 =	vmul.f32 v26, v26  }
0x54: {  	v10 =	vmul.f32 v25, v25;
	v11 =	vmul.f32 v24, v24  }
0x55: {  	v12 =	vadd.f32 v26, v27;
	v13 =	vadd.f32 v24, v25  }
0x56: {  	v23 =	vld [tilespmem:s1+$0x440];
	v8 =	vadd.f32 v9, v8;
	v47 =	vadd.f32 v11, v10  }
0x57: {  	v22 =	vld [tilespmem:s1+$0x450];
	v48 =	vadd.f32 v13, v12  }
0x58: {  	v21 =	vld [tilespmem:s1+$0x460];
	v8 =	vadd.f32 v47, v8  }
0x59: {  	v16 =	vld [tilespmem:s1+$0x470];
	(xrf2) =	vadd.scan.msk.f32 $0xffff, v48  }
0x5a: {  	(xrf2) =	vadd.scan.msk.f32 $0xffff, v8;
	_ =	sdelay $0x2  }
0x5b: {  	v15 =	vld [tilespmem:s1+$0x480];
	v49 =	vmul.f32 v22, v22  }
0x5c: {  	v0 =	vld [tilespmem:s1+$0x4A0];
	v50 =	vmul.f32 v21, v21;
	v52 =	vadd.f32 v22, v23;
	v53 =	vadd.f32 v16, v21  }
0x5d: {  	v19 =	vld [tilespmem:s1+$0x4B0];
	v51 =	vmul.f32 v16, v16;
	v8 =	vmul.f32 v23, v23  }
0x5e: {  	v17 =	vld [tilespmem:s1+$0x490];
	v55 =	vadd.f32 v53, v52  }
0x5f: {  	v54 =	vadd.f32 v51, v50;
	v8 =	vadd.f32 v49, v8  }
0x60: {  	(xrf2) =	vadd.scan.msk.f32 $0xffff, v55  }
0x61: {  	v8 =	vadd.f32 v54, v8;
	v56, _, _ =	vpop (xrf2)  }
0x62: {  	v58 =	vadd.f32 v19, v0;
	(v2sf) =	vpush v56, $0xF;
	v57, _, _ =	vpop (xrf2)  }
0x63: {  	(xrf2) =	vadd.scan.msk.f32 $0xffff, v8;
	v8 =	vadd.f32 v17, v15;
	(v2sf) =	vpush v57, $0xF  }
0x64: {  	v59 =	vmul.f32 v15, v15;
	v60 =	vmul.f32 v17, v17  }
0x65: {  	v61 =	vmul.f32 v0, v0;
	v62 =	vmul.f32 v19, v19;
	v8 =	vadd.f32 v58, v8;
	_ =	sdelay $0x1  }
0x66: {  	v63 =	vadd.f32 v60, v59;
	v14 =	vadd.f32 v62, v61;
	(xrf2) =	vadd.scan.msk.f32 $0xffff, v8  }
0x67: {  	v13 =	vld [tilespmem:s1+$0x4D0]  }
0x68: {  	v9 =	vadd.f32 v14, v63;
	v14 =	vld [tilespmem:s1+$0x4C0]  }
0x69: {  	v20 =	vld [tilespmem:s1+$0x4E0];
	v8, _, _ =	vpop (xrf2)  }
0x6a: {  	(xrf2) =	vadd.scan.msk.f32 $0xffff, v9;
	v9 =	vld [tilespmem:s1+$0x4F0];
	(v2sf) =	vpush v8, $0xF;
	_ =	sdelay $0x1  }
0x6b: {  	v8, _, _ =	vpop (xrf2)  }
0x6c: {  	v34 =	vmul.f32 v13, v13;
	v33 =	vmul.f32 v14, v14;
	(v2sf) =	vpush v8, $0xF;
	_ =	sdelay $0x1  }
0x6d: {  	v29 =	vmul.f32 v20, v20;
	v11 =	vadd.f32 v34, v33;
	v30 =	vmul.f32 v9, v9  }
0x6e: {  	v8 =	vadd.f32 v13, v14;
	v18 =	vadd.f32 v9, v20;
	s2 =	spop (v2sf);
	v28, _, _ =	vpop (xrf2)  }
0x6f: {  	v36 =	vadd.f32 v30, v29;
	s12 =	smul.f32 $1.562500000e-02, s2;
	(v2sf) =	vpush v28, $0xF;
	s9 =	spop (v2sf)  }
0x70: {  	v8 =	vadd.f32 v18, v8;
	s10 =	smul.f32 $1.562500000e-02, s9  }
0x71: {  	v37 =	vadd.f32 v36, v11;
	s15 =	smul.f32 s12, s12  }
0x72: {  	(xrf2) =	vadd.scan.msk.f32 $0xffff, v8;
	v35, _, _ =	vpop (xrf2)  }
0x73: {  	(v2sf) =	vpush v35, $0xF;
	(xrf2) =	vadd.scan.msk.f32 $0xffff, v37;
	s2 =	ssub.f32 s10, s15;
	_ =	sdelay $0x1  }
0x74: {  	v12 =	vld [tilespmem:s1+$0x500];
	s2 =	sadd.f32 $9.999999740e-06, s2  }
0x75: {  	v10 =	vld [tilespmem:s1+$0x510]  }
0x76: {  	v11 =	vld [tilespmem:s1+$0x520];
	s16 =	spop (v2sf);
	v8 =	vmov s2  }
0x77: {  	s9 =	smul.f32 $1.562500000e-02, s16;
	v38 =	vshra.s32 v8, $0x1;
	v31 =	vmul.f32 $5.000000000e-01, v8;
	v8 =	vld [tilespmem:s1+$0x530]  }
0x78: {  	v28 =	vsub.s32 $0x5F3759DF, v38  }
0x79: {  	s3 =	smul.f32 s9, s9;
	s10 =	spop (v2sf);
	v39 =	vmul.f32 v28, v31  }
0x7a: {  	v33 =	vmul.f32 v12, v12;
	v34 =	vmul.f32 v10, v10;
	s30 =	smul.f32 $1.562500000e-02, s10  }
0x7b: {  	v40 =	vadd.f32 v10, v12;
	v36 =	vmul.f32 v11, v11;
	v35, _, _ =	vpop (xrf2);
	v29 =	vmul.f32 v28, v39  }
0x7c: {  	v54 =	vld [tilespmem:s1+$0x570];
	(v2sf) =	vpush v35, $0xF;
	v41, _, _ =	vpop (xrf2);
	s2 =	ssub.f32 s30, s3;
	v32 =	vadd.f32 v8, v11;
	v37 =	vmul.f32 v8, v8  }
0x7d: {  	v56 =	vld [tilespmem:s1+$0x560];
	v29 =	vsub.f32 $1.500000000e+00, v29;
	s10 =	spop (v2sf);
	(v2sf) =	vpush v41, $0xF  }
0x7e: {  	v33 =	vadd.f32 v34, v33;
	s2 =	sadd.f32 $9.999999740e-06, s2;
	v42 =	vadd.f32 v37, v36;
	v36 =	vld [tilespmem:s1+$0x540]  }
0x7f: {  	v30 =	vadd.f32 v32, v40;
	v43 =	vmul.f32 v28, v29;
	v29 =	vld [tilespmem:s1+$0x550]  }
0x80: {  	v44 =	vmov s2;
	v46 =	vadd.f32 v42, v33  }
0x81: {  	s15 =	spop (v2sf);
	s2 =	smul.f32 $1.562500000e-02, s10;
	(xrf2) =	vadd.scan.msk.f32 $0xffff, v30;
	v45 =	vshra.s32 v44, $0x1;
	v32 =	vmul.f32 $5.000000000e-01, v44;
	v48 =	vmul.f32 v43, v31  }
0x82: {  	s10 =	smul.f32 $1.562500000e-02, s15;
	v47 =	vsub.s32 $0x5F3759DF, v45  }
0x83: {  	s30 =	smul.f32 s2, s2;
	(xrf2) =	vadd.scan.msk.f32 $0xffff, v46;
	v49 =	vmul.f32 v47, v32;
	v50 =	vmul.f32 v48, v43  }
0x84: {  	v18 =	vmul.f32 v56, v56;
	v41 =	vadd.f32 v54, v56;
	v63 =	vadd.f32 v29, v36  }
0x85: {  	s10 =	ssub.f32 s10, s30;
	v30 =	vmul.f32 v47, v49;
	v51 =	vsub.f32 $1.500000000e+00, v50;
	v50 =	vmov s12  }
0x86: {  	v44 =	vmul.f32 v54, v54;
	v27 =	vsub.f32 v27, v50;
	v26 =	vsub.f32 v26, v50  }
0x87: {  	v42 =	vmul.f32 v36, v36;
	s10 =	sadd.f32 $9.999999740e-06, s10;
	v25 =	vsub.f32 v25, v50;
	v60 =	vsub.f32 $1.500000000e+00, v30  }
0x88: {  	v24 =	vsub.f32 v24, v50;
	v34 =	vmul.f32 v51, v43;
	v43 =	vmul.f32 v29, v29  }
0x89: {  	v30 =	vmov s9;
	v61 =	vmov s10;
	v33 =	vmul.f32 v47, v60  }
0x8a: {  	v23 =	vsub.f32 v23, v30;
	v62 =	vshra.s32 v61, $0x1;
	v35 =	vmul.f32 $5.000000000e-01, v61  }
0x8b: {  	s16 =	spop (v2sf);
	v31 =	vmul.f32 v34, v31;
	v37 =	vsub.s32 $0x5F3759DF, v62;
	v39, _, _ =	vpop (xrf2);
	v38 =	vmul.f32 v33, v32  }
0x8c: {  	s10 =	smul.f32 $1.562500000e-02, s16;
	(v2sf) =	vpush v39, $0xF;
	v45 =	vmul.f32 v37, v35;
	v39 =	vadd.f32 v41, v63;
	v41 =	vld [tilespmem:s1+$0x590];
	s3 =	spop (v2sf)  }
0x8d: {  	v47 =	vadd.f32 v43, v42;
	v31 =	vmul.f32 v31, v34;
	v40, _, _ =	vpop (xrf2);
	v38 =	vmul.f32 v38, v33;
	s30 =	smul.f32 $1.562500000e-02, s3  }
0x8e: {  	(v2sf) =	vpush v40, $0xF;
	v40 =	vadd.f32 v44, v18;
	v48 =	vmul.f32 v37, v45;
	s3 =	smul.f32 s10, s10;
	v44 =	vld [tilespmem:s1+$0x580]  }
0x8f: {  	v31 =	vsub.f32 $1.500000000e+00, v31;
	v38 =	vsub.f32 $1.500000000e+00, v38  }
0x90: {  	(xrf2) =	vadd.scan.msk.f32 $0xffff, v39;
	v49 =	vadd.f32 v40, v47;
	v51 =	vsub.f32 $1.500000000e+00, v48;
	s3 =	ssub.f32 s30, s3  }
0x91: {  	v22 =	vsub.f32 v22, v30;
	v31 =	vmul.f32 v31, v34;
	v46 =	vmul.f32 v41, v41  }
0x92: {  	v21 =	vsub.f32 v21, v30;
	v33 =	vmul.f32 v38, v33;
	(xrf2) =	vadd.scan.msk.f32 $0xffff, v49;
	v34 =	vmul.f32 v37, v51;
	s3 =	sadd.f32 $9.999999740e-06, s3  }
0x93: {  	v16 =	vsub.f32 v16, v30;
	v1 =	vmul.f32 v31, v27;
	v37 =	vld [tilespmem:s1+$0x5A0];
	v61 =	vmul.f32 v44, v44  }
0x94: {  	v63 =	vadd.f32 v41, v44;
	v52 =	vmul.f32 v33, v32;
	v55 =	vmov s3;
	v32 =	vld [tilespmem:s1+$0x5B0]  }
0x95: {  	[tilespmem:$0x1FE90] =	vst v1;
	v53 =	vmul.f32 v34, v35;
	v1 =	vmul.f32 v31, v26;
	v57 =	vshra.s32 v55, $0x1  }
0x96: {  	v39 =	vmul.f32 $5.000000000e-01, v55;
	v45 =	vadd.f32 v46, v61;
	v27 =	vmul.f32 v52, v33  }
0x97: {  	v38 =	vmul.f32 v53, v34;
	v58 =	vsub.s32 $0x5F3759DF, v57;
	[tilespmem:$0x1FEA0] =	vst v1;
	v1 =	vmul.f32 v31, v25  }
0x98: {  	v59 =	vmul.f32 v58, v39;
	v62 =	vmul.f32 v37, v37;
	v27 =	vsub.f32 $1.500000000e+00, v27  }
0x99: {  	v38 =	vsub.f32 $1.500000000e+00, v38;
	[tilespmem:$0x1FEB0] =	vst v1;
	v1 =	vmul.f32 v31, v24;
	v47 =	vmul.f32 v32, v32  }
0x9a: {  	v46 =	vld [tilespmem:s1+$0x5C0];
	v60, _, _ =	vpop (xrf2);
	v48 =	vadd.f32 v32, v37;
	v40 =	vmul.f32 v58, v59;
	v27 =	vmul.f32 v27, v33  }
0x9b: {  	(v2sf) =	vpush v60, $0xF;
	v42 =	vadd.f32 v47, v62  }
0x9c: {  	[tilespmem:$0x1FEC0] =	vst v1;
	s15 =	spop (v2sf);
	v18 =	vadd.f32 v48, v63;
	v40 =	vsub.f32 $1.500000000e+00, v40;
	v47 =	vld [tilespmem:s1+$0x5E0];
	v49, _, _ =	vpop (xrf2);
	v1 =	vmul.f32 v27, v23  }
0x9d: {  	v33 =	vmul.f32 v38, v34;
	s12 =	smul.f32 $1.562500000e-02, s15;
	s16 =	spop (v2sf);
	(v2sf) =	vpush v49, $0xF;
	v45 =	vadd.f32 v42, v45;
	v42 =	vld [tilespmem:s1+$0x5D0]  }
0x9e: {  	(xrf2) =	vadd.scan.msk.f32 $0xffff, v18;
	v24 =	vmul.f32 v58, v40;
	v49 =	vld [tilespmem:s1+$0x5F0];
	s15 =	smul.f32 $1.562500000e-02, s16;
	[tilespmem:$0x1FED0] =	vst v1;
	v1 =	vmul.f32 v27, v22  }
0x9f: {  	v53 =	vmul.f32 v46, v46;
	v63 =	vmov s2;
	s16 =	smul.f32 s12, s12;
	(xrf2) =	vadd.scan.msk.f32 $0xffff, v45;
	v45 =	vmul.f32 v33, v35  }
0xa0: {  	v15 =	vsub.f32 v15, v63;
	v50 =	vmul.f32 v24, v39;
	[tilespmem:$0x1FEE0] =	vst v1;
	v1 =	vmul.f32 v27, v21  }
0xa1: {  	v19 =	vsub.f32 v19, v63;
	s3 =	ssub.f32 s15, s16;
	v57 =	vmul.f32 v47, v47;
	v51 =	vmul.f32 v45, v33  }
0xa2: {  	v22 =	vmul.f32 v50, v24;
	v55 =	vmul.f32 v42, v42;
	v59 =	vadd.f32 v42, v46  }
0xa3: {  	v30 =	vld [tilespmem:s1+$0x600];
	s3 =	sadd.f32 $9.999999740e-06, s3;
	v58 =	vmul.f32 v49, v49;
	v60 =	vadd.f32 v49, v47;
	v21 =	vsub.f32 $1.500000000e+00, v51  }
0xa4: {  	[tilespmem:$0x1FEF0] =	vst v1;
	v1 =	vmul.f32 v27, v16;
	v22 =	vsub.f32 $1.500000000e+00, v22;
	v26 =	vadd.f32 v55, v53  }
0xa5: {  	v52 =	vmov s3;
	v62 =	vadd.f32 v58, v57;
	v38 =	vadd.f32 v60, v59  }
0xa6: {  	v28 =	vld [tilespmem:s1+$0x610];
	v25 =	vmul.f32 $5.000000000e-01, v52;
	v23 =	vshra.s32 v52, $0x1;
	v21 =	vmul.f32 v21, v33  }
0xa7: {  	v58 =	vld [tilespmem:s1+$0x620];
	v22 =	vmul.f32 v22, v24;
	v52 =	vsub.f32 v17, v63;
	v23 =	vsub.s32 $0x5F3759DF, v23  }
0xa8: {  	[tilespmem:$0x1FF00] =	vst v1;
	v59 =	vld [tilespmem:s1+$0x630];
	v60 =	vmul.f32 v30, v30;
	v26 =	vadd.f32 v62, v26;
	v61 =	vmul.f32 v23, v25  }
0xa9: {  	v53 =	vsub.f32 v0, v63;
	(xrf2) =	vadd.scan.msk.f32 $0xffff, v38;
	v45, _, _ =	vpop (xrf2);
	v55 =	vmul.f32 v22, v39;
	v0 =	vmul.f32 v21, v52  }
0xaa: {  	v1 =	vmul.f32 v21, v15;
	(v2sf) =	vpush v45, $0xF;
	(xrf2) =	vadd.scan.msk.f32 $0xffff, v26;
	v48 =	vmul.f32 v23, v61;
	v50, _, _ =	vpop (xrf2)  }
0xab: {  	v34 =	vld [tilespmem:s1+$0x640];
	s15 =	spop (v2sf);
	[tilespmem:$0x1FF20] =	vst v0;
	v0 =	vmul.f32 v21, v53;
	v57 =	vmul.f32 v55, v22;
	(v2sf) =	vpush v50, $0xF  }
0xac: {  	v35 =	vld [tilespmem:s1+$0x670];
	v16 =	vadd.f32 v28, v30;
	s2 =	smul.f32 $1.562500000e-02, s15;
	v61 =	vmul.f32 v28, v28;
	v62 =	vmul.f32 v58, v58  }
0xad: {  	v33 =	vld [tilespmem:s1+$0x660];
	v17 =	vadd.f32 v59, v58;
	v53 =	vmov s10;
	v51 =	vsub.f32 $1.500000000e+00, v48  }
0xae: {  	v31 =	vld [tilespmem:s1+$0x650];
	v63 =	vmul.f32 v59, v59;
	v14 =	vsub.f32 v14, v53;
	v13 =	vsub.f32 v13, v53;
	s30 =	smul.f32 s2, s2;
	s16 =	spop (v2sf)  }
0xaf: {  	v20 =	vsub.f32 v20, v53;
	v9 =	vsub.f32 v9, v53;
	s3 =	smul.f32 $1.562500000e-02, s16;
	v23 =	vmul.f32 v23, v51  }
0xb0: {  	[tilespmem:$0x1FF30] =	vst v0;
	v15 =	vsub.f32 $1.500000000e+00, v57;
	v26 =	vadd.f32 v61, v60;
	v0 =	vmul.f32 v21, v19  }
0xb1: {  	v45 =	vadd.f32 v63, v62;
	v57 =	vmul.f32 v34, v34;
	v24 =	vmul.f32 v23, v25;
	s3 =	ssub.f32 s3, s30  }
0xb2: {  	v38 =	vadd.f32 v17, v16;
	v62 =	vmul.f32 v33, v33;
	v63 =	vmul.f32 v35, v35  }
0xb3: {  	v16 =	vadd.f32 v31, v34;
	v17 =	vadd.f32 v35, v33;
	v50, _, _ =	vpop (xrf2);
	s3 =	sadd.f32 $9.999999740e-06, s3;
	v24 =	vmul.f32 v24, v23  }
0xb4: {  	v26 =	vadd.f32 v45, v26;
	(xrf2) =	vadd.scan.msk.f32 $0xffff, v38;
	v15 =	vmul.f32 v15, v22;
	(v2sf) =	vpush v50, $0xF;
	v51, _, _ =	vpop (xrf2)  }
0xb5: {  	[tilespmem:$0x1FF40] =	vst v0;
	v18 =	vmov s3;
	v24 =	vsub.f32 $1.500000000e+00, v24;
	(v2sf) =	vpush v51, $0xF  }
0xb6: {  	v19 =	vld [tilespmem:s1+$0x690];
	v0 =	vmul.f32 v15, v14;
	(xrf2) =	vadd.scan.msk.f32 $0xffff, v26;
	v48 =	vshra.s32 v18, $0x1;
	v39 =	vmul.f32 $5.000000000e-01, v18  }
0xb7: {  	v22 =	vld [tilespmem:s1+$0x6E0];
	v14 =	vadd.f32 v17, v16;
	v40 =	vsub.s32 $0x5F3759DF, v48;
	v23 =	vmul.f32 v24, v23  }
0xb8: {  	v60 =	vmul.f32 v31, v31;
	v27 =	vadd.f32 v63, v62;
	v17 =	vld [tilespmem:s1+$0x6A0];
	[tilespmem:$0x1FF50] =	vst v0;
	v52 =	vmul.f32 v40, v39  }
0xb9: {  	v16 =	vld [tilespmem:s1+$0x6B0];
	v0 =	vmul.f32 v15, v13;
	v50 =	vmov s12;
	(xrf2) =	vadd.scan.msk.f32 $0xffff, v14;
	s10 =	spop (v2sf);
	v25 =	vmul.f32 v23, v25  }
0xba: {  	v21 =	vld [tilespmem:s1+$0x6F0];
	v12 =	vsub.f32 v12, v50;
	v10 =	vsub.f32 v10, v50;
	v55 =	vmul.f32 v40, v52;
	s10 =	smul.f32 $1.562500000e-02, s10;
	s15 =	spop (v2sf)  }
0xbb: {  	v11 =	vsub.f32 v11, v50;
	[tilespmem:$0x1FF60] =	vst v0;
	v0 =	vmul.f32 v15, v20;
	v20 =	vld [tilespmem:s1+$0x680];
	v45 =	vmul.f32 v25, v23;
	s16 =	smul.f32 $1.562500000e-02, s15  }
0xbc: {  	v24 =	vadd.f32 v60, v57;
	v61 =	vsub.f32 $1.500000000e+00, v55;
	s30 =	smul.f32 s10, s10  }
0xbd: {  	v8 =	vsub.f32 v8, v50;
	v50 =	vmul.f32 v22, v22;
	v13 =	vsub.f32 $1.500000000e+00, v45  }
0xbe: {  	v43 =	vld [tilespmem:s1+$0x6C0];
	v26 =	vadd.f32 v16, v17;
	v24 =	vadd.f32 v27, v24;
	v51, _, _ =	vpop (xrf2);
	v40 =	vmul.f32 v40, v61;
	s3 =	ssub.f32 s16, s30  }
0xbf: {  	[tilespmem:$0x1FF70] =	vst v0;
	v0 =	vmul.f32 v15, v9;
	(v2sf) =	vpush v51, $0xF;
	v13 =	vmul.f32 v13, v23  }
0xc0: {  	v51 =	vmul.f32 v21, v21;
	(xrf2) =	vadd.scan.msk.f32 $0xffff, v24;
	v24 =	vadd.f32 v19, v20;
	v45 =	vld [tilespmem:s1+$0x6D0];
	v55, _, _ =	vpop (xrf2);
	v48 =	vmul.f32 v40, v39;
	s3 =	sadd.f32 $9.999999740e-06, s3  }
0xc1: {  	[tilespmem:$0x1FF80] =	vst v0;
	(v2sf) =	vpush v55, $0xF;
	v55 =	vmul.f32 v16, v16;
	v0 =	vmul.f32 v13, v12  }
0xc2: {  	v12 =	vadd.f32 v26, v24;
	v52 =	vmul.f32 v48, v40;
	v53 =	vmov s3  }
0xc3: {  	v25, _, _ =	vpop (xrf2);
	v23 =	vld [tilespmem:s1+$0x710];
	v26 =	vmul.f32 v43, v43;
	s12 =	spop (v2sf);
	v57 =	vshra.s32 v53, $0x1;
	v38 =	vmul.f32 $5.000000000e-01, v53  }
0xc4: {  	(v2sf) =	vpush v25, $0xF;
	v48 =	vld [tilespmem:s1+$0x700];
	s12 =	smul.f32 $1.562500000e-02, s12;
	v27 =	vsub.s32 $0x5F3759DF, v57;
	v60 =	vsub.f32 $1.500000000e+00, v52;
	s15 =	spop (v2sf)  }
0xc5: {  	v24 =	vadd.f32 v45, v43;
	[tilespmem:$0x1FF90] =	vst v0;
	v0 =	vmul.f32 v13, v10;
	v61 =	vmul.f32 v27, v38;
	s16 =	smul.f32 $1.562500000e-02, s15  }
0xc6: {  	v25 =	vadd.f32 v21, v22;
	v53 =	vmul.f32 v17, v17;
	s30 =	smul.f32 s12, s12;
	v9 =	vmul.f32 v60, v40  }
0xc7: {  	v57 =	vmul.f32 v20, v20;
	v62 =	vmul.f32 v27, v61  }
0xc8: {  	(xrf2) =	vadd.scan.msk.f32 $0xffff, v12;
	v12 =	vadd.f32 v25, v24;
	v60 =	vmul.f32 v19, v19;
	s3 =	ssub.f32 s16, s30;
	v63 =	vmul.f32 v9, v39  }
0xc9: {  	[tilespmem:$0x1FFA0] =	vst v0;
	v0 =	vmul.f32 v13, v11;
	v24 =	vadd.f32 v23, v48;
	v18 =	vsub.f32 $1.500000000e+00, v62  }
0xca: {  	v61, _, _ =	vpop (xrf2);
	s3 =	sadd.f32 $9.999999740e-06, s3;
	v62 =	vadd.f32 v60, v57;
	v10 =	vmul.f32 v63, v9;
	v63 =	vadd.f32 v55, v53;
	v53 =	vld [tilespmem:s1+$0x720]  }
0xcb: {  	v25 =	vmul.f32 v48, v48;
	v39 =	vadd.f32 v51, v50;
	(v2sf) =	vpush v61, $0xF;
	v55 =	vld [tilespmem:s1+$0x730]  }
0xcc: {  	v11 =	vmul.f32 v27, v18;
	v18 =	vmov s3;
	v14 =	vadd.f32 v63, v62  }
0xcd: {  	[tilespmem:$0x1FFB0] =	vst v0;
	v63 =	vmul.f32 v45, v45;
	v52 =	vshra.s32 v18, $0x1;
	v0 =	vmul.f32 $5.000000000e-01, v18  }
0xce: {  	v51 =	vmul.f32 v23, v23;
	v10 =	vsub.f32 $1.500000000e+00, v10;
	(xrf2) =	vadd.scan.msk.f32 $0xffff, v14;
	v14 =	vsub.s32 $0x5F3759DF, v52  }
0xcf: {  	s15 =	spop (v2sf);
	v57 =	vmul.f32 v11, v38;
	v15 =	vadd.f32 v63, v26;
	v18 =	vmul.f32 v14, v0  }
0xd0: {  	s30 =	smul.f32 $1.562500000e-02, s15;
	s16 =	spop (v2sf);
	v50 =	vadd.f32 v55, v53;
	v26 =	vmul.f32 v53, v53;
	v52 =	vmul.f32 v55, v55  }
0xd1: {  	s15 =	smul.f32 $1.562500000e-02, s16;
	v27 =	vmul.f32 v57, v11;
	v57 =	vmov s2;
	v15 =	vadd.f32 v39, v15  }
0xd2: {  	[tilespmem:$0x1FF10] =	vst v1;
	v1 =	vmul.f32 v13, v8;
	s16 =	smul.f32 s30, s30;
	v39 =	vadd.f32 v51, v25;
	v60 =	vsub.f32 v36, v57  }
0xd3: {  	(xrf2) =	vadd.scan.msk.f32 $0xffff, v12;
	v63, _, _ =	vpop (xrf2);
	v40 =	vmul.f32 v14, v18;
	v8 =	vadd.f32 v52, v26;
	v51 =	vsub.f32 $1.500000000e+00, v27  }
0xd4: {  	v9 =	vmul.f32 v10, v9;
	v50 =	vadd.f32 v50, v24;
	s3 =	ssub.f32 s15, s16;
	(v2sf) =	vpush v63, $0xF  }
0xd5: {  	(xrf2) =	vadd.scan.msk.f32 $0xffff, v15;
	v52 =	vsub.f32 $1.500000000e+00, v40;
	v8 =	vadd.f32 v8, v39;
	v11 =	vmul.f32 v51, v11  }
0xd6: {  	v36 =	vmul.f32 v9, v60;
	s3 =	sadd.f32 $9.999999740e-06, s3;
	(xrf2) =	vadd.scan.msk.f32 $0xffff, v50;
	v50 =	vsub.f32 v29, v57;
	v51 =	vsub.f32 v56, v57  }
0xd7: {  	v56 =	vsub.f32 v54, v57;
	v39 =	vld [tilespmem:s1+$0x740];
	v61 =	vmul.f32 v14, v52;
	v25 =	vmul.f32 v11, v38  }
0xd8: {  	v40 =	vld [tilespmem:s1+$0x750];
	v62 =	vmov s3;
	v27 =	vmul.f32 v9, v50;
	v38 =	vmul.f32 v9, v51;
	v24, _, _ =	vpop (xrf2)  }
0xd9: {  	[tilespmem:$0x1FFC0] =	vst v1;
	s9 =	spop (v2sf);
	v18 =	vshra.s32 v62, $0x1;
	v13 =	vmul.f32 $5.000000000e-01, v62;
	(v2sf) =	vpush v24, $0xF  }
0xda: {  	s2 =	smul.f32 $1.562500000e-02, s9;
	v1 =	vmul.f32 v9, v56;
	v15 =	vsub.s32 $0x5F3759DF, v18;
	(xrf2) =	vadd.scan.msk.f32 $0xffff, v8;
	v8 =	vmul.f32 v61, v0  }
0xdb: {  	v9 =	vmov s10;
	v14 =	vmul.f32 v25, v11;
	v26 =	vmul.f32 v15, v13  }
0xdc: {  	s16 =	smul.f32 s2, s2;
	v10 =	vsub.f32 v37, v9;
	s15 =	spop (v2sf);
	v8 =	vmul.f32 v8, v61  }
0xdd: {  	v25 =	vadd.f32 v40, v39;
	v14 =	vsub.f32 $1.500000000e+00, v14;
	v60, _, _ =	vpop (xrf2);
	v52 =	vmul.f32 v15, v26;
	s3 =	smul.f32 $1.562500000e-02, s15  }
0xde: {  	v54 =	vmov s12;
	(v2sf) =	vpush v60, $0xF;
	v8 =	vsub.f32 $1.500000000e+00, v8  }
0xdf: {  	v11 =	vmul.f32 v14, v11;
	v14 =	vsub.f32 v44, v9;
	v44 =	vld [tilespmem:s1+$0x760];
	v57 =	vsub.f32 $1.500000000e+00, v52;
	s3 =	ssub.f32 s3, s16  }
0xe0: {  	v60 =	vmul.f32 v39, v39;
	v52 =	vsub.f32 v49, v54;
	v8 =	vmul.f32 v8, v61  }
0xe1: {  	v61, _, _ =	vpop (xrf2);
	v12 =	vmul.f32 v15, v57;
	s3 =	sadd.f32 $9.999999740e-06, s3;
	v15 =	vsub.f32 v41, v9;
	v9 =	vsub.f32 v32, v9  }
0xe2: {  	v41 =	vld [tilespmem:s1+$0x770];
	(v2sf) =	vpush v61, $0xF;
	v62, _, _ =	vpop (xrf2);
	v61 =	vmul.f32 v40, v40;
	v0 =	vmul.f32 v8, v0  }
0xe3: {  	v29 =	vmul.f32 v12, v13;
	(v2sf) =	vpush v62, $0xF;
	v18 =	vmov s3  }
0xe4: {  	v62 =	vmul.f32 v44, v44;
	v24 =	vshra.s32 v18, $0x1;
	v51 =	vmul.f32 $5.000000000e-01, v18;
	v63, _, _ =	vpop (xrf2)  }
0xe5: {  	v18 =	vadd.f32 v61, v60;
	v0 =	vmul.f32 v0, v8;
	(v2sf) =	vpush v63, $0xF  }
0xe6: {  	v29 =	vmul.f32 v29, v12;
	v37 =	vsub.s32 $0x5F3759DF, v24;
	v24 =	vmul.f32 v11, v14  }
0xe7: {  	s15 =	spop (v2sf);
	v50 =	vmul.f32 v37, v51;
	v26 =	vadd.f32 v41, v44;
	v57 =	vmul.f32 v41, v41  }
0xe8: {  	s9 =	smul.f32 $1.562500000e-02, s15;
	v63 =	vmul.f32 v11, v10;
	v0 =	vsub.f32 $1.500000000e+00, v0;
	v29 =	vsub.f32 $1.500000000e+00, v29;
	s16 =	spop (v2sf)  }
0xe9: {  	v32 =	vadd.f32 v57, v62;
	v50 =	vmul.f32 v37, v50;
	v57 =	vsub.f32 v46, v54;
	s15 =	smul.f32 $1.562500000e-02, s16  }
0xea: {  	v0 =	vmul.f32 v0, v8;
	v8 =	vmul.f32 v29, v12;
	v29 =	vadd.f32 v26, v25;
	s16 =	smul.f32 s9, s9  }
0xeb: {  	v25 =	vmul.f32 v11, v15;
	v60 =	vsub.f32 $1.500000000e+00, v50;
	v61 =	vadd.f32 v32, v18  }
0xec: {  	v14 =	vsub.f32 v42, v54;
	v26 =	vmul.f32 v11, v9;
	v62 =	vmul.f32 v8, v13;
	(xrf2) =	vadd.scan.msk.f32 $0xffff, v29;
	s3 =	ssub.f32 s15, s16  }
0xed: {  	v18 =	vsub.f32 v47, v54;
	v15 =	vmul.f32 v0, v57;
	v32 =	vmul.f32 v37, v60;
	(xrf2) =	vadd.scan.msk.f32 $0xffff, v61  }
0xee: {  	v14 =	vmul.f32 v0, v14;
	v60 =	vmov s30;
	v11 =	vmul.f32 v62, v8;
	s3 =	sadd.f32 $9.999999740e-06, s3  }
0xef: {  	v13 =	vmul.f32 v0, v18;
	v61 =	vsub.f32 v30, v60;
	v37 =	vmul.f32 v32, v51  }
0xf0: {  	s12 =	spop (v2sf);
	v30 =	vmul.f32 v0, v52;
	v56 =	vsub.f32 $1.500000000e+00, v11;
	v54 =	vmov s3  }
0xf1: {  	s12 =	smul.f32 $1.562500000e-02, s12;
	v37 =	vmul.f32 v37, v32;
	s15 =	spop (v2sf);
	v57 =	vshra.s32 v54, $0x1;
	v50 =	vmul.f32 $5.000000000e-01, v54  }
0xf2: {  	v0 =	vsub.f32 v28, v60;
	v8 =	vmul.f32 v56, v8;
	s3 =	smul.f32 $1.562500000e-02, s15;
	v49 =	vsub.s32 $0x5F3759DF, v57  }
0xf3: {  	v18 =	vsub.f32 v58, v60;
	s15 =	smul.f32 s12, s12;
	s10 =	spop (v2sf);
	v37 =	vsub.f32 $1.500000000e+00, v37;
	v42 =	vmul.f32 v49, v50  }
0xf4: {  	s10 =	smul.f32 $1.562500000e-02, s10;
	v28 =	vmul.f32 v8, v61;
	v12 =	vmul.f32 v8, v0;
	v0 =	vsub.f32 v59, v60;
	s16 =	spop (v2sf)  }
0xf5: {  	s3 =	ssub.f32 s3, s15;
	v52 =	vmul.f32 v37, v32;
	s30 =	smul.f32 $1.562500000e-02, s16;
	v62 =	vmul.f32 v49, v42  }
0xf6: {  	v46 =	vld [tilespmem:s1+$0x790];
	v11 =	vmul.f32 v8, v18;
	v58, _, _ =	vpop (xrf2);
	v10 =	vmul.f32 v8, v0;
	s16 =	smul.f32 s10, s10  }
0xf7: {  	v57 =	vmul.f32 v52, v51;
	s3 =	sadd.f32 $9.999999740e-06, s3;
	(v2sf) =	vpush v58, $0xF;
	v8, _, _ =	vpop (xrf2);
	v42 =	vld [tilespmem:s1+$0x780];
	v56 =	vsub.f32 $1.500000000e+00, v62  }
0xf8: {  	[tilespmem:$0x1FFD0] =	vst v1;
	v1 =	vmov s2;
	v47 =	vld [tilespmem:s1+$0x7A0];
	(v2sf) =	vpush v8, $0xF;
	s30 =	ssub.f32 s30, s16  }
0xf9: {  	v8 =	vmul.f32 v57, v52;
	v59 =	vmov s3;
	v0 =	vmul.f32 v49, v56;
	v49 =	vld [tilespmem:s1+$0x7B0]  }
0xfa: {  	v31 =	vsub.f32 v31, v1;
	v60 =	vshra.s32 v59, $0x1;
	v51 =	vmul.f32 $5.000000000e-01, v59;
	s15 =	sadd.f32 $9.999999740e-06, s30  }
0xfb: {  	v33 =	vsub.f32 v33, v1;
	v54 =	vsub.s32 $0x5F3759DF, v60;
	v8 =	vsub.f32 $1.500000000e+00, v8  }
0xfc: {  	v32 =	vmul.f32 v54, v51;
	v61 =	vmov s15;
	v9 =	vadd.f32 v46, v42  }
0xfd: {  	v60 =	vmul.f32 v42, v42;
	v52 =	vmul.f32 v8, v52;
	v62 =	vshra.s32 v61, $0x1  }
0xfe: {  	v56 =	vmul.f32 $5.000000000e-01, v61;
	v29 =	vmul.f32 v0, v50;
	v18 =	vadd.f32 v49, v47  }
0xff: {  	v59 =	vld [tilespmem:s1+$0x7D0];
	v61 =	vmul.f32 v46, v46;
	v32 =	vmul.f32 v54, v32;
	v57 =	vsub.s32 $0x5F3759DF, v62  }
0x100: {  	v37 =	vmul.f32 v57, v56;
	v58 =	vadd.f32 v18, v9;
	v18 =	vmul.f32 v29, v0;
	v29 =	vld [tilespmem:s1+$0x7C0]  }
0x101: {  	v8 =	vsub.f32 v34, v1;
	v34 =	vld [tilespmem:s1+$0x7F0];
	v62 =	vmul.f32 v49, v49;
	v9 =	vmul.f32 v47, v47  }
0x102: {  	v60 =	vadd.f32 v61, v60;
	v37 =	vmul.f32 v57, v37;
	v61 =	vsub.f32 $1.500000000e+00, v18  }
0x103: {  	v31 =	vmul.f32 v52, v31;
	v62 =	vadd.f32 v62, v9;
	v18 =	vsub.f32 $1.500000000e+00, v32;
	v32 =	vld [tilespmem:s1+$0x7E0]  }
0x104: {  	v33 =	vmul.f32 v52, v33;
	v37 =	vsub.f32 $1.500000000e+00, v37;
	v0 =	vmul.f32 v61, v0  }
0x105: {  	v62 =	vadd.f32 v62, v60;
	v61 =	vmul.f32 v59, v59;
	v60 =	vmul.f32 v29, v29  }
0x106: {  	(xrf2) =	vadd.scan.msk.f32 $0xffff, v58;
	v58 =	vmul.f32 v34, v34;
	v37 =	vmul.f32 v57, v37;
	s15 =	spop (v2sf)  }
0x107: {  	v18 =	vmul.f32 v54, v18;
	s16 =	spop (v2sf);
	s30 =	smul.f32 $1.562500000e-02, s15;
	v50 =	vmul.f32 v0, v50;
	v54 =	vadd.f32 v61, v60  }
0x108: {  	s15 =	smul.f32 $1.562500000e-02, s16;
	v57 =	vmul.f32 v32, v32;
	v60 =	vadd.f32 v59, v29;
	v61 =	vadd.f32 v34, v32  }
0x109: {  	v1 =	vsub.f32 v35, v1;
	(xrf2) =	vadd.scan.msk.f32 $0xffff, v62;
	v35 =	vmul.f32 v18, v51;
	s16 =	smul.f32 s30, s30;
	v50 =	vmul.f32 v50, v0  }
0x10a: {  	v57 =	vadd.f32 v58, v57;
	v60 =	vadd.f32 v61, v60;
	v61 =	vmul.f32 v37, v56  }
0x10b: {  	s2 =	ssub.f32 s15, s16;
	v58 =	vmul.f32 v35, v18;
	v35 =	vmul.f32 v52, v1;
	v50 =	vsub.f32 $1.500000000e+00, v50  }
0x10c: {  	v1 =	vadd.f32 v57, v54;
	v62 =	vmul.f32 v61, v37;
	v61 =	vmov s9  }
0x10d: {  	v9 =	vmul.f32 v52, v8;
	s2 =	sadd.f32 $9.999999740e-06, s2;
	v52 =	vsub.f32 $1.500000000e+00, v58;
	v20 =	vsub.f32 v20, v61  }
0x10e: {  	v19 =	vsub.f32 v19, v61;
	v0 =	vmul.f32 v50, v0;
	v17 =	vsub.f32 v17, v61  }
0x10f: {  	v16 =	vsub.f32 v16, v61;
	v61 =	vmov s2;
	v18 =	vmul.f32 v52, v18  }
0x110: {  	v62 =	vsub.f32 $1.500000000e+00, v62;
	v58, _, _ =	vpop (xrf2);
	v57 =	vmul.f32 v0, v20;
	v54 =	vmul.f32 v0, v19  }
0x111: {  	(v2sf) =	vpush v58, $0xF;
	v58 =	vmul.f32 $5.000000000e-01, v61;
	v51 =	vmul.f32 v18, v51  }
0x112: {  	(xrf2) =	vadd.scan.msk.f32 $0xffff, v60;
	v52 =	vmul.f32 v0, v16;
	v37 =	vmul.f32 v62, v37  }
0x113: {  	v60, _, _ =	vpop (xrf2);
	(xrf2) =	vadd.scan.msk.f32 $0xffff, v1;
	v1 =	vmul.f32 v51, v18;
	v51 =	vmul.f32 v0, v17;
	v0 =	vmov s12  }
0x114: {  	v62 =	vshra.s32 v61, $0x1;
	(v2sf) =	vpush v60, $0xF;
	v60 =	vsub.f32 v43, v0  }
0x115: {  	v50 =	vmul.f32 v37, v56;
	v61 =	vsub.f32 v45, v0;
	v1 =	vsub.f32 $1.500000000e+00, v1  }
0x116: {  	v22 =	vsub.f32 v22, v0;
	v21 =	vsub.f32 v21, v0;
	v0 =	vld [tilespmem:$0x1FE90]  }
0x117: {  	v19 =	vmul.f32 v50, v37;
	v1 =	vmul.f32 v1, v18  }
0x118: {  	v17 =	vsub.s32 $0x5F3759DF, v62  }
0x119: {  	v62 =	vsub.f32 $1.500000000e+00, v19;
	v50 =	vmul.f32 v1, v60;
	v45 =	vmul.f32 v1, v61  }
0x11a: {  	v8 =	vmul.f32 v1, v22;
	v43 =	vmul.f32 v1, v21  }
0x11b: {  	v1 =	vmul.f32 v62, v37;
	v62 =	vmul.f32 v0, v2;
	v0 =	vld [tilespmem:$0x1FEA0];
	_ =	sdelay $0x3  }
0x11c: {  	v60 =	vmov s10  }
0x11d: {  	v56 =	vmul.f32 v17, v58;
	v18 =	vsub.f32 v48, v60;
	v48 =	vmul.f32 v0, v3;
	v0 =	vld [tilespmem:$0x1FEB0];
	_ =	sdelay $0x3  }
0x11e: {  	v16 =	vmul.f32 v17, v56;
	v56, _, _ =	vpop (xrf2)  }
0x11f: {  	(v2sf) =	vpush v56, $0xF;
	v56 =	vmul.f32 v0, v4;
	v0 =	vld [tilespmem:$0x1FEC0];
	_ =	sdelay $0x1  }
0x120: {  	v16 =	vsub.f32 $1.500000000e+00, v16;
	_ =	sdelay $0x1  }
0x121: {  	v21 =	vmul.f32 v17, v16;
	v20 =	vsub.f32 v23, v60  }
0x122: {  	v22 =	vsub.f32 v53, v60;
	v16 =	vsub.f32 v55, v60;
	v60 =	vmul.f32 v0, v5;
	v0 =	vld [tilespmem:$0x1FED0];
	_ =	sdelay $0x3  }
0x123: {  	v61, _, _ =	vpop (xrf2)  }
0x124: {  	(v2sf) =	vpush v61, $0xF;
	v61 =	vmul.f32 v0, v2;
	v0 =	vld [tilespmem:$0x1FFE0];
	_ =	sdelay $0x4  }
0x125: {  	v23 =	vadd.f32 v56, v0;
	v0 =	vld [tilespmem:$0x1FFF0];
	_ =	sdelay $0x4  }
0x126: {  	v37 =	vadd.f32 v60, v0;
	v0 =	vld [tilespmem:$0x1FEE0];
	_ =	sdelay $0x4  }
0x127: {  	v17 =	vadd.f32 v62, v6;
	v62 =	vmul.f32 v0, v3;
	v0 =	vld [tilespmem:$0x1FEF0];
	_ =	sdelay $0x4  }
0x128: {  	v55 =	vmul.f32 v0, v4;
	v0 =	vld [tilespmem:$0x1FF00];
	_ =	sdelay $0x4  }
0x129: {  	v56 =	vmul.f32 v0, v5;
	v0 =	vld [tilespmem:$0x1FF10];
	_ =	sdelay $0x4  }
0x12a: {  	v60 =	vmul.f32 v0, v2;
	v0 =	vld [tilespmem:$0x1FF20];
	_ =	sdelay $0x4  }
0x12b: {  	v19 =	vadd.f32 v48, v7;
	v48 =	vadd.f32 v61, v6;
	v61 =	vmul.f32 v0, v3;
	v0 =	vld [tilespmem:$0x1FFE0];
	_ =	sdelay $0x4  }
0x12c: {  	v55 =	vadd.f32 v55, v0;
	v0 =	vld [tilespmem:$0x1FFF0];
	_ =	sdelay $0x3  }
0x12d: {  	[tilespmem:s1+$0x460] =	vst v55;
	v55 =	vld [tilespmem:$0x1FF70]  }
0x12e: {  	v60 =	vadd.f32 v60, v6;
	v56 =	vadd.f32 v56, v0;
	v0 =	vld [tilespmem:$0x1FF30];
	_ =	sdelay $0x1  }
0x12f: {  	v53 =	vadd.f32 v62, v7;
	[tilespmem:s1+$0x480] =	vst v60;
	v60 =	vld [tilespmem:$0x1FFE0];
	_ =	sdelay $0x1  }
0x130: {  	[tilespmem:s1+$0x450] =	vst v53;
	v53 =	vld [tilespmem:$0x1FF80]  }
0x131: {  	[tilespmem:s1+$0x440] =	vst v48;
	v48 =	vmul.f32 v55, v4;
	v62 =	vmul.f32 v0, v4;
	v0 =	vld [tilespmem:$0x1FF40];
	_ =	sdelay $0x1  }
0x132: {  	v48 =	vadd.f32 v48, v60;
	v60 =	vld [tilespmem:$0x1FFF0]  }
0x133: {  	v36 =	vmul.f32 v36, v2;
	v27 =	vmul.f32 v27, v3  }
0x134: {  	v24 =	vmul.f32 v24, v2;
	[tilespmem:s1+$0x410] =	vst v19;
	v19 =	vmul.f32 v21, v58  }
0x135: {  	[tilespmem:s1+$0x400] =	vst v17;
	v53 =	vmul.f32 v53, v5;
	v17 =	vmul.f32 v0, v5;
	v0 =	vld [tilespmem:$0x1FFE0]  }
0x136: {  	v15 =	vmul.f32 v15, v2;
	v14 =	vmul.f32 v14, v3  }
0x137: {  	v13 =	vmul.f32 v13, v4;
	v19 =	vmul.f32 v19, v21;
	v53 =	vadd.f32 v53, v60;
	v60 =	vld [tilespmem:$0x1FF90]  }
0x138: {  	v12 =	vmul.f32 v12, v3;
	v11 =	vmul.f32 v11, v4;
	s15 =	spop (v2sf)  }
0x139: {  	v10 =	vmul.f32 v10, v5;
	v31 =	vmul.f32 v31, v3;
	s10 =	smul.f32 $1.562500000e-02, s15;
	v19 =	vsub.f32 $1.500000000e+00, v19  }
0x13a: {  	v33 =	vmul.f32 v33, v4;
	v9 =	vmul.f32 v9, v2;
	v62 =	vadd.f32 v62, v0;
	v0 =	vld [tilespmem:$0x1FF50]  }
0x13b: {  	v35 =	vmul.f32 v35, v5;
	s16 =	spop (v2sf);
	s12 =	smul.f32 s10, s10;
	v19 =	vmul.f32 v19, v21;
	[tilespmem:s1+$0x420] =	vst v23;
	v23 =	vld [tilespmem:$0x1FFF0]  }
0x13c: {  	v15 =	vadd.f32 v15, v6;
	v18 =	vmul.f32 v1, v18;
	s9 =	smul.f32 $1.562500000e-02, s16;
	v55 =	vmul.f32 v60, v2;
	v60 =	vld [tilespmem:$0x1FFA0]  }
0x13d: {  	v14 =	vadd.f32 v14, v7;
	v8 =	vmul.f32 v8, v4;
	v58 =	vmul.f32 v19, v58  }
0x13e: {  	v12 =	vadd.f32 v12, v7;
	v16 =	vmul.f32 v1, v16;
	v18 =	vmul.f32 v18, v2;
	s2 =	ssub.f32 s9, s12;
	[tilespmem:s1+$0x4A0] =	vst v62;
	v62 =	vld [tilespmem:$0x1FFC0]  }
0x13f: {  	[tilespmem:s1+$0x5C0] =	vst v15;
	v9 =	vadd.f32 v9, v6;
	v58 =	vmul.f32 v58, v19;
	v0 =	vmul.f32 v0, v2  }
0x140: {  	s2 =	sadd.f32 $9.999999740e-06, s2;
	v61 =	vadd.f32 v61, v7;
	[tilespmem:s1+$0x470] =	vst v56;
	v56 =	vmov s30;
	v23 =	vadd.f32 v17, v23;
	v17 =	vld [tilespmem:$0x1FF60]  }
0x141: {  	s15 =	spop (v2sf);
	[tilespmem:s1+$0x430] =	vst v37;
	v39 =	vsub.f32 v39, v56;
	v60 =	vmul.f32 v60, v3;
	v37 =	vadd.f32 v0, v6  }
0x142: {  	s16 =	spop (v2sf);
	[tilespmem:s1+$0x490] =	vst v61;
	v61 =	vld [tilespmem:$0x1FFB0];
	v0 =	vmul.f32 v1, v20;
	v20 =	vmul.f32 v1, v22;
	v1 =	vmov s2;
	s2 =	smul.f32 $1.562500000e-02, s15  }
0x143: {  	s3 =	smul.f32 $1.562500000e-02, s16;
	v44 =	vsub.f32 v44, v56;
	[tilespmem:s1+$0x4B0] =	vst v23;
	v23 =	vmul.f32 v62, v5;
	v62 =	vsub.f32 $1.500000000e+00, v58  }
0x144: {  	v22 =	vshra.s32 v1, $0x1;
	v1 =	vmul.f32 $5.000000000e-01, v1;
	s30 =	smul.f32 s2, s2;
	[tilespmem:s1+$0x4C0] =	vst v37;
	v37 =	vadd.f32 v60, v7;
	v60 =	vld [tilespmem:$0x1FFE0]  }
0x145: {  	[tilespmem:s1+$0x5D0] =	vst v14;
	v55 =	vadd.f32 v55, v6;
	v17 =	vmul.f32 v17, v3;
	v22 =	vsub.s32 $0x5F3759DF, v22  }
0x146: {  	[tilespmem:s1+$0x610] =	vst v12;
	v41 =	vsub.f32 v41, v56;
	v19 =	vmul.f32 v62, v19;
	v21 =	vmul.f32 v22, v1;
	s3 =	ssub.f32 s3, s30  }
0x147: {  	v61 =	vmul.f32 v61, v4;
	[tilespmem:s1+$0x500] =	vst v55;
	v55 =	vadd.f32 v27, v7;
	v17 =	vadd.f32 v17, v7  }
0x148: {  	[tilespmem:s1+$0x640] =	vst v9;
	v58 =	vadd.f32 v36, v6;
	v14 =	vmul.f32 v19, v39;
	v39 =	vld [tilespmem:$0x1FFE0];
	v21 =	vmul.f32 v22, v21;
	s3 =	sadd.f32 $9.999999740e-06, s3  }
0x149: {  	[tilespmem:s1+$0x4F0] =	vst v53;
	v36 =	vmul.f32 v38, v4;
	v0 =	vmul.f32 v0, v3;
	v60 =	vadd.f32 v61, v60;
	v61 =	vld [tilespmem:$0x1FFF0]  }
0x14a: {  	[tilespmem:s1+$0x510] =	vst v37;
	v37 =	vsub.f32 v40, v56;
	v56 =	vld [tilespmem:$0x1FFD0];
	v21 =	vsub.f32 $1.500000000e+00, v21;
	v62 =	vmov s3  }
0x14b: {  	[tilespmem:s1+$0x4D0] =	vst v17;
	v0 =	vadd.f32 v0, v7;
	v53 =	vshra.s32 v62, $0x1;
	v38 =	vmul.f32 $5.000000000e-01, v62  }
0x14c: {  	[tilespmem:s1+$0x540] =	vst v58;
	v58 =	vld [tilespmem:$0x1FFE0];
	v17 =	vmul.f32 v22, v21;
	v62 =	vmul.f32 v25, v3;
	v40 =	vsub.s32 $0x5F3759DF, v53  }
0x14d: {  	[tilespmem:s1+$0x4E0] =	vst v48;
	v8 =	vadd.f32 v8, v39;
	v53 =	vmul.f32 v63, v4;
	v48 =	vmul.f32 v40, v38  }
0x14e: {  	[tilespmem:s1+$0x550] =	vst v55;
	v63 =	vmul.f32 v28, v2;
	v28 =	vld [tilespmem:$0x1FFE0];
	v21 =	vadd.f32 v23, v61;
	v61 =	vmul.f32 v17, v1  }
0x14f: {  	[tilespmem:s1+$0x520] =	vst v60;
	v27 =	vmul.f32 v56, v5;
	v25 =	vld [tilespmem:$0x1FFE0];
	v56 =	vadd.f32 v62, v7;
	v60 =	vmul.f32 v40, v48  }
0x150: {  	v62 =	vmul.f32 v30, v5;
	v30 =	vld [tilespmem:$0x1FFF0];
	[tilespmem:s1+$0x6E0] =	vst v8;
	v8 =	vadd.f32 v18, v6;
	v22 =	vmul.f32 v61, v17  }
0x151: {  	v14 =	vmul.f32 v14, v2;
	[tilespmem:s1+$0x710] =	vst v0;
	v23 =	vadd.f32 v36, v58;
	v55 =	vsub.f32 $1.500000000e+00, v60  }
0x152: {  	v58 =	vmul.f32 v26, v5;
	v26 =	vld [tilespmem:$0x1FFF0];
	v36 =	vmul.f32 v57, v2;
	[tilespmem:s1+$0x590] =	vst v56;
	v22 =	vsub.f32 $1.500000000e+00, v22  }
0x153: {  	v57 =	vmul.f32 v54, v3;
	v61 =	vld [tilespmem:$0x1FFF0];
	[tilespmem:s1+$0x560] =	vst v23;
	v11 =	vadd.f32 v11, v28;
	v23 =	vmul.f32 v40, v55  }
0x154: {  	v48 =	vadd.f32 v24, v6;
	[tilespmem:s1+$0x700] =	vst v8;
	v13 =	vadd.f32 v13, v25;
	v17 =	vmul.f32 v22, v17  }
0x155: {  	v0 =	vld [tilespmem:$0x1FFF0];
	v10 =	vadd.f32 v10, v30;
	[tilespmem:s1+$0x620] =	vst v11;
	v11 =	vmul.f32 v19, v44;
	v44 =	vmul.f32 v23, v38  }
0x156: {  	[tilespmem:s1+$0x5E0] =	vst v13;
	v13 =	vadd.f32 v31, v7;
	v30 =	vmul.f32 v45, v3;
	v1 =	vmul.f32 v17, v1  }
0x157: {  	[tilespmem:s1+$0x530] =	vst v21;
	v15 =	vadd.f32 v62, v26;
	v55 =	vmov s10;
	v56 =	vmul.f32 v44, v23  }
0x158: {  	[tilespmem:s1+$0x580] =	vst v48;
	v21 =	vadd.f32 v27, v61;
	v61 =	vld [tilespmem:$0x1FFF0];
	v44 =	vmul.f32 v16, v5;
	v1 =	vmul.f32 v1, v17  }
0x159: {  	v22 =	vmul.f32 v19, v37;
	[tilespmem:s1+$0x630] =	vst v10;
	v62 =	vsub.f32 v47, v55;
	v9 =	vsub.f32 v49, v55  }
0x15a: {  	v60 =	vld [tilespmem:$0x1FFE0];
	v10 =	vmul.f32 v19, v41;
	[tilespmem:s1+$0x650] =	vst v13;
	v0 =	vadd.f32 v44, v0;
	v1 =	vsub.f32 $1.500000000e+00, v1  }
0x15b: {  	v48 =	vld [tilespmem:$0x1FFF0];
	v13 =	vadd.f32 v57, v7;
	v47 =	vadd.f32 v14, v6;
	v49 =	vmov s2;
	[tilespmem:s1+$0x5F0] =	vst v15  }
0x15c: {  	v27 =	vadd.f32 v63, v6;
	[tilespmem:s1+$0x730] =	vst v0;
	v0 =	vld [tilespmem:$0x1FFE0];
	v1 =	vmul.f32 v1, v17;
	v17 =	vsub.f32 $1.500000000e+00, v56  }
0x15d: {  	v40 =	vld [tilespmem:$0x1FFE0];
	v63 =	vmul.f32 v52, v5;
	[tilespmem:s1+$0x570] =	vst v21;
	v21 =	vadd.f32 v58, v61;
	v58 =	vsub.f32 v42, v55  }
0x15e: {  	v11 =	vmul.f32 v11, v4;
	v52 =	vsub.f32 v59, v49;
	[tilespmem:s1+$0x690] =	vst v13;
	v17 =	vmul.f32 v17, v23  }
0x15f: {  	v24 =	vadd.f32 v53, v60;
	v53 =	vadd.f32 v36, v6;
	[tilespmem:s1+$0x740] =	vst v47;
	v36 =	vmul.f32 v1, v58  }
0x160: {  	v28 =	vld [tilespmem:$0x1FFF0];
	v15 =	vadd.f32 v35, v48;
	v60 =	vsub.f32 v46, v55;
	[tilespmem:s1+$0x600] =	vst v27;
	v23 =	vmul.f32 v17, v38  }
0x161: {  	v26 =	vld [tilespmem:$0x1FFE0];
	[tilespmem:s1+$0x5A0] =	vst v24;
	v61 =	vmul.f32 v51, v4;
	v0 =	vadd.f32 v11, v0;
	v51 =	vmul.f32 v36, v2  }
0x162: {  	v8 =	vld [tilespmem:$0x1FFE0];
	v12 =	vadd.f32 v33, v40;
	[tilespmem:s1+$0x670] =	vst v15;
	v33 =	vmul.f32 v43, v5;
	v43 =	vmul.f32 v23, v17  }
0x163: {  	v54 =	vld [tilespmem:$0x1FFF0];
	v35 =	vadd.f32 v30, v7;
	v45 =	vmul.f32 v22, v3;
	[tilespmem:s1+$0x760] =	vst v0;
	v0 =	vadd.f32 v51, v6  }
0x164: {  	v10 =	vmul.f32 v10, v5;
	v27 =	vmul.f32 v50, v2;
	[tilespmem:s1+$0x680] =	vst v53;
	v46 =	vsub.f32 $1.500000000e+00, v43  }
0x165: {  	v13 =	vadd.f32 v63, v28;
	v50 =	vsub.f32 v29, v49;
	v42 =	vmul.f32 v20, v4;
	[tilespmem:s1+$0x780] =	vst v0;
	v0 =	vld [tilespmem:$0x1FFE0]  }
0x166: {  	[tilespmem:s1+$0x660] =	vst v12;
	v12 =	vadd.f32 v61, v26;
	v61 =	vld [tilespmem:$0x1FFF0];
	v40 =	vmul.f32 v1, v62;
	v48 =	vmul.f32 v46, v17  }
0x167: {  	[tilespmem:s1+$0x6D0] =	vst v35;
	v8 =	vadd.f32 v42, v8;
	v37 =	vmul.f32 v1, v60;
	v1 =	vmul.f32 v1, v9  }
0x168: {  	v10 =	vadd.f32 v10, v54;
	[tilespmem:s1+$0x6B0] =	vst v13;
	v56 =	vmul.f32 v40, v4;
	v11 =	vmul.f32 v48, v50  }
0x169: {  	[tilespmem:s1+$0x720] =	vst v8;
	v8 =	vadd.f32 v45, v7;
	v1 =	vmul.f32 v1, v5;
	v58 =	vmul.f32 v48, v52  }
0x16a: {  	[tilespmem:s1+$0x770] =	vst v10;
	v0 =	vadd.f32 v56, v0;
	v59 =	vmul.f32 v11, v2  }
0x16b: {  	[tilespmem:s1+$0x750] =	vst v8;
	v1 =	vadd.f32 v1, v61;
	v62 =	vmul.f32 v58, v3  }
0x16c: {  	v41 =	vld [tilespmem:$0x1FFF0];
	[tilespmem:s1+$0x7A0] =	vst v0;
	v0 =	vadd.f32 v59, v6  }
0x16d: {  	v53 =	vsub.f32 v32, v49;
	[tilespmem:s1+$0x7B0] =	vst v1;
	v1 =	vadd.f32 v62, v7  }
0x16e: {  	v31 =	vadd.f32 v27, v6;
	v8 =	vsub.f32 v34, v49;
	[tilespmem:s1+$0x7C0] =	vst v0;
	v0 =	vld [tilespmem:$0x1FFE0]  }
0x16f: {  	v60 =	vmul.f32 v48, v53;
	[tilespmem:s1+$0x7D0] =	vst v1;
	v1 =	vld [tilespmem:$0x1FFF0]  }
0x170: {  	[tilespmem:s1+$0x6C0] =	vst v31;
	v55 =	vmul.f32 v37, v3;
	v8 =	vmul.f32 v48, v8  }
0x171: {  	p0 =	sne.s32 s4, $0x3F000;
	[tilespmem:s1+$0x5B0] =	vst v21;
	v9 =	vadd.f32 v33, v41;
	v63 =	vmul.f32 v60, v4  }
.Ltmp0:
0x172: {  	[tilespmem:s1+$0x6A0] =	vst v12;
	v57 =	vadd.f32 v55, v7;
	v8 =	vmul.f32 v8, v5;
	(pc) =	sbr.rel @p0 .LBB2_3-.Ltmp0, $4  }
0x173: {  	[tilespmem:s1+$0x6F0] =	vst v9;
	v0 =	vadd.f32 v63, v0  }
0x174: {  	[tilespmem:s1+$0x790] =	vst v57;
	v1 =	vadd.f32 v8, v1  }
0x175: {  	[tilespmem:s1+$0x7E0] =	vst v0  }
0x176: {  	s4 =	sadd.s32 $0x1000, s4;
	[tilespmem:s1+$0x7F0] =	vst v1  }
0x177: {  	s31 =	sadd.s32 $0x1, s31  }
0x178: {  	s0 =	sshll.u32 s0, $0x3;
	s1 =	rddreg [dreg:$0x3];
	p0 =	sne.s32 s31, $0x19  }
.Ltmp1:
0x179: {  	s0 =	sadd.s32 s1, s0;
	(pc) =	sbr.rel @p0 .LBB2_2-.Ltmp1, $4  }
0x17a: {  	[hbm4b:s0+s5] =	stream.linear.scatter [tilespmem:s14], [sflag:$0x2], $0x10000, $0x38;
	[tilespmem:$0x10480] =	vst v63  }
0x17b: {  	_ =	swait.ge [sflag:s11], $0x10000  }
0x17c: {  	[sflag:s11] =	ssyncset.done $0x0  }
0x17d: {  	[sflag:s11] =	ssyncadd.s32 $0xFFFF0000  }
0x17e: {  	s1 =	rddreg [dreg:$0x6]  }
0x17f: {  	s0 =	rddreg [dreg:$0x5];
	s1 =	sadd.s32 $0x1, s1  }
0x180: {  	p0 =	sne.s32 s1, s0  }
.Ltmp2:
0x181: {  	_ = 	snop;
	(pc) =	sbr.rel @p0 .LBB2_1-.Ltmp2, $1  }
0x182: {  	_ =	sdelay $0x3  }
0x183: {  	_ =	sfence.sel $0x180000  }
0x184: {  	[bflag:$0x0] =	sbarrier.arrive $0xFFFF  }
0x185: {  	_ =	strace $0x90000047  }
0x186: {  	s0 =	stileid.u32;
	[bflag:$0x2] =	sbarrier.arrive $0xFFFF  }
0x187: {  	p0 =	sne.s32 s0, $0x0;
	s0 =	rddreg [dreg:$0x4]  }
0x188: {  	s0 =	sadd.s32 @!p0 $0x100000, s0  }
0x189: {  	[sflag:s0] =	ssyncadd.tile.s32 @!p0 $0x1;
	_ =	shalt  }
.Lfunc_end2:
_tile_overlayer_lowered:
.L_overlay_start_2:
0x18a: {  	(tag) =	ssettag $0x2  }
0x18b: {  	s0 =	rddreg [dreg:$0x0];
	s2 =	stileid.u32  }
0x18c: {  	s1 =	rddreg [dreg:$0x1];
	p0 =	sne.s32 s2, $0x0  }
0x18d: {  	s3 =	rddreg [dreg:$0x2];
	[bflag:$0x3] =	sbarrier.arrive $0xFFFF;
	s2 =	simm.s32 @!p0 $0x1C02  }
0x18e: {  	[timem:s3], [sflag:s2] =	dma.local @!p0 [hbm:s0], s1  }
0x18f: {  	s0 =	simm.s32 @!p0 $0x2  }
0x190: {  	_ =	swait.ge @!p0 [sflag:s0], s1  }
0x191: {  	s1 =	ssub.s32 @!p0 $0x0, s1;
	[sflag:s0] =	ssyncset.done @!p0 $0x0  }
0x192: {  	[sflag:s0] =	ssyncadd.s32 @!p0 s1  }
0x193: {  	[bflag:$0x3] =	sbarrier.arrive $0xFFFF  }
0x194: {  	_ =	shalt  }

// kernel: sparse-core-data-format-call.cloned.1.call-start
scs
called_computation_lowered:
.L_overlay_start_0:
0x0: {  	s2 =	sld [smem:$0x3FD9]  }
0x1: {  	s3 =	sld [smem:$0x3FFE];
	_ =	sdelay $0x1  }
0x2: {  	s1 =	srdreg.scid  }
0x3: {  	s0 =	sand.u32 $0x1, s1  }
0x4: {  	s18 =	sshll.u32 s0, $0xA;
	s2 =	sadd.s32 s3, s2  }
0x5: {  	s2 =	sadd.s32 s2, s18  }
0x6: {  	[smem:$0x3FC4] =	sst s2  }
0x7: {  	_ = 	snop  }
0x8: {  	s2 =	sld [smem:$0x3FD0];
	(tm) =	ssettm $0x1  }
0x9: {  	s19 =	sld [smem:$0x3FFB];
	_ =	sdelay $0x3  }
0xa: {  	_ =	strace s19  }
0xb: {  	s3 =	sld [smem:$0x3FFC];
	_ =	sdelay $0x3  }
0xc: {  	_ =	strace s3  }
0xd: {  	s3 =	sld [smem:$0x3FFD];
	_ =	sdelay $0x3  }
0xe: {  	_ =	strace s3  }
0xf: {  	_ =	strace $0x8FFFFFFF  }
0x10: {  	s20 =	sld [smem:$0x3FDB];
	_ =	sdelay $0x1  }
0x11: {  	s4 =	simm.s32 $_scs_section_size  }
0x12: {  	s5 =	simm.s32 $_size__tile_overlayer_lowered;
	s6 =	simm.s32 $_tile_overlayer_lowered  }
0x13: {  	s23 =	simm.s32 $0x1BFF;
	s22 =	sshll.u32 s6, $0x1;
	s3 =	sadd.s32 s4, s20  }
0x14: {  	s7 =	simm.s32 $0x0;
	s21 =	sshll.u32 s5, $0x1;
	s5 =	sadd.s32 s22, s3  }
0x15: {  	[timem:s7], [sflag:s23] =	dma.local [hbm:s5], s21  }
0x16: {  	_ =	swait.ge [sflag:s23], s21  }
0x17: {  	s4 =	ssub.s32 $0x0, s21;
	[sflag:s23] =	ssyncset.done $0x0  }
0x18: {  	[sflag:s23] =	ssyncadd.s32 s4;
	_ =	sdelay $0x1  }
0x19: {  	s24 =	simm.s32 $0x1B8B  }
0x1a: {  	_ =	swait.ge [sflag:s24], $0x1  }
0x1b: {  	[sflag:s24] =	ssyncset.done $0x0  }
0x1c: {  	s26 =	simm.s32 $0x1B8E;
	s25 =	sld [smem:$0x3FFE];
	[sflag:s24] =	ssyncadd.s32 $0xFFFFFFFF  }
0x1d: {  	s27 =	simm.s32 $execute0_lowered;
	[smem:$0x3FD2] =	sst s26  }
0x1e: {  	s5 =	sshll.u32 s27, $0x1;
	_ =	strace $0x80000049;
	[dreg:$0x1] =	wrdreg $0xFFFFFFFF  }
0x1f: {  	s28 =	simm.s32 $_size_execute0_lowered;
	s3 =	sadd.s32 s3, s5;
	[dreg:$0x0] =	wrdreg $0x0  }
0x20: {  	s5 =	sshll.u32 s28, $0x1;
	[dreg:$0x2] =	wrdreg s3  }
0x21: {  	[dreg:$0x3] =	wrdreg s5  }
0x22: {  	[dreg:$0x4] =	wrdreg $0xC0  }
0x23: {  	_ =	task [dreg:s7], $0x5FFFF  }
0x24: {  	[dreg:$0x1] =	wrdreg $0xFFFFFFFF  }
0x25: {  	[dreg:$0x0] =	wrdreg $0x60  }
0x26: {  	[dreg:$0x2] =	wrdreg s25  }
0x27: {  	[dreg:$0x3] =	wrdreg s2  }
0x28: {  	[dreg:$0x4] =	wrdreg $0x9  }
0x29: {  	_ =	task.clear_ibuf [dreg:s7], $0x5FFFF;
	_ =	strace $0x90000049  }
0x2a: {  	s29 =	simm.s32 $0x9;
	_ =	strace $0x8000004B  }
0x2b: {  	_ =	swait.ge [sflag:s29], $0x1  }
0x2c: {  	[sflag:s29] =	ssyncadd.s32 $0xFFFFFFFF  }
0x2d: {  	_ =	strace $0x9000004B  }
0x2e: {  	_ =	sfence  }
0x2f: {  	s30 =	sld [smem:$0x0];
	_ =	sdelay $0x2  }
0x30: {  	s31 =	sshll.u32 s1, $0xD;
	s1 =	sshrl.u32 s1, $0x2  }
0x31: {  	s3 =	sand.u32 $0x4000, s31;
	s1 =	sadd.s32 s1, s30  }
0x32: {  	s0 =	sor.u32 s3, s0;
	s1 =	sshll.u32 s1, $0x11  }
0x33: {  	s0 =	sor.u32 s1, s0  }
0x34: {  	s0 =	sadd.s32 $0x8F2B, s0  }
0x35: {  	[sflag:s0] =	ssyncadd.remote.s32 $0x1  }
0x36: {  	_ =	sfence.sel $0xFFFF  }
0x37: {  	[dreg:$0x0] =	wrdreg $0xFFFFFFFF;
	(pc) =	sbr.abs _section_cstart, $3  }
0x38: {  	[dreg:$0x1] =	wrdreg $0xFFFFFFFF  }
0x39: {  	_ =	task.clear_ibuf [dreg:s7], $0x2FFFF;
	_ =	strace $0x9FFFFFFF  }
0x3a: {  	(tm) =	ssettm $0x7FFFFFFF  }
0x3b: {  	_ =	shalt  }
tec
execute0_lowered:
.L_overlay_start_1:
0x0: {  	(tag) =	ssettag $0x1  }
0x1: {  	s0 =	srdreg.scid  }
0x2: {  	s1 =	sshll.u32 s0, $0x4  }
0x3: {  	s0 =	stileid.u32;
	s1 =	sand.u32 $0x10, s1  }
0x4: {  	s1 =	sor.u32 s0, s1  }
0x5: {  	s6 =	rddreg [dreg:$0x0];
	s4 =	simm.s32 $0x1;
	s2 =	sshll.u32 s1, $0x7  }
0x6: {  	s7 =	simm.s32 $0x2;
	s12 =	simm.s32 $0x0;
	s1 =	ssub.s32 $0x1000, s2  }
0x7: {  	s8 =	simm.s32 $0x8000;
	s13 =	simm.s32 $0x0;
	s3 =	sand.u32 $0xF80, s1  }
0x8: {  	s9 =	simm.s32 $0x0;
	s5 =	sshrl.u32 s1, $0xC;
	p0 =	sne.s32 s3, $0x0  }
.Ltmp0:
0x9: {  	s1 =	rddreg [dreg:$0x2];
	s4 =	simm.s32 @!p0 $0x0;
	(pc) =	sbr.rel .LBB1_1-.Ltmp0, $4  }
0xa: {  	s11 =	simm.s32 $0x0;
	s3 =	rddreg [dreg:$0x1];
	s5 =	sadd.s32 s4, s5  }
0xb: {  	_ =	strace $0x8000004A;
	s4 =	simm.s32 $0x1;
	s5 =	smul.u32 $0xC8, s5  }
0xc: {  	s6 =	sadd.s32 $0xA00, s6;
	s10 =	smov.u32 s2;
	[sflag:s4] =	ssyncpa.u1 $0x0  }
0xd: {  	p0 =	por $0x0, $0x0;
	[sflag:s7] =	ssyncpa.u1 $0x0;
	s7 =	sor.u32 $0x1, s5  }
.LBB1_4:
0xe: {  	s16 =	sshll.u32 s13, $0x3;
	s17 =	sand.u32 $0x78, s13  }
0xf: {  	s30 =	sand.u32 $0x7E00, s13;
	s12 =	sshll.u32 s12, $0xF;
	s16 =	sand.u32 $0xC00, s16  }
0x10: {  	[tilespmem:s15+$0x810 ss:$0x81] =	vst.msk $0xffff, v2;
	s31 =	sand.u32 $0x7, s13;
	s16 =	sor.u32 s17, s16;
	s17 =	sadd.s32 s3, s30  }
0x11: {  	[tilespmem:s15+$0x1020 ss:$0x81] =	vst.msk $0xffff, v0;
	s13 =	sshll.u32 s31, $0x12;
	s12 =	sadd.s32 s12, s17;
	s16 =	sshrl.u32 s16, $0x3  }
0x12: {  	[tilespmem:s15+$0x0 ss:$0x81] =	vst.msk $0xffff, v1;
	s13 =	sor.u32 $0x400, s13;
	s12 =	sadd.s32 s16, s12  }
0x13: {  	[hbm4b:s12+s13] =	stream.strided.scatter [tilespmem:s14], [sflag:$0x2], $0x2000, s8, s13, $0x20;
	[tilespmem:$0x8080] =	vst v63  }
.LBB1_5:
0x14: {  	s14 =	sadd.s32 $0x1, s9  }
0x15: {  	s12 =	sadd.s32 $0x1000, s10;
	s16 =	smov.u32 s10;
	p2 =	sgt.s32 s14, $0xC7  }
0x16: {  	s16 =	smov.u32 @p2 s12  }
0x17: {  	s14 =	simm.s32 @p2 $0x0;
	p2 =	sgt.s32 s16, $0xFFF  }
0x18: {  	s16 =	smov.u32 @p2 s2;
	p2 =	sne.s32 s11, s7  }
.Ltmp1:
0x19: {  	p1 =	slt.u32 s11, $0x2;
	(pc) =	sbr.rel @!p2 .LBB1_6-.Ltmp1, $4  }
0x1a: {  	s15 =	simm.s32 @!p1 $0x2  }
0x1b: {  	s13 =	smov.u32 s10;
	p0 =	por !p0, !p0;
	_ =	swait.ge @!p1 [sflag:s15], $0x2000  }
0x1c: {  	s12 =	smov.u32 s9;
	[sflag:s15] =	ssyncset.done @!p1 $0x0;
	s9 =	smov.u32 s14  }
0x1d: {  	s11 =	sadd.s32 $0x1, s11;
	[sflag:s15] =	ssyncadd.s32 @!p1 $0xFFFFE000;
	s10 =	smov.u32 s16  }
.LBB1_1:
0x1e: {  	p1 =	sge.u32 s11, s5  }
0x1f: {  	s14 =	sand.u32 @!p1 $0x1FFFFFF, s9  }
0x20: {  	s15 =	smulhi.u32 @!p1 $0x147AE15, s14;
	_ =	sdelay $0x1  }
0x21: {  	s15 =	smul.u32 @!p1 $0xC8, s15  }
0x22: {  	s16 =	sxor.u32 @!p1 $0xFFFFFFFF, s11;
	s17 =	smul.u32 @!p1 $0xC80, s10  }
0x23: {  	s31 =	sadd.s32 $0xFFFFFFFF, s11;
	s16 =	sshll.u32 @!p1 s16, $0xD;
	s14 =	ssub.s32 @!p1 s14, s15  }
0x24: {  	s15 =	sand.u32 @!p1 $0x2000, s16;
	s16 =	sadd.s32 @!p1 s6, s17;
	s14 =	sshll.u32 @!p1 s14, $0x4  }
0x25: {  	s17 =	simm.s32 @!p1 $0x6400;
	s14 =	sadd.s32 @!p1 s14, s16;
	s16 =	simm.s32 @!p1 $0x40  }
0x26: {  	[tilespmem:s15], [sflag:$0x1] =	stream.strided.gather @!p1 [hbm4b:s14+s16], $0x2000, s17, s16, $0x38;
	[tilespmem:$0x8080] =	vst v63  }
0x27: {  	p1 =	sge.u32 s31, s5  }
.Ltmp2:
0x28: {  	_ = 	snop;
	(pc) =	sbr.rel @p1 .LBB1_5-.Ltmp2, $1  }
0x29: {  	_ =	sdelay $0x3  }
0x2a: {  	s14 =	simm.s32 $0x1  }
0x2b: {  	_ =	swait.ge [sflag:s4], $0x2000;
	s14 =	simm.s32 @!p0 $0x0  }
0x2c: {  	[sflag:s4] =	ssyncset.done $0x0;
	s15 =	sshll.u32 s14, $0xD  }
0x2d: {  	[sflag:s4] =	ssyncadd.s32 $0xFFFFE000;
	s18 =	sor.u32 $0x20, s15  }
0x2e: {  	s14 =	smul.u32 $0x8100, s14;
	v3 =	vld [tilespmem:s18+$0x10]  }
0x2f: {  	s30 =	sand.u32 $0x1, s11;
	v2 =	vld [tilespmem:s18+$0xFFFFFFF0]  }
0x30: {  	s15 =	smul.u32 $0x8100, s30;
	s14 =	sshrl.u32 s14, $0x2;
	v0 =	vld [tilespmem:s18+$0x0]  }
0x31: {  	v1 =	vld [tilespmem:s18+$0xFFFFFFE0];
	s16 =	sor.u32 $0x4000, s14  }
0x32: {  	s31 =	sshrl.u32 s15, $0x2;
	s15 =	sadd.s32 $0x0, s16  }
0x33: {  	s17 =	simm.s32 $0x4;
	s18 =	sadd.s32 $0x40, s18;
	s14 =	sor.u32 $0x4000, s31;
	[tilespmem:s15+$0x1830 ss:$0x81] =	vst.msk $0xffff, v3  }
.LBB1_3:
0x34: {  	v3 =	vld [tilespmem:s18+$0x10];
	p1 =	sne.s32 s17, $0x1FC;
	[tilespmem:s15+$0x810 ss:$0x81] =	vst.msk $0xffff, v2;
	s19 =	smov.u32 s17;
	s17 =	sadd.s32 $0x4, s17  }
.Ltmp3:
0x35: {  	v2 =	vld [tilespmem:s18+$0xFFFFFFF0];
	[tilespmem:s15+$0x1020 ss:$0x81] =	vst.msk $0xffff, v0;
	(pc) =	sbr.rel @p1 .LBB1_3-.Ltmp3, $4  }
0x36: {  	v0 =	vld [tilespmem:s18+$0x0];
	[tilespmem:s15+$0x0 ss:$0x81] =	vst.msk $0xffff, v1  }
0x37: {  	s15 =	sshra.s32 s19, $0x2;
	v1 =	vld [tilespmem:s18+$0xFFFFFFE0]  }
0x38: {  	s15 =	sadd.s32 s15, s16  }
0x39: {  	s18 =	sadd.s32 $0x40, s18;
	[tilespmem:s15+$0x1830 ss:$0x81] =	vst.msk $0xffff, v3  }
.Ltmp4:
0x3a: {  	_ = 	snop;
	(pc) =	sbr.rel .LBB1_4-.Ltmp4, $1  }
0x3b: {  	_ =	sdelay $0x3  }
.LBB1_6:
0x3c: {  	_ =	sfence.sel $0x180000  }
0x3d: {  	s2 =	simm.s32 $0x1;
	[bflag:$0x0] =	sbarrier.arrive $0xFFFF  }
0x3e: {  	s31 =	simm.s32 $0x2;
	[sflag:s2] =	ssyncpa.u1 $0x1  }
0x3f: {  	[sflag:s31] =	ssyncpa.u1 $0x1  }
0x40: {  	p0 =	sne.s32 s0, $0x0;
	_ =	strace $0x9000004A  }
0x41: {  	s0 =	sadd.s32 @!p0 $0x100000, s1;
	[bflag:$0x2] =	sbarrier.arrive $0xFFFF  }
0x42: {  	[sflag:s0] =	ssyncadd.tile.s32 @!p0 $0x1;
	_ =	shalt  }
.Lfunc_end1:
_tile_overlayer_lowered:
.L_overlay_start_2:
0x43: {  	(tag) =	ssettag $0x2  }
0x44: {  	s0 =	rddreg [dreg:$0x0];
	s2 =	stileid.u32  }
0x45: {  	s1 =	rddreg [dreg:$0x1];
	p0 =	sne.s32 s2, $0x0  }
0x46: {  	s3 =	rddreg [dreg:$0x2];
	[bflag:$0x3] =	sbarrier.arrive $0xFFFF;
	s2 =	simm.s32 @!p0 $0x1C01  }
0x47: {  	[timem:s3], [sflag:s2] =	dma.local @!p0 [hbm:s0], s1  }
0x48: {  	s0 =	simm.s32 @!p0 $0x1  }
0x49: {  	_ =	swait.ge @!p0 [sflag:s0], s1  }
0x4a: {  	s1 =	ssub.s32 @!p0 $0x0, s1;
	[sflag:s0] =	ssyncset.done @!p0 $0x0  }
0x4b: {  	[sflag:s0] =	ssyncadd.s32 @!p0 s1  }
0x4c: {  	[bflag:$0x3] =	sbarrier.arrive $0xFFFF  }
0x4d: {  	_ =	shalt  }

</sc_bundles>
